<compile_context>
chip_gen: v7x
topology: tpu7x:2x2x1
jax: 0.10.2.dev20260603
libtpu: 0.0.44.dev20260713+nightly
codegen_flags: <defaults>
</compile_context>

<pallas_src>
import functools

import jax
import jax.numpy as jnp
from jax import lax
from jax.experimental import pallas as pl
from jax.experimental.pallas import tpu as pltpu
from jax.experimental.pallas import tpu_sc as plsc

T, D, F, E, K = 2048, 1024, 2048, 8, 2
A = T * K
TB = 512
LOG_TB = 9
NBLK = 16
NPAD = NBLK * TB
FF = 512
NF = F // FF
TR = 256

NC, NS = 2, 16
NW = NC * NS
ROWS_PER_TILE = NPAD // NW
GCH = 32
TOK_PER_TILE = T // NW
CCH = 32

_SC_PARAMS = pltpu.CompilerParams(needs_layout_passes=False)


@functools.cache
def _sc_mesh():
    return plsc.VectorSubcoreMesh(
        core_axis_name="c", subcore_axis_name="s",
        num_cores=NC, num_subcores=NS)


def _router_body(x_ref, wr_ref, i1_ref, i2_ref, p1_ref, p2_ref):
    x = x_ref[...]
    wr = wr_ref[...]
    scores = jax.lax.dot_general(
        x, wr, (((1,), (1,)), ((), ())), preferred_element_type=jnp.float32)
    iota = jax.lax.broadcasted_iota(jnp.int32, scores.shape, 1)
    m1 = jnp.max(scores, axis=1, keepdims=True)
    i1 = jnp.min(jnp.where(scores == m1, iota, E), axis=1, keepdims=True)
    masked = jnp.where(iota == i1, -jnp.inf, scores)
    m2 = jnp.max(masked, axis=1, keepdims=True)
    i2 = jnp.min(jnp.where(masked == m2, iota, E), axis=1, keepdims=True)
    e21 = jnp.exp(m2 - m1)
    p1_ref[...] = 1.0 / (1.0 + e21)
    p2_ref[...] = e21 / (1.0 + e21)
    i1_ref[...] = i1
    i2_ref[...] = i2


def _router(x, w_router):
    out_shapes = (
        jax.ShapeDtypeStruct((T, 1), jnp.int32),
        jax.ShapeDtypeStruct((T, 1), jnp.int32),
        jax.ShapeDtypeStruct((T, 1), jnp.float32),
        jax.ShapeDtypeStruct((T, 1), jnp.float32),
    )
    o_spec = pl.BlockSpec((TR, 1), lambda i: (i, 0))
    return pl.pallas_call(
        _router_body,
        grid=(T // TR,),
        in_specs=[
            pl.BlockSpec((TR, D), lambda i: (i, 0)),
            pl.BlockSpec((E, D), lambda i: (0, 0)),
        ],
        out_specs=(o_spec, o_spec, o_spec, o_spec),
        out_shape=out_shapes,
    )(x, w_router)


def _route_body(i1_hbm, i2_hbm, p1_hbm, p2_hbm, x_hbm,
                xs_hbm, pp_hbm, pos1_hbm, pos2_hbm, be_hbm, act_hbm, bc_hbm,
                i1_v, i2_v, p1_v, p2_v, dest_v, tok_v, prob_v, be_v, act_v,
                bc_v, cnt_tab, rowbuf, rowbuf2, sem, sem2):
    c = lax.axis_index("c")
    s = lax.axis_index("s")
    wid = s * NC + c
    iota16 = lax.iota(jnp.int32, 16)
    z16i = jnp.zeros((16,), jnp.int32)
    lane15 = jnp.full((16,), 15, jnp.int32)

    def _take16(vec, idx):
        return lax.gather(
            vec, idx[:, None],
            lax.GatherDimensionNumbers(
                offset_dims=(), collapsed_slice_dims=(0,),
                start_index_map=(0,)),
            (1,), mode=lax.GatherScatterMode.PROMISE_IN_BOUNDS)

    def _bcast_last(vec):
        return _take16(vec, lane15)

    pltpu.sync_copy(i1_hbm, i1_v)
    pltpu.sync_copy(i2_hbm, i2_v)

    for e in range(E):
        cnt_tab[pl.ds(e * 16, 16)] = z16i

    def _hstep(i, _):
        qv = iota16 * (T // 16) + i
        for src in (i1_v, i2_v):
            v = plsc.load_gather(src, [qv])
            cidx = v * 16 + iota16
            cc = plsc.load_gather(cnt_tab, [cidx])
            plsc.store_scatter(cnt_tab, [cidx], cc + 1)
        return 0

    lax.fori_loop(0, T // 16, _hstep, 0)

    counts = z16i
    for e in range(E):
        ct = cnt_tab[pl.ds(e * 16, 16)]
        pcs = plsc.cumsum(ct)
        counts = jnp.where(iota16 == e, _bcast_last(pcs), counts)

    nblk = lax.shift_right_logical(counts + (TB - 1), LOG_TB)
    cumblk = plsc.cumsum(nblk)
    pad_start = lax.shift_left(cumblk - nblk, LOG_TB)
    totblk_vec = _take16(cumblk, jnp.full((16,), E - 1, jnp.int32))
    used_rows = lax.shift_left(
        jnp.sum(jnp.where(iota16 == 0, totblk_vec, z16i)), LOG_TB)

    be = z16i
    for e in range(E):
        ce = _take16(cumblk, jnp.full((16,), e, jnp.int32))
        be = be + (iota16 >= ce).astype(jnp.int32)
    last_used = jnp.maximum(totblk_vec - 1, z16i)
    be_clamped = jnp.where(iota16 < totblk_vec, be, _take16(be, last_used))
    active = jnp.where(iota16 < totblk_vec, iota16,
                       jnp.full((16,), -1, jnp.int32))
    be_v[pl.ds(0, 16)] = be_clamped
    act_v[pl.ds(0, 16)] = active
    bc_v[pl.ds(0, 16)] = jnp.where(iota16 < totblk_vec, iota16, last_used)

    for e in range(E):
        ct = cnt_tab[pl.ds(e * 16, 16)]
        excl = plsc.cumsum(ct) - ct
        pse = _take16(pad_start, jnp.full((16,), e, jnp.int32))
        cnt_tab[pl.ds(e * 16, 16)] = pse + excl

    def _zstep(j, _):
        tok_v[pl.ds(j * 16, 16)] = z16i
        prob_v[pl.ds(j * 16, 16)] = jnp.zeros((16,), jnp.float32)
        return 0
    lax.fori_loop(0, NPAD // 16, _zstep, 0)

    pltpu.sync_copy(p1_hbm, p1_v)
    pltpu.sync_copy(p2_hbm, p2_v)

    def _dstep(i, _):
        qv = iota16 * (T // 16) + i
        for qoff, src, psrc in ((0, i1_v, p1_v), (T, i2_v, p2_v)):
            v = plsc.load_gather(src, [qv])
            cidx = v * 16 + iota16
            b = plsc.load_gather(cnt_tab, [cidx])
            plsc.store_scatter(cnt_tab, [cidx], b + 1)
            plsc.store_scatter(dest_v, [qv + qoff], b)
            plsc.store_scatter(tok_v, [b], qv)
            p = plsc.load_gather(psrc, [qv])
            plsc.store_scatter(prob_v, [b], p)
        return 0

    lax.fori_loop(0, T // 16, _dstep, 0)

    @pl.when(wid == 0)
    def _emit_tables():
        pltpu.sync_copy(prob_v, pp_hbm)
        pltpu.sync_copy(dest_v.at[pl.ds(0, T)], pos1_hbm)
        pltpu.sync_copy(dest_v.at[pl.ds(T, T)], pos2_hbm)
        pltpu.sync_copy(be_v, be_hbm)
        pltpu.sync_copy(act_v, act_hbm)
        pltpu.sync_copy(bc_v, bc_hbm)

    base_row = wid * ROWS_PER_TILE
    nch = ROWS_PER_TILE // GCH
    bufs = (rowbuf, rowbuf2)
    sems = (sem, sem2)

    def _fire(ch):
        st = base_row + ch * GCH

        @pl.when(st < used_rows)
        def _f():
            pltpu.async_copy(
                x_hbm.at[tok_v.at[pl.ds(st, GCH)]], bufs[ch % 2], sems[ch % 2])

    _fire(0)
    for ch in range(nch):
        st = base_row + ch * GCH

        @pl.when(st < used_rows)
        def _w(ch=ch, st=st):
            pltpu.make_async_copy(
                x_hbm.at[tok_v.at[pl.ds(st, GCH)]], bufs[ch % 2],
                sems[ch % 2]).wait()
        if ch + 1 < nch:
            _fire(ch + 1)

        @pl.when(st < used_rows)
        def _o(ch=ch, st=st):
            pltpu.sync_copy(bufs[ch % 2], xs_hbm.at[pl.ds(st, GCH)])


def _route_sc(i1, i2, p1, p2, x):
    f = pl.kernel(
        _route_body,
        out_type=(
            jax.ShapeDtypeStruct((NPAD, D), jnp.float32),
            jax.ShapeDtypeStruct((NPAD,), jnp.float32),
            jax.ShapeDtypeStruct((T,), jnp.int32),
            jax.ShapeDtypeStruct((T,), jnp.int32),
            jax.ShapeDtypeStruct((NBLK,), jnp.int32),
            jax.ShapeDtypeStruct((NBLK,), jnp.int32),
            jax.ShapeDtypeStruct((NBLK,), jnp.int32),
        ),
        mesh=_sc_mesh(),
        compiler_params=_SC_PARAMS,
        scratch_types=[
            pltpu.VMEM((T,), jnp.int32),
            pltpu.VMEM((T,), jnp.int32),
            pltpu.VMEM((T,), jnp.float32),
            pltpu.VMEM((T,), jnp.float32),
            pltpu.VMEM((A,), jnp.int32),
            pltpu.VMEM((NPAD,), jnp.int32),
            pltpu.VMEM((NPAD,), jnp.float32),
            pltpu.VMEM((16,), jnp.int32),
            pltpu.VMEM((16,), jnp.int32),
            pltpu.VMEM((16,), jnp.int32),
            pltpu.VMEM((E * 16,), jnp.int32),
            pltpu.VMEM((GCH, D), jnp.float32),
            pltpu.VMEM((GCH, D), jnp.float32),
            pltpu.SemaphoreType.DMA,
            pltpu.SemaphoreType.DMA,
        ],
    )
    return f(i1, i2, p1, p2, x)


def _expert_body(be_ref, act_ref, bc_ref, xs_ref, pr_ref, wg_ref, wu_ref,
                 wd_ref, out_ref):
    b = pl.program_id(0)
    f = pl.program_id(1)

    @pl.when(f == 0)
    def _init():
        out_ref[...] = jnp.zeros_like(out_ref)

    @pl.when(act_ref[b] >= 0)
    def _compute():
        x = xs_ref[...].astype(jnp.bfloat16)
        wg = wg_ref[0].astype(jnp.bfloat16)
        wu = wu_ref[0].astype(jnp.bfloat16)
        g = jax.lax.dot_general(
            x, wg, (((1,), (1,)), ((), ())), preferred_element_type=jnp.float32)
        u = jax.lax.dot_general(
            x, wu, (((1,), (1,)), ((), ())), preferred_element_type=jnp.float32)
        h = (g * jax.nn.sigmoid(g) * u).astype(jnp.bfloat16)
        wd = wd_ref[0].astype(jnp.bfloat16)
        acc = jax.lax.dot_general(
            h, wd, (((1,), (1,)), ((), ())), preferred_element_type=jnp.float32)
        out_ref[...] += acc

    @pl.when(f == NF - 1)
    def _scale():
        out_ref[...] *= pr_ref[0]


def _expert_mm(block_expert, active, bclamp, xs, probs_pad,
               w_gate, w_up, w_down):
    def fz(b, f, ac):
        return jnp.where(ac[b] >= 0, f, NF - 1)

    grid_spec = pltpu.PrefetchScalarGridSpec(
        num_scalar_prefetch=3,
        grid=(NBLK, NF),
        in_specs=[
            pl.BlockSpec((TB, D), lambda b, f, be, ac, bc: (bc[b], 0)),
            pl.BlockSpec((1, TB, 1), lambda b, f, be, ac, bc: (bc[b], 0, 0)),
            pl.BlockSpec(
                (1, FF, D), lambda b, f, be, ac, bc: (be[b], fz(b, f, ac), 0)),
            pl.BlockSpec(
                (1, FF, D), lambda b, f, be, ac, bc: (be[b], fz(b, f, ac), 0)),
            pl.BlockSpec(
                (1, D, FF), lambda b, f, be, ac, bc: (be[b], 0, fz(b, f, ac))),
        ],
        out_specs=pl.BlockSpec((TB, D), lambda b, f, be, ac, bc: (b, 0)),
    )
    return pl.pallas_call(
        _expert_body,
        grid_spec=grid_spec,
        out_shape=jax.ShapeDtypeStruct((NPAD, D), jnp.float32),
        compiler_params=pltpu.CompilerParams(
            dimension_semantics=("arbitrary", "arbitrary")),
    )(block_expert, active, bclamp, xs, probs_pad.reshape(NBLK, TB, 1),
      w_gate, w_up, w_down)


def _combine_body(outs_hbm, pos1_hbm, pos2_hbm, y_hbm,
                  idx1_v, idx2_v, buf1, buf2, sem1, sem2):
    c = lax.axis_index("c")
    s = lax.axis_index("s")
    wid = s * NC + c
    base = wid * TOK_PER_TILE
    pltpu.sync_copy(pos1_hbm.at[pl.ds(base, TOK_PER_TILE)], idx1_v)
    pltpu.sync_copy(pos2_hbm.at[pl.ds(base, TOK_PER_TILE)], idx2_v)
    for ch in range(TOK_PER_TILE // CCH):
        off = ch * CCH
        cp1 = pltpu.async_copy(
            outs_hbm.at[idx1_v.at[pl.ds(off, CCH)]], buf1, sem1)
        cp2 = pltpu.async_copy(
            outs_hbm.at[idx2_v.at[pl.ds(off, CCH)]], buf2, sem2)
        cp1.wait()
        cp2.wait()

        def add_row(i, _):
            def add_sl(j, _):
                for u in range(4):
                    o = pl.ds(j * 64 + u * 16, 16)
                    buf1[i, o] = buf1[i, o] + buf2[i, o]
                return 0
            return lax.fori_loop(0, D // 64, add_sl, 0)

        lax.fori_loop(0, CCH, add_row, 0)
        pltpu.sync_copy(buf1, y_hbm.at[pl.ds(base + off, CCH)])


def _combine_sc(outs, pos1, pos2):
    f = pl.kernel(
        _combine_body,
        out_type=jax.ShapeDtypeStruct((T, D), jnp.float32),
        mesh=_sc_mesh(),
        compiler_params=_SC_PARAMS,
        scratch_types=[
            pltpu.VMEM((TOK_PER_TILE,), jnp.int32),
            pltpu.VMEM((TOK_PER_TILE,), jnp.int32),
            pltpu.VMEM((CCH, D), jnp.float32),
            pltpu.VMEM((CCH, D), jnp.float32),
            pltpu.SemaphoreType.DMA,
            pltpu.SemaphoreType.DMA,
        ],
    )
    return f(outs, pos1, pos2)


def kernel(x, W_router, W_gate, W_up, W_down):
    i1, i2, p1, p2 = _router(x, W_router)
    xs, probs_pad, pos1, pos2, block_expert, active, bclamp = _route_sc(
        i1.reshape(T), i2.reshape(T), p1.reshape(T), p2.reshape(T), x)
    outs = _expert_mm(block_expert, active, bclamp, xs, probs_pad,
                      W_gate, W_up, W_down)
    return _combine_sc(outs, pos1, pos2)

# --- scband reference (transcript-rebuilt; emitter-appended) ---
"""Pipeline reference for scband-mo-emlp-23570780520542 (READ-ONLY COPY).

The authoritative reference and input builder live on the scoring server;
editing this copy changes nothing except your own understanding.
"""

import jax, jax.numpy as jnp
import numpy as np

T, D, F, E, K = 2048, 1024, 2048, 8, 2

def setup_inputs(seed: int = 0) -> dict:
    key = jax.random.key(seed)
    ks = jax.random.split(key, 5)
    def init_w(k, shape, fan_in):
        return (jax.random.uniform(k, shape, dtype=jnp.float32) * 2.0 - 1.0) * (fan_in ** -0.5)
    return {
        "x": jax.random.normal(ks[0], (T, D), dtype=jnp.float32),
        "W_router": init_w(ks[1], (E, D), D),
        "W_gate": init_w(ks[2], (E, F, D), D),
        "W_up": init_w(ks[3], (E, F, D), D),
        "W_down": init_w(ks[4], (E, D, F), F),
    }

def reference(x, W_router, W_gate, W_up, W_down):
    # router
    scores = x @ W_router.T                                   # [T, E]
    topk_scores, topk_idx = jax.lax.top_k(scores, K)          # [T, K]
    topk_probs = jax.nn.softmax(topk_scores, axis=-1)         # [T, K]
    # dense expert computation (all experts on all tokens, as in the torch module)
    h = jax.nn.silu(jnp.einsum('td,efd->tef', x, W_gate)) * jnp.einsum('td,efd->tef', x, W_up)  # [T, E, F]
    expert_out = jnp.einsum('tef,edf->ted', h, W_down)        # [T, E, D]
    # scatter top-k probs into dense gating matrix (top_k indices are unique per row)
    rows = jnp.arange(x.shape[0])[:, None]
    gating = jnp.zeros_like(scores).at[rows, topk_idx].set(topk_probs)  # [T, E]
    y = (gating[..., None] * expert_out).sum(axis=1)          # [T, D]
    return y

if __name__ == "__main__":
    import jax
    _d = setup_inputs()
    print(jax.jit(kernel)(*tuple(_d.values())))

</pallas_src>

<mosaic_0001>
#map = affine_map<(d0, d1) -> (0, 0)>
#map1 = affine_map<(d0, d1) -> (0)>
module attributes {stable_mosaic.version = 14 : i64} {
  func.func @_combine_body(%arg0: i32, %arg1: i32, %arg2: memref<8192x1024xf32, #tpu.memory_space<hbm>>, %arg3: memref<2048xi32, #tpu.memory_space<hbm>>, %arg4: memref<2048xi32, #tpu.memory_space<hbm>>, %arg5: memref<2048x1024xf32, #tpu.memory_space<hbm>>, %arg6: memref<64xi32, #tpu.memory_space<vmem>>, %arg7: memref<64xi32, #tpu.memory_space<vmem>>, %arg8: memref<32x1024xf32, #tpu.memory_space<vmem>>, %arg9: memref<32x1024xf32, #tpu.memory_space<vmem>>, %arg10: memref<!tpu.dma_semaphore, #tpu.memory_space<semaphore_mem>>, %arg11: memref<!tpu.dma_semaphore, #tpu.memory_space<semaphore_mem>>) attributes {dimension_semantics = [#tpu.dimension_semantics<core_parallel>, #tpu.dimension_semantics<subcore_parallel>], iteration_bounds = array<i64: 2, 16>, scalar_prefetch = 0 : i64, scratch_operands = 6 : i64, tpu.core_type = #tpu.core_type<sc_vector_subcore>, window_params = [{transform_indices = #map}, {transform_indices = #map1}, {transform_indices = #map1}, {transform_indices = #map}]} {
    %mul3A = arith.constant 2 : i32
    %mul3A_0 = arith.muli %arg1, %mul3A : i32
    %add3A = arith.addi %mul3A_0, %arg0 : i32
    %mul3A_1 = arith.constant 64 : i32
    %mul3A_2 = arith.muli %add3A, %mul3A_1 : i32
    "tpu.region"() ({
      %run_scoped3A = tpu.sem_alloc : memref<!tpu.dma_semaphore, #tpu.memory_space<semaphore_mem>>
      %dma_start3A_58 = tpu.memref_slice %arg3[%mul3A_2] : memref<2048xi32, #tpu.memory_space<hbm>> -> memref<64xi32, #tpu.memory_space<hbm>>
      %dma_start3A_59 = tpu.memref_slice %arg3[%mul3A_2] : memref<2048xi32, #tpu.memory_space<hbm>> -> memref<64xi32, #tpu.memory_space<hbm>>
      tpu.enqueue_dma source(%dma_start3A_59 : memref<64xi32, #tpu.memory_space<hbm>>) target(%arg6 : memref<64xi32, #tpu.memory_space<vmem>>) target_semaphore(%run_scoped3A : memref<!tpu.dma_semaphore, #tpu.memory_space<semaphore_mem>>)
      %dma_wait3A_60 = tpu.memref_slice %arg3[%mul3A_2] : memref<2048xi32, #tpu.memory_space<hbm>> -> memref<64xi32, #tpu.memory_space<hbm>>
      %dma_wait3A_61 = tpu.memref_slice %arg3[%mul3A_2] : memref<2048xi32, #tpu.memory_space<hbm>> -> memref<64xi32, #tpu.memory_space<hbm>>
      tpu.wait_dma2 semaphore(%run_scoped3A : memref<!tpu.dma_semaphore, #tpu.memory_space<semaphore_mem>>) src(%dma_wait3A_61 : memref<64xi32, #tpu.memory_space<hbm>>) dst(%arg6 : memref<64xi32, #tpu.memory_space<vmem>>)
      tpu.yield
    }) : () -> ()
    "tpu.region"() ({
      %run_scoped3A = tpu.sem_alloc : memref<!tpu.dma_semaphore, #tpu.memory_space<semaphore_mem>>
      %dma_start3A_58 = tpu.memref_slice %arg4[%mul3A_2] : memref<2048xi32, #tpu.memory_space<hbm>> -> memref<64xi32, #tpu.memory_space<hbm>>
      %dma_start3A_59 = tpu.memref_slice %arg4[%mul3A_2] : memref<2048xi32, #tpu.memory_space<hbm>> -> memref<64xi32, #tpu.memory_space<hbm>>
      tpu.enqueue_dma source(%dma_start3A_59 : memref<64xi32, #tpu.memory_space<hbm>>) target(%arg7 : memref<64xi32, #tpu.memory_space<vmem>>) target_semaphore(%run_scoped3A : memref<!tpu.dma_semaphore, #tpu.memory_space<semaphore_mem>>)
      %dma_wait3A_60 = tpu.memref_slice %arg4[%mul3A_2] : memref<2048xi32, #tpu.memory_space<hbm>> -> memref<64xi32, #tpu.memory_space<hbm>>
      %dma_wait3A_61 = tpu.memref_slice %arg4[%mul3A_2] : memref<2048xi32, #tpu.memory_space<hbm>> -> memref<64xi32, #tpu.memory_space<hbm>>
      tpu.wait_dma2 semaphore(%run_scoped3A : memref<!tpu.dma_semaphore, #tpu.memory_space<semaphore_mem>>) src(%dma_wait3A_61 : memref<64xi32, #tpu.memory_space<hbm>>) dst(%arg7 : memref<64xi32, #tpu.memory_space<vmem>>)
      tpu.yield
    }) : () -> ()
    %dma_start3A = arith.constant 0 : i32
    %dma_start3A_3 = tpu.memref_slice %arg6[%dma_start3A] : memref<64xi32, #tpu.memory_space<vmem>> -> memref<32xi32, #tpu.memory_space<vmem>>
    %dma_start3A_4 = arith.constant 0 : i32
    %dma_start3A_5 = arith.constant 0 : i32
    %dma_start3A_6 = tpu.memref_slice %arg2[%dma_start3A_4, %dma_start3A_5] : memref<8192x1024xf32, #tpu.memory_space<hbm>> -> memref<8192x1024xf32, #tpu.memory_space<hbm>>
    tpu.enqueue_indirect_dma source(%dma_start3A_6 : memref<8192x1024xf32, #tpu.memory_space<hbm>>) target(%arg8 : memref<32x1024xf32, #tpu.memory_space<vmem>>) offsets(%dma_start3A_3 : memref<32xi32, #tpu.memory_space<vmem>>) semaphore(%arg10 : memref<!tpu.dma_semaphore, #tpu.memory_space<semaphore_mem>>)
    %dma_start3A_7 = arith.constant 0 : i32
    %dma_start3A_8 = tpu.memref_slice %arg7[%dma_start3A_7] : memref<64xi32, #tpu.memory_space<vmem>> -> memref<32xi32, #tpu.memory_space<vmem>>
    %dma_start3A_9 = arith.constant 0 : i32
    %dma_start3A_10 = arith.constant 0 : i32
    %dma_start3A_11 = tpu.memref_slice %arg2[%dma_start3A_9, %dma_start3A_10] : memref<8192x1024xf32, #tpu.memory_space<hbm>> -> memref<8192x1024xf32, #tpu.memory_space<hbm>>
    tpu.enqueue_indirect_dma source(%dma_start3A_11 : memref<8192x1024xf32, #tpu.memory_space<hbm>>) target(%arg9 : memref<32x1024xf32, #tpu.memory_space<vmem>>) offsets(%dma_start3A_8 : memref<32xi32, #tpu.memory_space<vmem>>) semaphore(%arg11 : memref<!tpu.dma_semaphore, #tpu.memory_space<semaphore_mem>>)
    %dma_wait3A = arith.constant 0 : i32
    %dma_wait3A_12 = tpu.memref_slice %arg6[%dma_wait3A] : memref<64xi32, #tpu.memory_space<vmem>> -> memref<32xi32, #tpu.memory_space<vmem>>
    %dma_wait3A_13 = arith.constant 0 : i32
    %dma_wait3A_14 = arith.constant 0 : i32
    %dma_wait3A_15 = tpu.memref_slice %arg2[%dma_wait3A_13, %dma_wait3A_14] : memref<8192x1024xf32, #tpu.memory_space<hbm>> -> memref<8192x1024xf32, #tpu.memory_space<hbm>>
    tpu.wait_indirect_dma semaphore(%arg10 : memref<!tpu.dma_semaphore, #tpu.memory_space<semaphore_mem>>) src(%dma_wait3A_15 : memref<8192x1024xf32, #tpu.memory_space<hbm>>) dst(%arg8 : memref<32x1024xf32, #tpu.memory_space<vmem>>)
    %dma_wait3A_16 = arith.constant 0 : i32
    %dma_wait3A_17 = tpu.memref_slice %arg7[%dma_wait3A_16] : memref<64xi32, #tpu.memory_space<vmem>> -> memref<32xi32, #tpu.memory_space<vmem>>
    %dma_wait3A_18 = arith.constant 0 : i32
    %dma_wait3A_19 = arith.constant 0 : i32
    %dma_wait3A_20 = tpu.memref_slice %arg2[%dma_wait3A_18, %dma_wait3A_19] : memref<8192x1024xf32, #tpu.memory_space<hbm>> -> memref<8192x1024xf32, #tpu.memory_space<hbm>>
    tpu.wait_indirect_dma semaphore(%arg11 : memref<!tpu.dma_semaphore, #tpu.memory_space<semaphore_mem>>) src(%dma_wait3A_20 : memref<8192x1024xf32, #tpu.memory_space<hbm>>) dst(%arg9 : memref<32x1024xf32, #tpu.memory_space<vmem>>)
    %scan3A = arith.constant 0 : i32
    %scan3A_21 = arith.constant 0 : i32
    %scan3A_22 = arith.constant 32 : i32
    %scan3A_23 = arith.addi %scan3A_21, %scan3A_22 : i32
    %scan3A_24 = arith.constant 1 : i32
    %scan3A_25 = scf.for %scan3A_58 = %scan3A_21 to %scan3A_23 step %scan3A_24 iter_args(%scan3A_59 = %scan3A) -> (i32)  : i32 {
      %scan3A_60 = arith.constant 0 : i32
      %scan3A_61 = arith.constant 0 : i32
      %scan3A_62 = arith.constant 16 : i32
      %scan3A_63 = arith.addi %scan3A_61, %scan3A_62 : i32
      %scan3A_64 = arith.constant 1 : i32
      %scan3A_65 = scf.for %scan3A_67 = %scan3A_61 to %scan3A_63 step %scan3A_64 iter_args(%scan3A_68 = %scan3A_60) -> (i32)  : i32 {
        %mul3A_69 = arith.constant 64 : i32
        %mul3A_70 = arith.muli %scan3A_67, %mul3A_69 : i32
        %add3A_71 = arith.constant 0 : i32
        %add3A_72 = arith.addi %mul3A_70, %add3A_71 : i32
        %get3A = arith.index_cast %scan3A_58 : i32 to index
        %get3A_73 = arith.index_cast %add3A_72 : i32 to index
        %get3A_74 = tpu.vector_load %arg8[%get3A, %get3A_73] {strides = array<i32>} : memref<32x1024xf32, #tpu.memory_space<vmem>>, vector<16xf32>,
        %get3A_75 = arith.index_cast %scan3A_58 : i32 to index
        %get3A_76 = arith.index_cast %add3A_72 : i32 to index
        %get3A_77 = tpu.vector_load %arg9[%get3A_75, %get3A_76] {strides = array<i32>} : memref<32x1024xf32, #tpu.memory_space<vmem>>, vector<16xf32>,
        %add3A_78 = arith.addf %get3A_74, %get3A_77 : vector<16xf32>
        %swap3A = arith.index_cast %scan3A_58 : i32 to index
        %swap3A_79 = arith.index_cast %add3A_72 : i32 to index
        %swap3A_80 = tpu.vector_load %arg8[%swap3A, %swap3A_79] {strides = array<i32>} : memref<32x1024xf32, #tpu.memory_space<vmem>>, vector<16xf32>,
        tpu.vector_store %arg8[%swap3A, %swap3A_79], %add3A_78 {strides = array<i32>} : memref<32x1024xf32, #tpu.memory_space<vmem>>, vector<16xf32>,
        %mul3A_81 = arith.constant 64 : i32
        %mul3A_82 = arith.muli %scan3A_67, %mul3A_81 : i32
        %add3A_83 = arith.constant 16 : i32
        %add3A_84 = arith.addi %mul3A_82, %add3A_83 : i32
        %get3A_85 = arith.index_cast %scan3A_58 : i32 to index
        %get3A_86 = arith.index_cast %add3A_84 : i32 to index
        %get3A_87 = tpu.vector_load %arg8[%get3A_85, %get3A_86] {strides = array<i32>} : memref<32x1024xf32, #tpu.memory_space<vmem>>, vector<16xf32>,
        %get3A_88 = arith.index_cast %scan3A_58 : i32 to index
        %get3A_89 = arith.index_cast %add3A_84 : i32 to index
        %get3A_90 = tpu.vector_load %arg9[%get3A_88, %get3A_89] {strides = array<i32>} : memref<32x1024xf32, #tpu.memory_space<vmem>>, vector<16xf32>,
        %add3A_91 = arith.addf %get3A_87, %get3A_90 : vector<16xf32>
        %swap3A_92 = arith.index_cast %scan3A_58 : i32 to index
        %swap3A_93 = arith.index_cast %add3A_84 : i32 to index
        %swap3A_94 = tpu.vector_load %arg8[%swap3A_92, %swap3A_93] {strides = array<i32>} : memref<32x1024xf32, #tpu.memory_space<vmem>>, vector<16xf32>,
        tpu.vector_store %arg8[%swap3A_92, %swap3A_93], %add3A_91 {strides = array<i32>} : memref<32x1024xf32, #tpu.memory_space<vmem>>, vector<16xf32>,
        %mul3A_95 = arith.constant 64 : i32
        %mul3A_96 = arith.muli %scan3A_67, %mul3A_95 : i32
        %add3A_97 = arith.constant 32 : i32
        %add3A_98 = arith.addi %mul3A_96, %add3A_97 : i32
        %get3A_99 = arith.index_cast %scan3A_58 : i32 to index
        %get3A_100 = arith.index_cast %add3A_98 : i32 to index
        %get3A_101 = tpu.vector_load %arg8[%get3A_99, %get3A_100] {strides = array<i32>} : memref<32x1024xf32, #tpu.memory_space<vmem>>, vector<16xf32>,
        %get3A_102 = arith.index_cast %scan3A_58 : i32 to index
        %get3A_103 = arith.index_cast %add3A_98 : i32 to index
        %get3A_104 = tpu.vector_load %arg9[%get3A_102, %get3A_103] {strides = array<i32>} : memref<32x1024xf32, #tpu.memory_space<vmem>>, vector<16xf32>,
        %add3A_105 = arith.addf %get3A_101, %get3A_104 : vector<16xf32>
        %swap3A_106 = arith.index_cast %scan3A_58 : i32 to index
        %swap3A_107 = arith.index_cast %add3A_98 : i32 to index
        %swap3A_108 = tpu.vector_load %arg8[%swap3A_106, %swap3A_107] {strides = array<i32>} : memref<32x1024xf32, #tpu.memory_space<vmem>>, vector<16xf32>,
        tpu.vector_store %arg8[%swap3A_106, %swap3A_107], %add3A_105 {strides = array<i32>} : memref<32x1024xf32, #tpu.memory_space<vmem>>, vector<16xf32>,
        %mul3A_109 = arith.constant 64 : i32
        %mul3A_110 = arith.muli %scan3A_67, %mul3A_109 : i32
        %add3A_111 = arith.constant 48 : i32
        %add3A_112 = arith.addi %mul3A_110, %add3A_111 : i32
        %get3A_113 = arith.index_cast %scan3A_58 : i32 to index
        %get3A_114 = arith.index_cast %add3A_112 : i32 to index
        %get3A_115 = tpu.vector_load %arg8[%get3A_113, %get3A_114] {strides = array<i32>} : memref<32x1024xf32, #tpu.memory_space<vmem>>, vector<16xf32>,
        %get3A_116 = arith.index_cast %scan3A_58 : i32 to index
        %get3A_117 = arith.index_cast %add3A_112 : i32 to index
        %get3A_118 = tpu.vector_load %arg9[%get3A_116, %get3A_117] {strides = array<i32>} : memref<32x1024xf32, #tpu.memory_space<vmem>>, vector<16xf32>,
        %add3A_119 = arith.addf %get3A_115, %get3A_118 : vector<16xf32>
        %swap3A_120 = arith.index_cast %scan3A_58 : i32 to index
        %swap3A_121 = arith.index_cast %add3A_112 : i32 to index
        %swap3A_122 = tpu.vector_load %arg8[%swap3A_120, %swap3A_121] {strides = array<i32>} : memref<32x1024xf32, #tpu.memory_space<vmem>>, vector<16xf32>,
        tpu.vector_store %arg8[%swap3A_120, %swap3A_121], %add3A_119 {strides = array<i32>} : memref<32x1024xf32, #tpu.memory_space<vmem>>, vector<16xf32>,
        %scan3A_123 = arith.constant 0 : i32
        scf.yield %scan3A_123 : i32
      }
      %scan3A_66 = arith.constant 16 : i32
      scf.yield %scan3A_65 : i32
    }
    %scan3A_26 = arith.constant 32 : i32
    %add3A_27 = arith.constant 0 : i32
    %add3A_28 = arith.addi %mul3A_2, %add3A_27 : i32
    "tpu.region"() ({
      %run_scoped3A = tpu.sem_alloc : memref<!tpu.dma_semaphore, #tpu.memory_space<semaphore_mem>>
      %dma_start3A_58 = arith.constant 0 : i32
      %dma_start3A_59 = tpu.memref_slice %arg5[%add3A_28, %dma_start3A_58] : memref<2048x1024xf32, #tpu.memory_space<hbm>> -> memref<32x1024xf32, #tpu.memory_space<hbm>>
      %dma_start3A_60 = arith.constant 0 : i32
      %dma_start3A_61 = tpu.memref_slice %arg5[%add3A_28, %dma_start3A_60] : memref<2048x1024xf32, #tpu.memory_space<hbm>> -> memref<32x1024xf32, #tpu.memory_space<hbm>>
      tpu.enqueue_dma source(%arg8 : memref<32x1024xf32, #tpu.memory_space<vmem>>) target(%dma_start3A_61 : memref<32x1024xf32, #tpu.memory_space<hbm>>) target_semaphore(%run_scoped3A : memref<!tpu.dma_semaphore, #tpu.memory_space<semaphore_mem>>)
      %dma_wait3A_62 = arith.constant 0 : i32
      %dma_wait3A_63 = tpu.memref_slice %arg5[%add3A_28, %dma_wait3A_62] : memref<2048x1024xf32, #tpu.memory_space<hbm>> -> memref<32x1024xf32, #tpu.memory_space<hbm>>
      %dma_wait3A_64 = arith.constant 0 : i32
      %dma_wait3A_65 = tpu.memref_slice %arg5[%add3A_28, %dma_wait3A_64] : memref<2048x1024xf32, #tpu.memory_space<hbm>> -> memref<32x1024xf32, #tpu.memory_space<hbm>>
      tpu.wait_dma2 semaphore(%run_scoped3A : memref<!tpu.dma_semaphore, #tpu.memory_space<semaphore_mem>>) src(%arg8 : memref<32x1024xf32, #tpu.memory_space<vmem>>) dst(%dma_wait3A_65 : memref<32x1024xf32, #tpu.memory_space<hbm>>)
      tpu.yield
    }) : () -> ()
    %dma_start3A_29 = arith.constant 32 : i32
    %dma_start3A_30 = tpu.memref_slice %arg6[%dma_start3A_29] : memref<64xi32, #tpu.memory_space<vmem>> -> memref<32xi32, #tpu.memory_space<vmem>>
    %dma_start3A_31 = arith.constant 0 : i32
    %dma_start3A_32 = arith.constant 0 : i32
    %dma_start3A_33 = tpu.memref_slice %arg2[%dma_start3A_31, %dma_start3A_32] : memref<8192x1024xf32, #tpu.memory_space<hbm>> -> memref<8192x1024xf32, #tpu.memory_space<hbm>>
    tpu.enqueue_indirect_dma source(%dma_start3A_33 : memref<8192x1024xf32, #tpu.memory_space<hbm>>) target(%arg8 : memref<32x1024xf32, #tpu.memory_space<vmem>>) offsets(%dma_start3A_30 : memref<32xi32, #tpu.memory_space<vmem>>) semaphore(%arg10 : memref<!tpu.dma_semaphore, #tpu.memory_space<semaphore_mem>>)
    %dma_start3A_34 = arith.constant 32 : i32
    %dma_start3A_35 = tpu.memref_slice %arg7[%dma_start3A_34] : memref<64xi32, #tpu.memory_space<vmem>> -> memref<32xi32, #tpu.memory_space<vmem>>
    %dma_start3A_36 = arith.constant 0 : i32
    %dma_start3A_37 = arith.constant 0 : i32
    %dma_start3A_38 = tpu.memref_slice %arg2[%dma_start3A_36, %dma_start3A_37] : memref<8192x1024xf32, #tpu.memory_space<hbm>> -> memref<8192x1024xf32, #tpu.memory_space<hbm>>
    tpu.enqueue_indirect_dma source(%dma_start3A_38 : memref<8192x1024xf32, #tpu.memory_space<hbm>>) target(%arg9 : memref<32x1024xf32, #tpu.memory_space<vmem>>) offsets(%dma_start3A_35 : memref<32xi32, #tpu.memory_space<vmem>>) semaphore(%arg11 : memref<!tpu.dma_semaphore, #tpu.memory_space<semaphore_mem>>)
    %dma_wait3A_39 = arith.constant 32 : i32
    %dma_wait3A_40 = tpu.memref_slice %arg6[%dma_wait3A_39] : memref<64xi32, #tpu.memory_space<vmem>> -> memref<32xi32, #tpu.memory_space<vmem>>
    %dma_wait3A_41 = arith.constant 0 : i32
    %dma_wait3A_42 = arith.constant 0 : i32
    %dma_wait3A_43 = tpu.memref_slice %arg2[%dma_wait3A_41, %dma_wait3A_42] : memref<8192x1024xf32, #tpu.memory_space<hbm>> -> memref<8192x1024xf32, #tpu.memory_space<hbm>>
    tpu.wait_indirect_dma semaphore(%arg10 : memref<!tpu.dma_semaphore, #tpu.memory_space<semaphore_mem>>) src(%dma_wait3A_43 : memref<8192x1024xf32, #tpu.memory_space<hbm>>) dst(%arg8 : memref<32x1024xf32, #tpu.memory_space<vmem>>)
    %dma_wait3A_44 = arith.constant 32 : i32
    %dma_wait3A_45 = tpu.memref_slice %arg7[%dma_wait3A_44] : memref<64xi32, #tpu.memory_space<vmem>> -> memref<32xi32, #tpu.memory_space<vmem>>
    %dma_wait3A_46 = arith.constant 0 : i32
    %dma_wait3A_47 = arith.constant 0 : i32
    %dma_wait3A_48 = tpu.memref_slice %arg2[%dma_wait3A_46, %dma_wait3A_47] : memref<8192x1024xf32, #tpu.memory_space<hbm>> -> memref<8192x1024xf32, #tpu.memory_space<hbm>>
    tpu.wait_indirect_dma semaphore(%arg11 : memref<!tpu.dma_semaphore, #tpu.memory_space<semaphore_mem>>) src(%dma_wait3A_48 : memref<8192x1024xf32, #tpu.memory_space<hbm>>) dst(%arg9 : memref<32x1024xf32, #tpu.memory_space<vmem>>)
    %scan3A_49 = arith.constant 0 : i32
    %scan3A_50 = arith.constant 0 : i32
    %scan3A_51 = arith.constant 32 : i32
    %scan3A_52 = arith.addi %scan3A_50, %scan3A_51 : i32
    %scan3A_53 = arith.constant 1 : i32
    %scan3A_54 = scf.for %scan3A_58 = %scan3A_50 to %scan3A_52 step %scan3A_53 iter_args(%scan3A_59 = %scan3A_49) -> (i32)  : i32 {
      %scan3A_60 = arith.constant 0 : i32
      %scan3A_61 = arith.constant 0 : i32
      %scan3A_62 = arith.constant 16 : i32
      %scan3A_63 = arith.addi %scan3A_61, %scan3A_62 : i32
      %scan3A_64 = arith.constant 1 : i32
      %scan3A_65 = scf.for %scan3A_67 = %scan3A_61 to %scan3A_63 step %scan3A_64 iter_args(%scan3A_68 = %scan3A_60) -> (i32)  : i32 {
        %mul3A_69 = arith.constant 64 : i32
        %mul3A_70 = arith.muli %scan3A_67, %mul3A_69 : i32
        %add3A_71 = arith.constant 0 : i32
        %add3A_72 = arith.addi %mul3A_70, %add3A_71 : i32
        %get3A = arith.index_cast %scan3A_58 : i32 to index
        %get3A_73 = arith.index_cast %add3A_72 : i32 to index
        %get3A_74 = tpu.vector_load %arg8[%get3A, %get3A_73] {strides = array<i32>} : memref<32x1024xf32, #tpu.memory_space<vmem>>, vector<16xf32>,
        %get3A_75 = arith.index_cast %scan3A_58 : i32 to index
        %get3A_76 = arith.index_cast %add3A_72 : i32 to index
        %get3A_77 = tpu.vector_load %arg9[%get3A_75, %get3A_76] {strides = array<i32>} : memref<32x1024xf32, #tpu.memory_space<vmem>>, vector<16xf32>,
        %add3A_78 = arith.addf %get3A_74, %get3A_77 : vector<16xf32>
        %swap3A = arith.index_cast %scan3A_58 : i32 to index
        %swap3A_79 = arith.index_cast %add3A_72 : i32 to index
        %swap3A_80 = tpu.vector_load %arg8[%swap3A, %swap3A_79] {strides = array<i32>} : memref<32x1024xf32, #tpu.memory_space<vmem>>, vector<16xf32>,
        tpu.vector_store %arg8[%swap3A, %swap3A_79], %add3A_78 {strides = array<i32>} : memref<32x1024xf32, #tpu.memory_space<vmem>>, vector<16xf32>,
        %mul3A_81 = arith.constant 64 : i32
        %mul3A_82 = arith.muli %scan3A_67, %mul3A_81 : i32
        %add3A_83 = arith.constant 16 : i32
        %add3A_84 = arith.addi %mul3A_82, %add3A_83 : i32
        %get3A_85 = arith.index_cast %scan3A_58 : i32 to index
        %get3A_86 = arith.index_cast %add3A_84 : i32 to index
        %get3A_87 = tpu.vector_load %arg8[%get3A_85, %get3A_86] {strides = array<i32>} : memref<32x1024xf32, #tpu.memory_space<vmem>>, vector<16xf32>,
        %get3A_88 = arith.index_cast %scan3A_58 : i32 to index
        %get3A_89 = arith.index_cast %add3A_84 : i32 to index
        %get3A_90 = tpu.vector_load %arg9[%get3A_88, %get3A_89] {strides = array<i32>} : memref<32x1024xf32, #tpu.memory_space<vmem>>, vector<16xf32>,
        %add3A_91 = arith.addf %get3A_87, %get3A_90 : vector<16xf32>
        %swap3A_92 = arith.index_cast %scan3A_58 : i32 to index
        %swap3A_93 = arith.index_cast %add3A_84 : i32 to index
        %swap3A_94 = tpu.vector_load %arg8[%swap3A_92, %swap3A_93] {strides = array<i32>} : memref<32x1024xf32, #tpu.memory_space<vmem>>, vector<16xf32>,
        tpu.vector_store %arg8[%swap3A_92, %swap3A_93], %add3A_91 {strides = array<i32>} : memref<32x1024xf32, #tpu.memory_space<vmem>>, vector<16xf32>,
        %mul3A_95 = arith.constant 64 : i32
        %mul3A_96 = arith.muli %scan3A_67, %mul3A_95 : i32
        %add3A_97 = arith.constant 32 : i32
        %add3A_98 = arith.addi %mul3A_96, %add3A_97 : i32
        %get3A_99 = arith.index_cast %scan3A_58 : i32 to index
        %get3A_100 = arith.index_cast %add3A_98 : i32 to index
        %get3A_101 = tpu.vector_load %arg8[%get3A_99, %get3A_100] {strides = array<i32>} : memref<32x1024xf32, #tpu.memory_space<vmem>>, vector<16xf32>,
        %get3A_102 = arith.index_cast %scan3A_58 : i32 to index
        %get3A_103 = arith.index_cast %add3A_98 : i32 to index
        %get3A_104 = tpu.vector_load %arg9[%get3A_102, %get3A_103] {strides = array<i32>} : memref<32x1024xf32, #tpu.memory_space<vmem>>, vector<16xf32>,
        %add3A_105 = arith.addf %get3A_101, %get3A_104 : vector<16xf32>
        %swap3A_106 = arith.index_cast %scan3A_58 : i32 to index
        %swap3A_107 = arith.index_cast %add3A_98 : i32 to index
        %swap3A_108 = tpu.vector_load %arg8[%swap3A_106, %swap3A_107] {strides = array<i32>} : memref<32x1024xf32, #tpu.memory_space<vmem>>, vector<16xf32>,
        tpu.vector_store %arg8[%swap3A_106, %swap3A_107], %add3A_105 {strides = array<i32>} : memref<32x1024xf32, #tpu.memory_space<vmem>>, vector<16xf32>,
        %mul3A_109 = arith.constant 64 : i32
        %mul3A_110 = arith.muli %scan3A_67, %mul3A_109 : i32
        %add3A_111 = arith.constant 48 : i32
        %add3A_112 = arith.addi %mul3A_110, %add3A_111 : i32
        %get3A_113 = arith.index_cast %scan3A_58 : i32 to index
        %get3A_114 = arith.index_cast %add3A_112 : i32 to index
        %get3A_115 = tpu.vector_load %arg8[%get3A_113, %get3A_114] {strides = array<i32>} : memref<32x1024xf32, #tpu.memory_space<vmem>>, vector<16xf32>,
        %get3A_116 = arith.index_cast %scan3A_58 : i32 to index
        %get3A_117 = arith.index_cast %add3A_112 : i32 to index
        %get3A_118 = tpu.vector_load %arg9[%get3A_116, %get3A_117] {strides = array<i32>} : memref<32x1024xf32, #tpu.memory_space<vmem>>, vector<16xf32>,
        %add3A_119 = arith.addf %get3A_115, %get3A_118 : vector<16xf32>
        %swap3A_120 = arith.index_cast %scan3A_58 : i32 to index
        %swap3A_121 = arith.index_cast %add3A_112 : i32 to index
        %swap3A_122 = tpu.vector_load %arg8[%swap3A_120, %swap3A_121] {strides = array<i32>} : memref<32x1024xf32, #tpu.memory_space<vmem>>, vector<16xf32>,
        tpu.vector_store %arg8[%swap3A_120, %swap3A_121], %add3A_119 {strides = array<i32>} : memref<32x1024xf32, #tpu.memory_space<vmem>>, vector<16xf32>,
        %scan3A_123 = arith.constant 0 : i32
        scf.yield %scan3A_123 : i32
      }
      %scan3A_66 = arith.constant 16 : i32
      scf.yield %scan3A_65 : i32
    }
    %scan3A_55 = arith.constant 32 : i32
    %add3A_56 = arith.constant 32 : i32
    %add3A_57 = arith.addi %mul3A_2, %add3A_56 : i32
    "tpu.region"() ({
      %run_scoped3A = tpu.sem_alloc : memref<!tpu.dma_semaphore, #tpu.memory_space<semaphore_mem>>
      %dma_start3A_58 = arith.constant 0 : i32
      %dma_start3A_59 = tpu.memref_slice %arg5[%add3A_57, %dma_start3A_58] : memref<2048x1024xf32, #tpu.memory_space<hbm>> -> memref<32x1024xf32, #tpu.memory_space<hbm>>
      %dma_start3A_60 = arith.constant 0 : i32
      %dma_start3A_61 = tpu.memref_slice %arg5[%add3A_57, %dma_start3A_60] : memref<2048x1024xf32, #tpu.memory_space<hbm>> -> memref<32x1024xf32, #tpu.memory_space<hbm>>
      tpu.enqueue_dma source(%arg8 : memref<32x1024xf32, #tpu.memory_space<vmem>>) target(%dma_start3A_61 : memref<32x1024xf32, #tpu.memory_space<hbm>>) target_semaphore(%run_scoped3A : memref<!tpu.dma_semaphore, #tpu.memory_space<semaphore_mem>>)
      %dma_wait3A_62 = arith.constant 0 : i32
      %dma_wait3A_63 = tpu.memref_slice %arg5[%add3A_57, %dma_wait3A_62] : memref<2048x1024xf32, #tpu.memory_space<hbm>> -> memref<32x1024xf32, #tpu.memory_space<hbm>>
      %dma_wait3A_64 = arith.constant 0 : i32
      %dma_wait3A_65 = tpu.memref_slice %arg5[%add3A_57, %dma_wait3A_64] : memref<2048x1024xf32, #tpu.memory_space<hbm>> -> memref<32x1024xf32, #tpu.memory_space<hbm>>
      tpu.wait_dma2 semaphore(%run_scoped3A : memref<!tpu.dma_semaphore, #tpu.memory_space<semaphore_mem>>) src(%arg8 : memref<32x1024xf32, #tpu.memory_space<vmem>>) dst(%dma_wait3A_65 : memref<32x1024xf32, #tpu.memory_space<hbm>>)
      tpu.yield
    }) : () -> ()
    return
  }
}

#map = affine_map<(d0, d1) -> (0)>
#map1 = affine_map<(d0, d1) -> (0, 0)>
module attributes {stable_mosaic.version = 14 : i64} {
  func.func @_route_body(%arg0: i32, %arg1: i32, %arg2: memref<2048xi32, #tpu.memory_space<hbm>>, %arg3: memref<2048xi32, #tpu.memory_space<hbm>>, %arg4: memref<2048xf32, #tpu.memory_space<hbm>>, %arg5: memref<2048xf32, #tpu.memory_space<hbm>>, %arg6: memref<2048x1024xf32, #tpu.memory_space<hbm>>, %arg7: memref<8192x1024xf32, #tpu.memory_space<hbm>>, %arg8: memref<8192xf32, #tpu.memory_space<hbm>>, %arg9: memref<2048xi32, #tpu.memory_space<hbm>>, %arg10: memref<2048xi32, #tpu.memory_space<hbm>>, %arg11: memref<16xi32, #tpu.memory_space<hbm>>, %arg12: memref<16xi32, #tpu.memory_space<hbm>>, %arg13: memref<16xi32, #tpu.memory_space<hbm>>, %arg14: memref<2048xi32, #tpu.memory_space<vmem>>, %arg15: memref<2048xi32, #tpu.memory_space<vmem>>, %arg16: memref<2048xf32, #tpu.memory_space<vmem>>, %arg17: memref<2048xf32, #tpu.memory_space<vmem>>, %arg18: memref<4096xi32, #tpu.memory_space<vmem>>, %arg19: memref<8192xi32, #tpu.memory_space<vmem>>, %arg20: memref<8192xf32, #tpu.memory_space<vmem>>, %arg21: memref<16xi32, #tpu.memory_space<vmem>>, %arg22: memref<16xi32, #tpu.memory_space<vmem>>, %arg23: memref<16xi32, #tpu.memory_space<vmem>>, %arg24: memref<128xi32, #tpu.memory_space<vmem>>, %arg25: memref<32x1024xf32, #tpu.memory_space<vmem>>, %arg26: memref<32x1024xf32, #tpu.memory_space<vmem>>, %arg27: memref<!tpu.dma_semaphore, #tpu.memory_space<semaphore_mem>>, %arg28: memref<!tpu.dma_semaphore, #tpu.memory_space<semaphore_mem>>) attributes {dimension_semantics = [#tpu.dimension_semantics<core_parallel>, #tpu.dimension_semantics<subcore_parallel>], iteration_bounds = array<i64: 2, 16>, scalar_prefetch = 0 : i64, scratch_operands = 15 : i64, tpu.core_type = #tpu.core_type<sc_vector_subcore>, window_params = [{transform_indices = #map}, {transform_indices = #map}, {transform_indices = #map}, {transform_indices = #map}, {transform_indices = #map1}, {transform_indices = #map1}, {transform_indices = #map}, {transform_indices = #map}, {transform_indices = #map}, {transform_indices = #map}, {transform_indices = #map}, {transform_indices = #map}]} {
    %mul3A = arith.constant 2 : i32
    %mul3A_0 = arith.muli %arg1, %mul3A : i32
    %add3A = arith.addi %mul3A_0, %arg0 : i32
    %iota3A = tpu.iota {dimensions = array<i32: 0>} : vector<16xi32>
    %broadcast_in_dim3A = arith.constant 0 : i32
    %broadcast_in_dim3A_1 = vector.broadcast %broadcast_in_dim3A : i32 to vector<16xi32>
    %broadcast_in_dim3A_2 = arith.constant 15 : i32
    %broadcast_in_dim3A_3 = vector.broadcast %broadcast_in_dim3A_2 : i32 to vector<16xi32>
    "tpu.region"() ({
      %run_scoped3A = tpu.sem_alloc : memref<!tpu.dma_semaphore, #tpu.memory_space<semaphore_mem>>
      tpu.enqueue_dma source(%arg2 : memref<2048xi32, #tpu.memory_space<hbm>>) target(%arg14 : memref<2048xi32, #tpu.memory_space<vmem>>) target_semaphore(%run_scoped3A : memref<!tpu.dma_semaphore, #tpu.memory_space<semaphore_mem>>)
      tpu.wait_dma2 semaphore(%run_scoped3A : memref<!tpu.dma_semaphore, #tpu.memory_space<semaphore_mem>>) src(%arg2 : memref<2048xi32, #tpu.memory_space<hbm>>) dst(%arg14 : memref<2048xi32, #tpu.memory_space<vmem>>)
      tpu.yield
    }) : () -> ()
    "tpu.region"() ({
      %run_scoped3A = tpu.sem_alloc : memref<!tpu.dma_semaphore, #tpu.memory_space<semaphore_mem>>
      tpu.enqueue_dma source(%arg3 : memref<2048xi32, #tpu.memory_space<hbm>>) target(%arg15 : memref<2048xi32, #tpu.memory_space<vmem>>) target_semaphore(%run_scoped3A : memref<!tpu.dma_semaphore, #tpu.memory_space<semaphore_mem>>)
      tpu.wait_dma2 semaphore(%run_scoped3A : memref<!tpu.dma_semaphore, #tpu.memory_space<semaphore_mem>>) src(%arg3 : memref<2048xi32, #tpu.memory_space<hbm>>) dst(%arg15 : memref<2048xi32, #tpu.memory_space<vmem>>)
      tpu.yield
    }) : () -> ()
    %swap3A = arith.constant 0 : index
    %swap3A_4 = tpu.vector_load %arg24[%swap3A] {strides = array<i32>} : memref<128xi32, #tpu.memory_space<vmem>>, vector<16xi32>,
    tpu.vector_store %arg24[%swap3A], %broadcast_in_dim3A_1 {strides = array<i32>} : memref<128xi32, #tpu.memory_space<vmem>>, vector<16xi32>,
    %swap3A_5 = arith.constant 16 : index
    %swap3A_6 = tpu.vector_load %arg24[%swap3A_5] {strides = array<i32>} : memref<128xi32, #tpu.memory_space<vmem>>, vector<16xi32>,
    tpu.vector_store %arg24[%swap3A_5], %broadcast_in_dim3A_1 {strides = array<i32>} : memref<128xi32, #tpu.memory_space<vmem>>, vector<16xi32>,
    %swap3A_7 = arith.constant 32 : index
    %swap3A_8 = tpu.vector_load %arg24[%swap3A_7] {strides = array<i32>} : memref<128xi32, #tpu.memory_space<vmem>>, vector<16xi32>,
    tpu.vector_store %arg24[%swap3A_7], %broadcast_in_dim3A_1 {strides = array<i32>} : memref<128xi32, #tpu.memory_space<vmem>>, vector<16xi32>,
    %swap3A_9 = arith.constant 48 : index
    %swap3A_10 = tpu.vector_load %arg24[%swap3A_9] {strides = array<i32>} : memref<128xi32, #tpu.memory_space<vmem>>, vector<16xi32>,
    tpu.vector_store %arg24[%swap3A_9], %broadcast_in_dim3A_1 {strides = array<i32>} : memref<128xi32, #tpu.memory_space<vmem>>, vector<16xi32>,
    %swap3A_11 = arith.constant 64 : index
    %swap3A_12 = tpu.vector_load %arg24[%swap3A_11] {strides = array<i32>} : memref<128xi32, #tpu.memory_space<vmem>>, vector<16xi32>,
    tpu.vector_store %arg24[%swap3A_11], %broadcast_in_dim3A_1 {strides = array<i32>} : memref<128xi32, #tpu.memory_space<vmem>>, vector<16xi32>,
    %swap3A_13 = arith.constant 80 : index
    %swap3A_14 = tpu.vector_load %arg24[%swap3A_13] {strides = array<i32>} : memref<128xi32, #tpu.memory_space<vmem>>, vector<16xi32>,
    tpu.vector_store %arg24[%swap3A_13], %broadcast_in_dim3A_1 {strides = array<i32>} : memref<128xi32, #tpu.memory_space<vmem>>, vector<16xi32>,
    %swap3A_15 = arith.constant 96 : index
    %swap3A_16 = tpu.vector_load %arg24[%swap3A_15] {strides = array<i32>} : memref<128xi32, #tpu.memory_space<vmem>>, vector<16xi32>,
    tpu.vector_store %arg24[%swap3A_15], %broadcast_in_dim3A_1 {strides = array<i32>} : memref<128xi32, #tpu.memory_space<vmem>>, vector<16xi32>,
    %swap3A_17 = arith.constant 112 : index
    %swap3A_18 = tpu.vector_load %arg24[%swap3A_17] {strides = array<i32>} : memref<128xi32, #tpu.memory_space<vmem>>, vector<16xi32>,
    tpu.vector_store %arg24[%swap3A_17], %broadcast_in_dim3A_1 {strides = array<i32>} : memref<128xi32, #tpu.memory_space<vmem>>, vector<16xi32>,
    %scan3A = arith.constant 0 : i32
    %scan3A_19 = arith.constant 0 : i32
    %scan3A_20 = arith.constant 128 : i32
    %scan3A_21 = arith.addi %scan3A_19, %scan3A_20 : i32
    %scan3A_22 = arith.constant 1 : i32
    %scan3A_23 = scf.for %scan3A_481 = %scan3A_19 to %scan3A_21 step %scan3A_22 iter_args(%scan3A_482 = %scan3A) -> (i32)  : i32 {
      %mul3A_483 = arith.constant 128 : i32
      %mul3A_484 = vector.broadcast %mul3A_483 : i32 to vector<16xi32>
      %mul3A_485 = arith.muli %iota3A, %mul3A_484 : vector<16xi32>
      %add3A_486 = vector.broadcast %scan3A_481 : i32 to vector<16xi32>
      %add3A_487 = arith.addi %mul3A_485, %add3A_486 : vector<16xi32>
      %gather3A_488 = tpu.vector_load_idx %arg14[%add3A_487] : memref<2048xi32, #tpu.memory_space<vmem>>[vector<16xi32>], vector<16xi32>,
      %mul3A_489 = arith.constant 16 : i32
      %mul3A_490 = vector.broadcast %mul3A_489 : i32 to vector<16xi32>
      %mul3A_491 = arith.muli %gather3A_488, %mul3A_490 : vector<16xi32>
      %add3A_492 = arith.addi %mul3A_491, %iota3A : vector<16xi32>
      %gather3A_493 = tpu.vector_load_idx %arg24[%add3A_492] : memref<128xi32, #tpu.memory_space<vmem>>[vector<16xi32>], vector<16xi32>,
      %add3A_494 = arith.constant 1 : i32
      %add3A_495 = vector.broadcast %add3A_494 : i32 to vector<16xi32>
      %add3A_496 = arith.addi %gather3A_493, %add3A_495 : vector<16xi32>
      tpu.vector_store_idx %arg24[%add3A_492], %add3A_496 : memref<128xi32, #tpu.memory_space<vmem>>[vector<16xi32>], vector<16xi32>,
      %gather3A_497 = tpu.vector_load_idx %arg15[%add3A_487] : memref<2048xi32, #tpu.memory_space<vmem>>[vector<16xi32>], vector<16xi32>,
      %mul3A_498 = arith.constant 16 : i32
      %mul3A_499 = vector.broadcast %mul3A_498 : i32 to vector<16xi32>
      %mul3A_500 = arith.muli %gather3A_497, %mul3A_499 : vector<16xi32>
      %add3A_501 = arith.addi %mul3A_500, %iota3A : vector<16xi32>
      %gather3A_502 = tpu.vector_load_idx %arg24[%add3A_501] : memref<128xi32, #tpu.memory_space<vmem>>[vector<16xi32>], vector<16xi32>,
      %add3A_503 = arith.constant 1 : i32
      %add3A_504 = vector.broadcast %add3A_503 : i32 to vector<16xi32>
      %add3A_505 = arith.addi %gather3A_502, %add3A_504 : vector<16xi32>
      tpu.vector_store_idx %arg24[%add3A_501], %add3A_505 : memref<128xi32, #tpu.memory_space<vmem>>[vector<16xi32>], vector<16xi32>,
      %scan3A_506 = arith.constant 0 : i32
      scf.yield %scan3A_506 : i32
    }
    %scan3A_24 = arith.constant 128 : i32
    %get3A = arith.constant 0 : index
    %get3A_25 = tpu.vector_load %arg24[%get3A] {strides = array<i32>} : memref<128xi32, #tpu.memory_space<vmem>>, vector<16xi32>,
    %broadcast_in_dim3A_26 = arith.constant true
    %broadcast_in_dim3A_27 = vector.broadcast %broadcast_in_dim3A_26 : i1 to vector<16xi1>
    %masked_cumsum3A = tpu.scan <sum>, %get3A_25 masked %broadcast_in_dim3A_27 : vector<16xi32>, vector<16xi1> -> vector<16xi32>
    %eq3A = arith.constant 0 : i32
    %eq3A_28 = vector.broadcast %eq3A : i32 to vector<16xi32>
    %eq3A_29 = arith.cmpi eq, %iota3A, %eq3A_28 : vector<16xi32>
    %broadcast_in_dim3A_30 = vector.shape_cast %broadcast_in_dim3A_3 : vector<16xi32> to vector<16x1xi32>
    %gather3A = vector.shape_cast %broadcast_in_dim3A_30 : vector<16x1xi32> to vector<16xi32>
    %gather3A_31 = tpu.dynamic_gather %masked_cumsum3A[%gather3A] in [0] : vector<16xi32>, vector<16xi32> -> vector<16xi32>
    %select_n3A = arith.select %eq3A_29, %gather3A_31, %broadcast_in_dim3A_1 : vector<16xi1>, vector<16xi32>
    %get3A_32 = arith.constant 16 : index
    %get3A_33 = tpu.vector_load %arg24[%get3A_32] {strides = array<i32>} : memref<128xi32, #tpu.memory_space<vmem>>, vector<16xi32>,
    %broadcast_in_dim3A_34 = arith.constant true
    %broadcast_in_dim3A_35 = vector.broadcast %broadcast_in_dim3A_34 : i1 to vector<16xi1>
    %masked_cumsum3A_36 = tpu.scan <sum>, %get3A_33 masked %broadcast_in_dim3A_35 : vector<16xi32>, vector<16xi1> -> vector<16xi32>
    %eq3A_37 = arith.constant 1 : i32
    %eq3A_38 = vector.broadcast %eq3A_37 : i32 to vector<16xi32>
    %eq3A_39 = arith.cmpi eq, %iota3A, %eq3A_38 : vector<16xi32>
    %broadcast_in_dim3A_40 = vector.shape_cast %broadcast_in_dim3A_3 : vector<16xi32> to vector<16x1xi32>
    %gather3A_41 = vector.shape_cast %broadcast_in_dim3A_40 : vector<16x1xi32> to vector<16xi32>
    %gather3A_42 = tpu.dynamic_gather %masked_cumsum3A_36[%gather3A_41] in [0] : vector<16xi32>, vector<16xi32> -> vector<16xi32>
    %select_n3A_43 = arith.select %eq3A_39, %gather3A_42, %select_n3A : vector<16xi1>, vector<16xi32>
    %get3A_44 = arith.constant 32 : index
    %get3A_45 = tpu.vector_load %arg24[%get3A_44] {strides = array<i32>} : memref<128xi32, #tpu.memory_space<vmem>>, vector<16xi32>,
    %broadcast_in_dim3A_46 = arith.constant true
    %broadcast_in_dim3A_47 = vector.broadcast %broadcast_in_dim3A_46 : i1 to vector<16xi1>
    %masked_cumsum3A_48 = tpu.scan <sum>, %get3A_45 masked %broadcast_in_dim3A_47 : vector<16xi32>, vector<16xi1> -> vector<16xi32>
    %eq3A_49 = arith.constant 2 : i32
    %eq3A_50 = vector.broadcast %eq3A_49 : i32 to vector<16xi32>
    %eq3A_51 = arith.cmpi eq, %iota3A, %eq3A_50 : vector<16xi32>
    %broadcast_in_dim3A_52 = vector.shape_cast %broadcast_in_dim3A_3 : vector<16xi32> to vector<16x1xi32>
    %gather3A_53 = vector.shape_cast %broadcast_in_dim3A_52 : vector<16x1xi32> to vector<16xi32>
    %gather3A_54 = tpu.dynamic_gather %masked_cumsum3A_48[%gather3A_53] in [0] : vector<16xi32>, vector<16xi32> -> vector<16xi32>
    %select_n3A_55 = arith.select %eq3A_51, %gather3A_54, %select_n3A_43 : vector<16xi1>, vector<16xi32>
    %get3A_56 = arith.constant 48 : index
    %get3A_57 = tpu.vector_load %arg24[%get3A_56] {strides = array<i32>} : memref<128xi32, #tpu.memory_space<vmem>>, vector<16xi32>,
    %broadcast_in_dim3A_58 = arith.constant true
    %broadcast_in_dim3A_59 = vector.broadcast %broadcast_in_dim3A_58 : i1 to vector<16xi1>
    %masked_cumsum3A_60 = tpu.scan <sum>, %get3A_57 masked %broadcast_in_dim3A_59 : vector<16xi32>, vector<16xi1> -> vector<16xi32>
    %eq3A_61 = arith.constant 3 : i32
    %eq3A_62 = vector.broadcast %eq3A_61 : i32 to vector<16xi32>
    %eq3A_63 = arith.cmpi eq, %iota3A, %eq3A_62 : vector<16xi32>
    %broadcast_in_dim3A_64 = vector.shape_cast %broadcast_in_dim3A_3 : vector<16xi32> to vector<16x1xi32>
    %gather3A_65 = vector.shape_cast %broadcast_in_dim3A_64 : vector<16x1xi32> to vector<16xi32>
    %gather3A_66 = tpu.dynamic_gather %masked_cumsum3A_60[%gather3A_65] in [0] : vector<16xi32>, vector<16xi32> -> vector<16xi32>
    %select_n3A_67 = arith.select %eq3A_63, %gather3A_66, %select_n3A_55 : vector<16xi1>, vector<16xi32>
    %get3A_68 = arith.constant 64 : index
    %get3A_69 = tpu.vector_load %arg24[%get3A_68] {strides = array<i32>} : memref<128xi32, #tpu.memory_space<vmem>>, vector<16xi32>,
    %broadcast_in_dim3A_70 = arith.constant true
    %broadcast_in_dim3A_71 = vector.broadcast %broadcast_in_dim3A_70 : i1 to vector<16xi1>
    %masked_cumsum3A_72 = tpu.scan <sum>, %get3A_69 masked %broadcast_in_dim3A_71 : vector<16xi32>, vector<16xi1> -> vector<16xi32>
    %eq3A_73 = arith.constant 4 : i32
    %eq3A_74 = vector.broadcast %eq3A_73 : i32 to vector<16xi32>
    %eq3A_75 = arith.cmpi eq, %iota3A, %eq3A_74 : vector<16xi32>
    %broadcast_in_dim3A_76 = vector.shape_cast %broadcast_in_dim3A_3 : vector<16xi32> to vector<16x1xi32>
    %gather3A_77 = vector.shape_cast %broadcast_in_dim3A_76 : vector<16x1xi32> to vector<16xi32>
    %gather3A_78 = tpu.dynamic_gather %masked_cumsum3A_72[%gather3A_77] in [0] : vector<16xi32>, vector<16xi32> -> vector<16xi32>
    %select_n3A_79 = arith.select %eq3A_75, %gather3A_78, %select_n3A_67 : vector<16xi1>, vector<16xi32>
    %get3A_80 = arith.constant 80 : index
    %get3A_81 = tpu.vector_load %arg24[%get3A_80] {strides = array<i32>} : memref<128xi32, #tpu.memory_space<vmem>>, vector<16xi32>,
    %broadcast_in_dim3A_82 = arith.constant true
    %broadcast_in_dim3A_83 = vector.broadcast %broadcast_in_dim3A_82 : i1 to vector<16xi1>
    %masked_cumsum3A_84 = tpu.scan <sum>, %get3A_81 masked %broadcast_in_dim3A_83 : vector<16xi32>, vector<16xi1> -> vector<16xi32>
    %eq3A_85 = arith.constant 5 : i32
    %eq3A_86 = vector.broadcast %eq3A_85 : i32 to vector<16xi32>
    %eq3A_87 = arith.cmpi eq, %iota3A, %eq3A_86 : vector<16xi32>
    %broadcast_in_dim3A_88 = vector.shape_cast %broadcast_in_dim3A_3 : vector<16xi32> to vector<16x1xi32>
    %gather3A_89 = vector.shape_cast %broadcast_in_dim3A_88 : vector<16x1xi32> to vector<16xi32>
    %gather3A_90 = tpu.dynamic_gather %masked_cumsum3A_84[%gather3A_89] in [0] : vector<16xi32>, vector<16xi32> -> vector<16xi32>
    %select_n3A_91 = arith.select %eq3A_87, %gather3A_90, %select_n3A_79 : vector<16xi1>, vector<16xi32>
    %get3A_92 = arith.constant 96 : index
    %get3A_93 = tpu.vector_load %arg24[%get3A_92] {strides = array<i32>} : memref<128xi32, #tpu.memory_space<vmem>>, vector<16xi32>,
    %broadcast_in_dim3A_94 = arith.constant true
    %broadcast_in_dim3A_95 = vector.broadcast %broadcast_in_dim3A_94 : i1 to vector<16xi1>
    %masked_cumsum3A_96 = tpu.scan <sum>, %get3A_93 masked %broadcast_in_dim3A_95 : vector<16xi32>, vector<16xi1> -> vector<16xi32>
    %eq3A_97 = arith.constant 6 : i32
    %eq3A_98 = vector.broadcast %eq3A_97 : i32 to vector<16xi32>
    %eq3A_99 = arith.cmpi eq, %iota3A, %eq3A_98 : vector<16xi32>
    %broadcast_in_dim3A_100 = vector.shape_cast %broadcast_in_dim3A_3 : vector<16xi32> to vector<16x1xi32>
    %gather3A_101 = vector.shape_cast %broadcast_in_dim3A_100 : vector<16x1xi32> to vector<16xi32>
    %gather3A_102 = tpu.dynamic_gather %masked_cumsum3A_96[%gather3A_101] in [0] : vector<16xi32>, vector<16xi32> -> vector<16xi32>
    %select_n3A_103 = arith.select %eq3A_99, %gather3A_102, %select_n3A_91 : vector<16xi1>, vector<16xi32>
    %get3A_104 = arith.constant 112 : index
    %get3A_105 = tpu.vector_load %arg24[%get3A_104] {strides = array<i32>} : memref<128xi32, #tpu.memory_space<vmem>>, vector<16xi32>,
    %broadcast_in_dim3A_106 = arith.constant true
    %broadcast_in_dim3A_107 = vector.broadcast %broadcast_in_dim3A_106 : i1 to vector<16xi1>
    %masked_cumsum3A_108 = tpu.scan <sum>, %get3A_105 masked %broadcast_in_dim3A_107 : vector<16xi32>, vector<16xi1> -> vector<16xi32>
    %eq3A_109 = arith.constant 7 : i32
    %eq3A_110 = vector.broadcast %eq3A_109 : i32 to vector<16xi32>
    %eq3A_111 = arith.cmpi eq, %iota3A, %eq3A_110 : vector<16xi32>
    %broadcast_in_dim3A_112 = vector.shape_cast %broadcast_in_dim3A_3 : vector<16xi32> to vector<16x1xi32>
    %gather3A_113 = vector.shape_cast %broadcast_in_dim3A_112 : vector<16x1xi32> to vector<16xi32>
    %gather3A_114 = tpu.dynamic_gather %masked_cumsum3A_108[%gather3A_113] in [0] : vector<16xi32>, vector<16xi32> -> vector<16xi32>
    %select_n3A_115 = arith.select %eq3A_111, %gather3A_114, %select_n3A_103 : vector<16xi1>, vector<16xi32>
    %add3A_116 = arith.constant 511 : i32
    %add3A_117 = vector.broadcast %add3A_116 : i32 to vector<16xi32>
    %add3A_118 = arith.addi %select_n3A_115, %add3A_117 : vector<16xi32>
    %shift_right_logical3A = arith.constant 9 : i32
    %shift_right_logical3A_119 = vector.broadcast %shift_right_logical3A : i32 to vector<16xi32>
    %shift_right_logical3A_120 = arith.shrui %add3A_118, %shift_right_logical3A_119 : vector<16xi32>
    %broadcast_in_dim3A_121 = arith.constant true
    %broadcast_in_dim3A_122 = vector.broadcast %broadcast_in_dim3A_121 : i1 to vector<16xi1>
    %masked_cumsum3A_123 = tpu.scan <sum>, %shift_right_logical3A_120 masked %broadcast_in_dim3A_122 : vector<16xi32>, vector<16xi1> -> vector<16xi32>
    %sub3A = arith.subi %masked_cumsum3A_123, %shift_right_logical3A_120 : vector<16xi32>
    %shift_left3A = arith.constant 9 : i32
    %shift_left3A_124 = vector.broadcast %shift_left3A : i32 to vector<16xi32>
    %shift_left3A_125 = arith.shli %sub3A, %shift_left3A_124 : vector<16xi32>
    %broadcast_in_dim3A_126 = arith.constant 7 : i32
    %broadcast_in_dim3A_127 = vector.broadcast %broadcast_in_dim3A_126 : i32 to vector<16xi32>
    %broadcast_in_dim3A_128 = vector.shape_cast %broadcast_in_dim3A_127 : vector<16xi32> to vector<16x1xi32>
    %gather3A_129 = vector.shape_cast %broadcast_in_dim3A_128 : vector<16x1xi32> to vector<16xi32>
    %gather3A_130 = tpu.dynamic_gather %masked_cumsum3A_123[%gather3A_129] in [0] : vector<16xi32>, vector<16xi32> -> vector<16xi32>
    %eq3A_131 = arith.constant 0 : i32
    %eq3A_132 = vector.broadcast %eq3A_131 : i32 to vector<16xi32>
    %eq3A_133 = arith.cmpi eq, %iota3A, %eq3A_132 : vector<16xi32>
    %select_n3A_134 = arith.select %eq3A_133, %gather3A_130, %broadcast_in_dim3A_1 : vector<16xi1>, vector<16xi32>
    %reduce_sum3A = arith.constant true
    %reduce_sum3A_135 = vector.broadcast %reduce_sum3A : i1 to vector<16xi1>
    %reduce_sum3A_136 = tpu.scan <sum>, %select_n3A_134 masked %reduce_sum3A_135 : vector<16xi32>, vector<16xi1> -> vector<16xi32>
    %reduce_sum3A_137 = vector.extract %reduce_sum3A_136[15] : i32 from vector<16xi32>
    %shift_left3A_138 = arith.constant 9 : i32
    %shift_left3A_139 = arith.shli %reduce_sum3A_137, %shift_left3A_138 : i32
    %broadcast_in_dim3A_140 = arith.constant 0 : i32
    %broadcast_in_dim3A_141 = vector.broadcast %broadcast_in_dim3A_140 : i32 to vector<16xi32>
    %broadcast_in_dim3A_142 = vector.shape_cast %broadcast_in_dim3A_141 : vector<16xi32> to vector<16x1xi32>
    %gather3A_143 = vector.shape_cast %broadcast_in_dim3A_142 : vector<16x1xi32> to vector<16xi32>
    %gather3A_144 = tpu.dynamic_gather %masked_cumsum3A_123[%gather3A_143] in [0] : vector<16xi32>, vector<16xi32> -> vector<16xi32>
    %ge3A = arith.cmpi sge, %iota3A, %gather3A_144 : vector<16xi32>
    %convert_element_type3A = arith.extui %ge3A : vector<16xi1> to vector<16xi32>
    %add3A_145 = arith.addi %broadcast_in_dim3A_1, %convert_element_type3A : vector<16xi32>
    %broadcast_in_dim3A_146 = arith.constant 1 : i32
    %broadcast_in_dim3A_147 = vector.broadcast %broadcast_in_dim3A_146 : i32 to vector<16xi32>
    %broadcast_in_dim3A_148 = vector.shape_cast %broadcast_in_dim3A_147 : vector<16xi32> to vector<16x1xi32>
    %gather3A_149 = vector.shape_cast %broadcast_in_dim3A_148 : vector<16x1xi32> to vector<16xi32>
    %gather3A_150 = tpu.dynamic_gather %masked_cumsum3A_123[%gather3A_149] in [0] : vector<16xi32>, vector<16xi32> -> vector<16xi32>
    %ge3A_151 = arith.cmpi sge, %iota3A, %gather3A_150 : vector<16xi32>
    %convert_element_type3A_152 = arith.extui %ge3A_151 : vector<16xi1> to vector<16xi32>
    %add3A_153 = arith.addi %add3A_145, %convert_element_type3A_152 : vector<16xi32>
    %broadcast_in_dim3A_154 = arith.constant 2 : i32
    %broadcast_in_dim3A_155 = vector.broadcast %broadcast_in_dim3A_154 : i32 to vector<16xi32>
    %broadcast_in_dim3A_156 = vector.shape_cast %broadcast_in_dim3A_155 : vector<16xi32> to vector<16x1xi32>
    %gather3A_157 = vector.shape_cast %broadcast_in_dim3A_156 : vector<16x1xi32> to vector<16xi32>
    %gather3A_158 = tpu.dynamic_gather %masked_cumsum3A_123[%gather3A_157] in [0] : vector<16xi32>, vector<16xi32> -> vector<16xi32>
    %ge3A_159 = arith.cmpi sge, %iota3A, %gather3A_158 : vector<16xi32>
    %convert_element_type3A_160 = arith.extui %ge3A_159 : vector<16xi1> to vector<16xi32>
    %add3A_161 = arith.addi %add3A_153, %convert_element_type3A_160 : vector<16xi32>
    %broadcast_in_dim3A_162 = arith.constant 3 : i32
    %broadcast_in_dim3A_163 = vector.broadcast %broadcast_in_dim3A_162 : i32 to vector<16xi32>
    %broadcast_in_dim3A_164 = vector.shape_cast %broadcast_in_dim3A_163 : vector<16xi32> to vector<16x1xi32>
    %gather3A_165 = vector.shape_cast %broadcast_in_dim3A_164 : vector<16x1xi32> to vector<16xi32>
    %gather3A_166 = tpu.dynamic_gather %masked_cumsum3A_123[%gather3A_165] in [0] : vector<16xi32>, vector<16xi32> -> vector<16xi32>
    %ge3A_167 = arith.cmpi sge, %iota3A, %gather3A_166 : vector<16xi32>
    %convert_element_type3A_168 = arith.extui %ge3A_167 : vector<16xi1> to vector<16xi32>
    %add3A_169 = arith.addi %add3A_161, %convert_element_type3A_168 : vector<16xi32>
    %broadcast_in_dim3A_170 = arith.constant 4 : i32
    %broadcast_in_dim3A_171 = vector.broadcast %broadcast_in_dim3A_170 : i32 to vector<16xi32>
    %broadcast_in_dim3A_172 = vector.shape_cast %broadcast_in_dim3A_171 : vector<16xi32> to vector<16x1xi32>
    %gather3A_173 = vector.shape_cast %broadcast_in_dim3A_172 : vector<16x1xi32> to vector<16xi32>
    %gather3A_174 = tpu.dynamic_gather %masked_cumsum3A_123[%gather3A_173] in [0] : vector<16xi32>, vector<16xi32> -> vector<16xi32>
    %ge3A_175 = arith.cmpi sge, %iota3A, %gather3A_174 : vector<16xi32>
    %convert_element_type3A_176 = arith.extui %ge3A_175 : vector<16xi1> to vector<16xi32>
    %add3A_177 = arith.addi %add3A_169, %convert_element_type3A_176 : vector<16xi32>
    %broadcast_in_dim3A_178 = arith.constant 5 : i32
    %broadcast_in_dim3A_179 = vector.broadcast %broadcast_in_dim3A_178 : i32 to vector<16xi32>
    %broadcast_in_dim3A_180 = vector.shape_cast %broadcast_in_dim3A_179 : vector<16xi32> to vector<16x1xi32>
    %gather3A_181 = vector.shape_cast %broadcast_in_dim3A_180 : vector<16x1xi32> to vector<16xi32>
    %gather3A_182 = tpu.dynamic_gather %masked_cumsum3A_123[%gather3A_181] in [0] : vector<16xi32>, vector<16xi32> -> vector<16xi32>
    %ge3A_183 = arith.cmpi sge, %iota3A, %gather3A_182 : vector<16xi32>
    %convert_element_type3A_184 = arith.extui %ge3A_183 : vector<16xi1> to vector<16xi32>
    %add3A_185 = arith.addi %add3A_177, %convert_element_type3A_184 : vector<16xi32>
    %broadcast_in_dim3A_186 = arith.constant 6 : i32
    %broadcast_in_dim3A_187 = vector.broadcast %broadcast_in_dim3A_186 : i32 to vector<16xi32>
    %broadcast_in_dim3A_188 = vector.shape_cast %broadcast_in_dim3A_187 : vector<16xi32> to vector<16x1xi32>
    %gather3A_189 = vector.shape_cast %broadcast_in_dim3A_188 : vector<16x1xi32> to vector<16xi32>
    %gather3A_190 = tpu.dynamic_gather %masked_cumsum3A_123[%gather3A_189] in [0] : vector<16xi32>, vector<16xi32> -> vector<16xi32>
    %ge3A_191 = arith.cmpi sge, %iota3A, %gather3A_190 : vector<16xi32>
    %convert_element_type3A_192 = arith.extui %ge3A_191 : vector<16xi1> to vector<16xi32>
    %add3A_193 = arith.addi %add3A_185, %convert_element_type3A_192 : vector<16xi32>
    %broadcast_in_dim3A_194 = arith.constant 7 : i32
    %broadcast_in_dim3A_195 = vector.broadcast %broadcast_in_dim3A_194 : i32 to vector<16xi32>
    %broadcast_in_dim3A_196 = vector.shape_cast %broadcast_in_dim3A_195 : vector<16xi32> to vector<16x1xi32>
    %gather3A_197 = vector.shape_cast %broadcast_in_dim3A_196 : vector<16x1xi32> to vector<16xi32>
    %gather3A_198 = tpu.dynamic_gather %masked_cumsum3A_123[%gather3A_197] in [0] : vector<16xi32>, vector<16xi32> -> vector<16xi32>
    %ge3A_199 = arith.cmpi sge, %iota3A, %gather3A_198 : vector<16xi32>
    %convert_element_type3A_200 = arith.extui %ge3A_199 : vector<16xi1> to vector<16xi32>
    %add3A_201 = arith.addi %add3A_193, %convert_element_type3A_200 : vector<16xi32>
    %sub3A_202 = arith.constant 1 : i32
    %sub3A_203 = vector.broadcast %sub3A_202 : i32 to vector<16xi32>
    %sub3A_204 = arith.subi %gather3A_130, %sub3A_203 : vector<16xi32>
    %max3A = arith.maxsi %sub3A_204, %broadcast_in_dim3A_1 : vector<16xi32>
    %lt3A = arith.cmpi slt, %iota3A, %gather3A_130 : vector<16xi32>
    %broadcast_in_dim3A_205 = vector.shape_cast %max3A : vector<16xi32> to vector<16x1xi32>
    %gather3A_206 = vector.shape_cast %broadcast_in_dim3A_205 : vector<16x1xi32> to vector<16xi32>
    %gather3A_207 = tpu.dynamic_gather %add3A_201[%gather3A_206] in [0] : vector<16xi32>, vector<16xi32> -> vector<16xi32>
    %select_n3A_208 = arith.select %lt3A, %add3A_201, %gather3A_207 : vector<16xi1>, vector<16xi32>
    %lt3A_209 = arith.cmpi slt, %iota3A, %gather3A_130 : vector<16xi32>
    %broadcast_in_dim3A_210 = arith.constant -1 : i32
    %broadcast_in_dim3A_211 = vector.broadcast %broadcast_in_dim3A_210 : i32 to vector<16xi32>
    %select_n3A_212 = arith.select %lt3A_209, %iota3A, %broadcast_in_dim3A_211 : vector<16xi1>, vector<16xi32>
    %swap3A_213 = arith.constant 0 : index
    %swap3A_214 = tpu.vector_load %arg21[%swap3A_213] {strides = array<i32>} : memref<16xi32, #tpu.memory_space<vmem>>, vector<16xi32>,
    tpu.vector_store %arg21[%swap3A_213], %select_n3A_208 {strides = array<i32>} : memref<16xi32, #tpu.memory_space<vmem>>, vector<16xi32>,
    %swap3A_215 = arith.constant 0 : index
    %swap3A_216 = tpu.vector_load %arg22[%swap3A_215] {strides = array<i32>} : memref<16xi32, #tpu.memory_space<vmem>>, vector<16xi32>,
    tpu.vector_store %arg22[%swap3A_215], %select_n3A_212 {strides = array<i32>} : memref<16xi32, #tpu.memory_space<vmem>>, vector<16xi32>,
    %lt3A_217 = arith.cmpi slt, %iota3A, %gather3A_130 : vector<16xi32>
    %select_n3A_218 = arith.select %lt3A_217, %iota3A, %max3A : vector<16xi1>, vector<16xi32>
    %swap3A_219 = arith.constant 0 : index
    %swap3A_220 = tpu.vector_load %arg23[%swap3A_219] {strides = array<i32>} : memref<16xi32, #tpu.memory_space<vmem>>, vector<16xi32>,
    tpu.vector_store %arg23[%swap3A_219], %select_n3A_218 {strides = array<i32>} : memref<16xi32, #tpu.memory_space<vmem>>, vector<16xi32>,
    %get3A_221 = arith.constant 0 : index
    %get3A_222 = tpu.vector_load %arg24[%get3A_221] {strides = array<i32>} : memref<128xi32, #tpu.memory_space<vmem>>, vector<16xi32>,
    %broadcast_in_dim3A_223 = arith.constant true
    %broadcast_in_dim3A_224 = vector.broadcast %broadcast_in_dim3A_223 : i1 to vector<16xi1>
    %masked_cumsum3A_225 = tpu.scan <sum>, %get3A_222 masked %broadcast_in_dim3A_224 : vector<16xi32>, vector<16xi1> -> vector<16xi32>
    %sub3A_226 = arith.subi %masked_cumsum3A_225, %get3A_222 : vector<16xi32>
    %broadcast_in_dim3A_227 = arith.constant 0 : i32
    %broadcast_in_dim3A_228 = vector.broadcast %broadcast_in_dim3A_227 : i32 to vector<16xi32>
    %broadcast_in_dim3A_229 = vector.shape_cast %broadcast_in_dim3A_228 : vector<16xi32> to vector<16x1xi32>
    %gather3A_230 = vector.shape_cast %broadcast_in_dim3A_229 : vector<16x1xi32> to vector<16xi32>
    %gather3A_231 = tpu.dynamic_gather %shift_left3A_125[%gather3A_230] in [0] : vector<16xi32>, vector<16xi32> -> vector<16xi32>
    %add3A_232 = arith.addi %gather3A_231, %sub3A_226 : vector<16xi32>
    %swap3A_233 = arith.constant 0 : index
    %swap3A_234 = tpu.vector_load %arg24[%swap3A_233] {strides = array<i32>} : memref<128xi32, #tpu.memory_space<vmem>>, vector<16xi32>,
    tpu.vector_store %arg24[%swap3A_233], %add3A_232 {strides = array<i32>} : memref<128xi32, #tpu.memory_space<vmem>>, vector<16xi32>,
    %get3A_235 = arith.constant 16 : index
    %get3A_236 = tpu.vector_load %arg24[%get3A_235] {strides = array<i32>} : memref<128xi32, #tpu.memory_space<vmem>>, vector<16xi32>,
    %broadcast_in_dim3A_237 = arith.constant true
    %broadcast_in_dim3A_238 = vector.broadcast %broadcast_in_dim3A_237 : i1 to vector<16xi1>
    %masked_cumsum3A_239 = tpu.scan <sum>, %get3A_236 masked %broadcast_in_dim3A_238 : vector<16xi32>, vector<16xi1> -> vector<16xi32>
    %sub3A_240 = arith.subi %masked_cumsum3A_239, %get3A_236 : vector<16xi32>
    %broadcast_in_dim3A_241 = arith.constant 1 : i32
    %broadcast_in_dim3A_242 = vector.broadcast %broadcast_in_dim3A_241 : i32 to vector<16xi32>
    %broadcast_in_dim3A_243 = vector.shape_cast %broadcast_in_dim3A_242 : vector<16xi32> to vector<16x1xi32>
    %gather3A_244 = vector.shape_cast %broadcast_in_dim3A_243 : vector<16x1xi32> to vector<16xi32>
    %gather3A_245 = tpu.dynamic_gather %shift_left3A_125[%gather3A_244] in [0] : vector<16xi32>, vector<16xi32> -> vector<16xi32>
    %add3A_246 = arith.addi %gather3A_245, %sub3A_240 : vector<16xi32>
    %swap3A_247 = arith.constant 16 : index
    %swap3A_248 = tpu.vector_load %arg24[%swap3A_247] {strides = array<i32>} : memref<128xi32, #tpu.memory_space<vmem>>, vector<16xi32>,
    tpu.vector_store %arg24[%swap3A_247], %add3A_246 {strides = array<i32>} : memref<128xi32, #tpu.memory_space<vmem>>, vector<16xi32>,
    %get3A_249 = arith.constant 32 : index
    %get3A_250 = tpu.vector_load %arg24[%get3A_249] {strides = array<i32>} : memref<128xi32, #tpu.memory_space<vmem>>, vector<16xi32>,
    %broadcast_in_dim3A_251 = arith.constant true
    %broadcast_in_dim3A_252 = vector.broadcast %broadcast_in_dim3A_251 : i1 to vector<16xi1>
    %masked_cumsum3A_253 = tpu.scan <sum>, %get3A_250 masked %broadcast_in_dim3A_252 : vector<16xi32>, vector<16xi1> -> vector<16xi32>
    %sub3A_254 = arith.subi %masked_cumsum3A_253, %get3A_250 : vector<16xi32>
    %broadcast_in_dim3A_255 = arith.constant 2 : i32
    %broadcast_in_dim3A_256 = vector.broadcast %broadcast_in_dim3A_255 : i32 to vector<16xi32>
    %broadcast_in_dim3A_257 = vector.shape_cast %broadcast_in_dim3A_256 : vector<16xi32> to vector<16x1xi32>
    %gather3A_258 = vector.shape_cast %broadcast_in_dim3A_257 : vector<16x1xi32> to vector<16xi32>
    %gather3A_259 = tpu.dynamic_gather %shift_left3A_125[%gather3A_258] in [0] : vector<16xi32>, vector<16xi32> -> vector<16xi32>
    %add3A_260 = arith.addi %gather3A_259, %sub3A_254 : vector<16xi32>
    %swap3A_261 = arith.constant 32 : index
    %swap3A_262 = tpu.vector_load %arg24[%swap3A_261] {strides = array<i32>} : memref<128xi32, #tpu.memory_space<vmem>>, vector<16xi32>,
    tpu.vector_store %arg24[%swap3A_261], %add3A_260 {strides = array<i32>} : memref<128xi32, #tpu.memory_space<vmem>>, vector<16xi32>,
    %get3A_263 = arith.constant 48 : index
    %get3A_264 = tpu.vector_load %arg24[%get3A_263] {strides = array<i32>} : memref<128xi32, #tpu.memory_space<vmem>>, vector<16xi32>,
    %broadcast_in_dim3A_265 = arith.constant true
    %broadcast_in_dim3A_266 = vector.broadcast %broadcast_in_dim3A_265 : i1 to vector<16xi1>
    %masked_cumsum3A_267 = tpu.scan <sum>, %get3A_264 masked %broadcast_in_dim3A_266 : vector<16xi32>, vector<16xi1> -> vector<16xi32>
    %sub3A_268 = arith.subi %masked_cumsum3A_267, %get3A_264 : vector<16xi32>
    %broadcast_in_dim3A_269 = arith.constant 3 : i32
    %broadcast_in_dim3A_270 = vector.broadcast %broadcast_in_dim3A_269 : i32 to vector<16xi32>
    %broadcast_in_dim3A_271 = vector.shape_cast %broadcast_in_dim3A_270 : vector<16xi32> to vector<16x1xi32>
    %gather3A_272 = vector.shape_cast %broadcast_in_dim3A_271 : vector<16x1xi32> to vector<16xi32>
    %gather3A_273 = tpu.dynamic_gather %shift_left3A_125[%gather3A_272] in [0] : vector<16xi32>, vector<16xi32> -> vector<16xi32>
    %add3A_274 = arith.addi %gather3A_273, %sub3A_268 : vector<16xi32>
    %swap3A_275 = arith.constant 48 : index
    %swap3A_276 = tpu.vector_load %arg24[%swap3A_275] {strides = array<i32>} : memref<128xi32, #tpu.memory_space<vmem>>, vector<16xi32>,
    tpu.vector_store %arg24[%swap3A_275], %add3A_274 {strides = array<i32>} : memref<128xi32, #tpu.memory_space<vmem>>, vector<16xi32>,
    %get3A_277 = arith.constant 64 : index
    %get3A_278 = tpu.vector_load %arg24[%get3A_277] {strides = array<i32>} : memref<128xi32, #tpu.memory_space<vmem>>, vector<16xi32>,
    %broadcast_in_dim3A_279 = arith.constant true
    %broadcast_in_dim3A_280 = vector.broadcast %broadcast_in_dim3A_279 : i1 to vector<16xi1>
    %masked_cumsum3A_281 = tpu.scan <sum>, %get3A_278 masked %broadcast_in_dim3A_280 : vector<16xi32>, vector<16xi1> -> vector<16xi32>
    %sub3A_282 = arith.subi %masked_cumsum3A_281, %get3A_278 : vector<16xi32>
    %broadcast_in_dim3A_283 = arith.constant 4 : i32
    %broadcast_in_dim3A_284 = vector.broadcast %broadcast_in_dim3A_283 : i32 to vector<16xi32>
    %broadcast_in_dim3A_285 = vector.shape_cast %broadcast_in_dim3A_284 : vector<16xi32> to vector<16x1xi32>
    %gather3A_286 = vector.shape_cast %broadcast_in_dim3A_285 : vector<16x1xi32> to vector<16xi32>
    %gather3A_287 = tpu.dynamic_gather %shift_left3A_125[%gather3A_286] in [0] : vector<16xi32>, vector<16xi32> -> vector<16xi32>
    %add3A_288 = arith.addi %gather3A_287, %sub3A_282 : vector<16xi32>
    %swap3A_289 = arith.constant 64 : index
    %swap3A_290 = tpu.vector_load %arg24[%swap3A_289] {strides = array<i32>} : memref<128xi32, #tpu.memory_space<vmem>>, vector<16xi32>,
    tpu.vector_store %arg24[%swap3A_289], %add3A_288 {strides = array<i32>} : memref<128xi32, #tpu.memory_space<vmem>>, vector<16xi32>,
    %get3A_291 = arith.constant 80 : index
    %get3A_292 = tpu.vector_load %arg24[%get3A_291] {strides = array<i32>} : memref<128xi32, #tpu.memory_space<vmem>>, vector<16xi32>,
    %broadcast_in_dim3A_293 = arith.constant true
    %broadcast_in_dim3A_294 = vector.broadcast %broadcast_in_dim3A_293 : i1 to vector<16xi1>
    %masked_cumsum3A_295 = tpu.scan <sum>, %get3A_292 masked %broadcast_in_dim3A_294 : vector<16xi32>, vector<16xi1> -> vector<16xi32>
    %sub3A_296 = arith.subi %masked_cumsum3A_295, %get3A_292 : vector<16xi32>
    %broadcast_in_dim3A_297 = arith.constant 5 : i32
    %broadcast_in_dim3A_298 = vector.broadcast %broadcast_in_dim3A_297 : i32 to vector<16xi32>
    %broadcast_in_dim3A_299 = vector.shape_cast %broadcast_in_dim3A_298 : vector<16xi32> to vector<16x1xi32>
    %gather3A_300 = vector.shape_cast %broadcast_in_dim3A_299 : vector<16x1xi32> to vector<16xi32>
    %gather3A_301 = tpu.dynamic_gather %shift_left3A_125[%gather3A_300] in [0] : vector<16xi32>, vector<16xi32> -> vector<16xi32>
    %add3A_302 = arith.addi %gather3A_301, %sub3A_296 : vector<16xi32>
    %swap3A_303 = arith.constant 80 : index
    %swap3A_304 = tpu.vector_load %arg24[%swap3A_303] {strides = array<i32>} : memref<128xi32, #tpu.memory_space<vmem>>, vector<16xi32>,
    tpu.vector_store %arg24[%swap3A_303], %add3A_302 {strides = array<i32>} : memref<128xi32, #tpu.memory_space<vmem>>, vector<16xi32>,
    %get3A_305 = arith.constant 96 : index
    %get3A_306 = tpu.vector_load %arg24[%get3A_305] {strides = array<i32>} : memref<128xi32, #tpu.memory_space<vmem>>, vector<16xi32>,
    %broadcast_in_dim3A_307 = arith.constant true
    %broadcast_in_dim3A_308 = vector.broadcast %broadcast_in_dim3A_307 : i1 to vector<16xi1>
    %masked_cumsum3A_309 = tpu.scan <sum>, %get3A_306 masked %broadcast_in_dim3A_308 : vector<16xi32>, vector<16xi1> -> vector<16xi32>
    %sub3A_310 = arith.subi %masked_cumsum3A_309, %get3A_306 : vector<16xi32>
    %broadcast_in_dim3A_311 = arith.constant 6 : i32
    %broadcast_in_dim3A_312 = vector.broadcast %broadcast_in_dim3A_311 : i32 to vector<16xi32>
    %broadcast_in_dim3A_313 = vector.shape_cast %broadcast_in_dim3A_312 : vector<16xi32> to vector<16x1xi32>
    %gather3A_314 = vector.shape_cast %broadcast_in_dim3A_313 : vector<16x1xi32> to vector<16xi32>
    %gather3A_315 = tpu.dynamic_gather %shift_left3A_125[%gather3A_314] in [0] : vector<16xi32>, vector<16xi32> -> vector<16xi32>
    %add3A_316 = arith.addi %gather3A_315, %sub3A_310 : vector<16xi32>
    %swap3A_317 = arith.constant 96 : index
    %swap3A_318 = tpu.vector_load %arg24[%swap3A_317] {strides = array<i32>} : memref<128xi32, #tpu.memory_space<vmem>>, vector<16xi32>,
    tpu.vector_store %arg24[%swap3A_317], %add3A_316 {strides = array<i32>} : memref<128xi32, #tpu.memory_space<vmem>>, vector<16xi32>,
    %get3A_319 = arith.constant 112 : index
    %get3A_320 = tpu.vector_load %arg24[%get3A_319] {strides = array<i32>} : memref<128xi32, #tpu.memory_space<vmem>>, vector<16xi32>,
    %broadcast_in_dim3A_321 = arith.constant true
    %broadcast_in_dim3A_322 = vector.broadcast %broadcast_in_dim3A_321 : i1 to vector<16xi1>
    %masked_cumsum3A_323 = tpu.scan <sum>, %get3A_320 masked %broadcast_in_dim3A_322 : vector<16xi32>, vector<16xi1> -> vector<16xi32>
    %sub3A_324 = arith.subi %masked_cumsum3A_323, %get3A_320 : vector<16xi32>
    %broadcast_in_dim3A_325 = arith.constant 7 : i32
    %broadcast_in_dim3A_326 = vector.broadcast %broadcast_in_dim3A_325 : i32 to vector<16xi32>
    %broadcast_in_dim3A_327 = vector.shape_cast %broadcast_in_dim3A_326 : vector<16xi32> to vector<16x1xi32>
    %gather3A_328 = vector.shape_cast %broadcast_in_dim3A_327 : vector<16x1xi32> to vector<16xi32>
    %gather3A_329 = tpu.dynamic_gather %shift_left3A_125[%gather3A_328] in [0] : vector<16xi32>, vector<16xi32> -> vector<16xi32>
    %add3A_330 = arith.addi %gather3A_329, %sub3A_324 : vector<16xi32>
    %swap3A_331 = arith.constant 112 : index
    %swap3A_332 = tpu.vector_load %arg24[%swap3A_331] {strides = array<i32>} : memref<128xi32, #tpu.memory_space<vmem>>, vector<16xi32>,
    tpu.vector_store %arg24[%swap3A_331], %add3A_330 {strides = array<i32>} : memref<128xi32, #tpu.memory_space<vmem>>, vector<16xi32>,
    %scan3A_333 = arith.constant 0 : i32
    %scan3A_334 = arith.constant 0 : i32
    %scan3A_335 = arith.constant 512 : i32
    %scan3A_336 = arith.addi %scan3A_334, %scan3A_335 : i32
    %scan3A_337 = arith.constant 1 : i32
    %scan3A_338 = scf.for %scan3A_481 = %scan3A_334 to %scan3A_336 step %scan3A_337 iter_args(%scan3A_482 = %scan3A_333) -> (i32)  : i32 {
      %mul3A_483 = arith.constant 16 : i32
      %mul3A_484 = arith.muli %scan3A_481, %mul3A_483 : i32
      %swap3A_485 = arith.index_cast %mul3A_484 : i32 to index
      %swap3A_486 = tpu.vector_load %arg19[%swap3A_485] {strides = array<i32>} : memref<8192xi32, #tpu.memory_space<vmem>>, vector<16xi32>,
      tpu.vector_store %arg19[%swap3A_485], %broadcast_in_dim3A_1 {strides = array<i32>} : memref<8192xi32, #tpu.memory_space<vmem>>, vector<16xi32>,
      %broadcast_in_dim3A_487 = arith.constant 0.000000e+00 : f32
      %broadcast_in_dim3A_488 = vector.broadcast %broadcast_in_dim3A_487 : f32 to vector<16xf32>
      %mul3A_489 = arith.constant 16 : i32
      %mul3A_490 = arith.muli %scan3A_481, %mul3A_489 : i32
      %swap3A_491 = arith.index_cast %mul3A_490 : i32 to index
      %swap3A_492 = tpu.vector_load %arg20[%swap3A_491] {strides = array<i32>} : memref<8192xf32, #tpu.memory_space<vmem>>, vector<16xf32>,
      tpu.vector_store %arg20[%swap3A_491], %broadcast_in_dim3A_488 {strides = array<i32>} : memref<8192xf32, #tpu.memory_space<vmem>>, vector<16xf32>,
      %scan3A_493 = arith.constant 0 : i32
      scf.yield %scan3A_493 : i32
    }
    %scan3A_339 = arith.constant 512 : i32
    "tpu.region"() ({
      %run_scoped3A = tpu.sem_alloc : memref<!tpu.dma_semaphore, #tpu.memory_space<semaphore_mem>>
      tpu.enqueue_dma source(%arg4 : memref<2048xf32, #tpu.memory_space<hbm>>) target(%arg16 : memref<2048xf32, #tpu.memory_space<vmem>>) target_semaphore(%run_scoped3A : memref<!tpu.dma_semaphore, #tpu.memory_space<semaphore_mem>>)
      tpu.wait_dma2 semaphore(%run_scoped3A : memref<!tpu.dma_semaphore, #tpu.memory_space<semaphore_mem>>) src(%arg4 : memref<2048xf32, #tpu.memory_space<hbm>>) dst(%arg16 : memref<2048xf32, #tpu.memory_space<vmem>>)
      tpu.yield
    }) : () -> ()
    "tpu.region"() ({
      %run_scoped3A = tpu.sem_alloc : memref<!tpu.dma_semaphore, #tpu.memory_space<semaphore_mem>>
      tpu.enqueue_dma source(%arg5 : memref<2048xf32, #tpu.memory_space<hbm>>) target(%arg17 : memref<2048xf32, #tpu.memory_space<vmem>>) target_semaphore(%run_scoped3A : memref<!tpu.dma_semaphore, #tpu.memory_space<semaphore_mem>>)
      tpu.wait_dma2 semaphore(%run_scoped3A : memref<!tpu.dma_semaphore, #tpu.memory_space<semaphore_mem>>) src(%arg5 : memref<2048xf32, #tpu.memory_space<hbm>>) dst(%arg17 : memref<2048xf32, #tpu.memory_space<vmem>>)
      tpu.yield
    }) : () -> ()
    %scan3A_340 = arith.constant 0 : i32
    %scan3A_341 = arith.constant 0 : i32
    %scan3A_342 = arith.constant 128 : i32
    %scan3A_343 = arith.addi %scan3A_341, %scan3A_342 : i32
    %scan3A_344 = arith.constant 1 : i32
    %scan3A_345 = scf.for %scan3A_481 = %scan3A_341 to %scan3A_343 step %scan3A_344 iter_args(%scan3A_482 = %scan3A_340) -> (i32)  : i32 {
      %mul3A_483 = arith.constant 128 : i32
      %mul3A_484 = vector.broadcast %mul3A_483 : i32 to vector<16xi32>
      %mul3A_485 = arith.muli %iota3A, %mul3A_484 : vector<16xi32>
      %add3A_486 = vector.broadcast %scan3A_481 : i32 to vector<16xi32>
      %add3A_487 = arith.addi %mul3A_485, %add3A_486 : vector<16xi32>
      %gather3A_488 = tpu.vector_load_idx %arg14[%add3A_487] : memref<2048xi32, #tpu.memory_space<vmem>>[vector<16xi32>], vector<16xi32>,
      %mul3A_489 = arith.constant 16 : i32
      %mul3A_490 = vector.broadcast %mul3A_489 : i32 to vector<16xi32>
      %mul3A_491 = arith.muli %gather3A_488, %mul3A_490 : vector<16xi32>
      %add3A_492 = arith.addi %mul3A_491, %iota3A : vector<16xi32>
      %gather3A_493 = tpu.vector_load_idx %arg24[%add3A_492] : memref<128xi32, #tpu.memory_space<vmem>>[vector<16xi32>], vector<16xi32>,
      %add3A_494 = arith.constant 1 : i32
      %add3A_495 = vector.broadcast %add3A_494 : i32 to vector<16xi32>
      %add3A_496 = arith.addi %gather3A_493, %add3A_495 : vector<16xi32>
      tpu.vector_store_idx %arg24[%add3A_492], %add3A_496 : memref<128xi32, #tpu.memory_space<vmem>>[vector<16xi32>], vector<16xi32>,
      %add3A_497 = arith.constant 0 : i32
      %add3A_498 = vector.broadcast %add3A_497 : i32 to vector<16xi32>
      %add3A_499 = arith.addi %add3A_487, %add3A_498 : vector<16xi32>
      tpu.vector_store_idx %arg18[%add3A_499], %gather3A_493 : memref<4096xi32, #tpu.memory_space<vmem>>[vector<16xi32>], vector<16xi32>,
      tpu.vector_store_idx %arg19[%gather3A_493], %add3A_487 : memref<8192xi32, #tpu.memory_space<vmem>>[vector<16xi32>], vector<16xi32>,
      %gather3A_500 = tpu.vector_load_idx %arg16[%add3A_487] : memref<2048xf32, #tpu.memory_space<vmem>>[vector<16xi32>], vector<16xf32>,
      tpu.vector_store_idx %arg20[%gather3A_493], %gather3A_500 : memref<8192xf32, #tpu.memory_space<vmem>>[vector<16xi32>], vector<16xf32>,
      %gather3A_501 = tpu.vector_load_idx %arg15[%add3A_487] : memref<2048xi32, #tpu.memory_space<vmem>>[vector<16xi32>], vector<16xi32>,
      %mul3A_502 = arith.constant 16 : i32
      %mul3A_503 = vector.broadcast %mul3A_502 : i32 to vector<16xi32>
      %mul3A_504 = arith.muli %gather3A_501, %mul3A_503 : vector<16xi32>
      %add3A_505 = arith.addi %mul3A_504, %iota3A : vector<16xi32>
      %gather3A_506 = tpu.vector_load_idx %arg24[%add3A_505] : memref<128xi32, #tpu.memory_space<vmem>>[vector<16xi32>], vector<16xi32>,
      %add3A_507 = arith.constant 1 : i32
      %add3A_508 = vector.broadcast %add3A_507 : i32 to vector<16xi32>
      %add3A_509 = arith.addi %gather3A_506, %add3A_508 : vector<16xi32>
      tpu.vector_store_idx %arg24[%add3A_505], %add3A_509 : memref<128xi32, #tpu.memory_space<vmem>>[vector<16xi32>], vector<16xi32>,
      %add3A_510 = arith.constant 2048 : i32
      %add3A_511 = vector.broadcast %add3A_510 : i32 to vector<16xi32>
      %add3A_512 = arith.addi %add3A_487, %add3A_511 : vector<16xi32>
      tpu.vector_store_idx %arg18[%add3A_512], %gather3A_506 : memref<4096xi32, #tpu.memory_space<vmem>>[vector<16xi32>], vector<16xi32>,
      tpu.vector_store_idx %arg19[%gather3A_506], %add3A_487 : memref<8192xi32, #tpu.memory_space<vmem>>[vector<16xi32>], vector<16xi32>,
      %gather3A_513 = tpu.vector_load_idx %arg17[%add3A_487] : memref<2048xf32, #tpu.memory_space<vmem>>[vector<16xi32>], vector<16xf32>,
      tpu.vector_store_idx %arg20[%gather3A_506], %gather3A_513 : memref<8192xf32, #tpu.memory_space<vmem>>[vector<16xi32>], vector<16xf32>,
      %scan3A_514 = arith.constant 0 : i32
      scf.yield %scan3A_514 : i32
    }
    %scan3A_346 = arith.constant 128 : i32
    %eq3A_347 = arith.constant 0 : i32
    %eq3A_348 = arith.cmpi eq, %add3A, %eq3A_347 : i32
    %convert_element_type3A_349 = arith.extui %eq3A_348 : i1 to i32
    %cond3A = arith.constant 0 : i32
    %cond3A_350 = arith.cmpi ne, %convert_element_type3A_349, %cond3A : i32
    scf.if %cond3A_350 {
      "tpu.region"() ({
        %run_scoped3A = tpu.sem_alloc : memref<!tpu.dma_semaphore, #tpu.memory_space<semaphore_mem>>
        tpu.enqueue_dma source(%arg20 : memref<8192xf32, #tpu.memory_space<vmem>>) target(%arg8 : memref<8192xf32, #tpu.memory_space<hbm>>) target_semaphore(%run_scoped3A : memref<!tpu.dma_semaphore, #tpu.memory_space<semaphore_mem>>)
        tpu.wait_dma2 semaphore(%run_scoped3A : memref<!tpu.dma_semaphore, #tpu.memory_space<semaphore_mem>>) src(%arg20 : memref<8192xf32, #tpu.memory_space<vmem>>) dst(%arg8 : memref<8192xf32, #tpu.memory_space<hbm>>)
        tpu.yield
      }) : () -> ()
      "tpu.region"() ({
        %run_scoped3A = tpu.sem_alloc : memref<!tpu.dma_semaphore, #tpu.memory_space<semaphore_mem>>
        %dma_start3A = arith.constant 0 : i32
        %dma_start3A_481 = tpu.memref_slice %arg18[%dma_start3A] : memref<4096xi32, #tpu.memory_space<vmem>> -> memref<2048xi32, #tpu.memory_space<vmem>>
        %dma_start3A_482 = arith.constant 0 : i32
        %dma_start3A_483 = tpu.memref_slice %arg18[%dma_start3A_482] : memref<4096xi32, #tpu.memory_space<vmem>> -> memref<2048xi32, #tpu.memory_space<vmem>>
        tpu.enqueue_dma source(%dma_start3A_483 : memref<2048xi32, #tpu.memory_space<vmem>>) target(%arg9 : memref<2048xi32, #tpu.memory_space<hbm>>) target_semaphore(%run_scoped3A : memref<!tpu.dma_semaphore, #tpu.memory_space<semaphore_mem>>)
        %dma_wait3A = arith.constant 0 : i32
        %dma_wait3A_484 = tpu.memref_slice %arg18[%dma_wait3A] : memref<4096xi32, #tpu.memory_space<vmem>> -> memref<2048xi32, #tpu.memory_space<vmem>>
        %dma_wait3A_485 = arith.constant 0 : i32
        %dma_wait3A_486 = tpu.memref_slice %arg18[%dma_wait3A_485] : memref<4096xi32, #tpu.memory_space<vmem>> -> memref<2048xi32, #tpu.memory_space<vmem>>
        tpu.wait_dma2 semaphore(%run_scoped3A : memref<!tpu.dma_semaphore, #tpu.memory_space<semaphore_mem>>) src(%dma_wait3A_486 : memref<2048xi32, #tpu.memory_space<vmem>>) dst(%arg9 : memref<2048xi32, #tpu.memory_space<hbm>>)
        tpu.yield
      }) : () -> ()
      "tpu.region"() ({
        %run_scoped3A = tpu.sem_alloc : memref<!tpu.dma_semaphore, #tpu.memory_space<semaphore_mem>>
        %dma_start3A = arith.constant 2048 : i32
        %dma_start3A_481 = tpu.memref_slice %arg18[%dma_start3A] : memref<4096xi32, #tpu.memory_space<vmem>> -> memref<2048xi32, #tpu.memory_space<vmem>>
        %dma_start3A_482 = arith.constant 2048 : i32
        %dma_start3A_483 = tpu.memref_slice %arg18[%dma_start3A_482] : memref<4096xi32, #tpu.memory_space<vmem>> -> memref<2048xi32, #tpu.memory_space<vmem>>
        tpu.enqueue_dma source(%dma_start3A_483 : memref<2048xi32, #tpu.memory_space<vmem>>) target(%arg10 : memref<2048xi32, #tpu.memory_space<hbm>>) target_semaphore(%run_scoped3A : memref<!tpu.dma_semaphore, #tpu.memory_space<semaphore_mem>>)
        %dma_wait3A = arith.constant 2048 : i32
        %dma_wait3A_484 = tpu.memref_slice %arg18[%dma_wait3A] : memref<4096xi32, #tpu.memory_space<vmem>> -> memref<2048xi32, #tpu.memory_space<vmem>>
        %dma_wait3A_485 = arith.constant 2048 : i32
        %dma_wait3A_486 = tpu.memref_slice %arg18[%dma_wait3A_485] : memref<4096xi32, #tpu.memory_space<vmem>> -> memref<2048xi32, #tpu.memory_space<vmem>>
        tpu.wait_dma2 semaphore(%run_scoped3A : memref<!tpu.dma_semaphore, #tpu.memory_space<semaphore_mem>>) src(%dma_wait3A_486 : memref<2048xi32, #tpu.memory_space<vmem>>) dst(%arg10 : memref<2048xi32, #tpu.memory_space<hbm>>)
        tpu.yield
      }) : () -> ()
      "tpu.region"() ({
        %run_scoped3A = tpu.sem_alloc : memref<!tpu.dma_semaphore, #tpu.memory_space<semaphore_mem>>
        tpu.enqueue_dma source(%arg21 : memref<16xi32, #tpu.memory_space<vmem>>) target(%arg11 : memref<16xi32, #tpu.memory_space<hbm>>) target_semaphore(%run_scoped3A : memref<!tpu.dma_semaphore, #tpu.memory_space<semaphore_mem>>)
        tpu.wait_dma2 semaphore(%run_scoped3A : memref<!tpu.dma_semaphore, #tpu.memory_space<semaphore_mem>>) src(%arg21 : memref<16xi32, #tpu.memory_space<vmem>>) dst(%arg11 : memref<16xi32, #tpu.memory_space<hbm>>)
        tpu.yield
      }) : () -> ()
      "tpu.region"() ({
        %run_scoped3A = tpu.sem_alloc : memref<!tpu.dma_semaphore, #tpu.memory_space<semaphore_mem>>
        tpu.enqueue_dma source(%arg22 : memref<16xi32, #tpu.memory_space<vmem>>) target(%arg12 : memref<16xi32, #tpu.memory_space<hbm>>) target_semaphore(%run_scoped3A : memref<!tpu.dma_semaphore, #tpu.memory_space<semaphore_mem>>)
        tpu.wait_dma2 semaphore(%run_scoped3A : memref<!tpu.dma_semaphore, #tpu.memory_space<semaphore_mem>>) src(%arg22 : memref<16xi32, #tpu.memory_space<vmem>>) dst(%arg12 : memref<16xi32, #tpu.memory_space<hbm>>)
        tpu.yield
      }) : () -> ()
      "tpu.region"() ({
        %run_scoped3A = tpu.sem_alloc : memref<!tpu.dma_semaphore, #tpu.memory_space<semaphore_mem>>
        tpu.enqueue_dma source(%arg23 : memref<16xi32, #tpu.memory_space<vmem>>) target(%arg13 : memref<16xi32, #tpu.memory_space<hbm>>) target_semaphore(%run_scoped3A : memref<!tpu.dma_semaphore, #tpu.memory_space<semaphore_mem>>)
        tpu.wait_dma2 semaphore(%run_scoped3A : memref<!tpu.dma_semaphore, #tpu.memory_space<semaphore_mem>>) src(%arg23 : memref<16xi32, #tpu.memory_space<vmem>>) dst(%arg13 : memref<16xi32, #tpu.memory_space<hbm>>)
        tpu.yield
      }) : () -> ()
    } else {
    }
    %mul3A_351 = arith.constant 256 : i32
    %mul3A_352 = arith.muli %add3A, %mul3A_351 : i32
    %add3A_353 = arith.constant 0 : i32
    %add3A_354 = arith.addi %mul3A_352, %add3A_353 : i32
    %lt3A_355 = arith.cmpi slt, %add3A_354, %shift_left3A_139 : i32
    %convert_element_type3A_356 = arith.extui %lt3A_355 : i1 to i32
    %cond3A_357 = arith.constant 0 : i32
    %cond3A_358 = arith.cmpi ne, %convert_element_type3A_356, %cond3A_357 : i32
    scf.if %cond3A_358 {
      %dma_start3A = tpu.memref_slice %arg19[%add3A_354] : memref<8192xi32, #tpu.memory_space<vmem>> -> memref<32xi32, #tpu.memory_space<vmem>>
      %dma_start3A_481 = arith.constant 0 : i32
      %dma_start3A_482 = arith.constant 0 : i32
      %dma_start3A_483 = tpu.memref_slice %arg6[%dma_start3A_481, %dma_start3A_482] : memref<2048x1024xf32, #tpu.memory_space<hbm>> -> memref<2048x1024xf32, #tpu.memory_space<hbm>>
      tpu.enqueue_indirect_dma source(%dma_start3A_483 : memref<2048x1024xf32, #tpu.memory_space<hbm>>) target(%arg25 : memref<32x1024xf32, #tpu.memory_space<vmem>>) offsets(%dma_start3A : memref<32xi32, #tpu.memory_space<vmem>>) semaphore(%arg27 : memref<!tpu.dma_semaphore, #tpu.memory_space<semaphore_mem>>)
    } else {
    }
    %add3A_359 = arith.constant 0 : i32
    %add3A_360 = arith.addi %mul3A_352, %add3A_359 : i32
    %lt3A_361 = arith.cmpi slt, %add3A_360, %shift_left3A_139 : i32
    %convert_element_type3A_362 = arith.extui %lt3A_361 : i1 to i32
    %cond3A_363 = arith.constant 0 : i32
    %cond3A_364 = arith.cmpi ne, %convert_element_type3A_362, %cond3A_363 : i32
    scf.if %cond3A_364 {
      %dma_wait3A = tpu.memref_slice %arg19[%add3A_360] : memref<8192xi32, #tpu.memory_space<vmem>> -> memref<32xi32, #tpu.memory_space<vmem>>
      %dma_wait3A_481 = arith.constant 0 : i32
      %dma_wait3A_482 = arith.constant 0 : i32
      %dma_wait3A_483 = tpu.memref_slice %arg6[%dma_wait3A_481, %dma_wait3A_482] : memref<2048x1024xf32, #tpu.memory_space<hbm>> -> memref<2048x1024xf32, #tpu.memory_space<hbm>>
      tpu.wait_indirect_dma semaphore(%arg27 : memref<!tpu.dma_semaphore, #tpu.memory_space<semaphore_mem>>) src(%dma_wait3A_483 : memref<2048x1024xf32, #tpu.memory_space<hbm>>) dst(%arg25 : memref<32x1024xf32, #tpu.memory_space<vmem>>)
    } else {
    }
    %add3A_365 = arith.constant 32 : i32
    %add3A_366 = arith.addi %mul3A_352, %add3A_365 : i32
    %lt3A_367 = arith.cmpi slt, %add3A_366, %shift_left3A_139 : i32
    %convert_element_type3A_368 = arith.extui %lt3A_367 : i1 to i32
    %cond3A_369 = arith.constant 0 : i32
    %cond3A_370 = arith.cmpi ne, %convert_element_type3A_368, %cond3A_369 : i32
    scf.if %cond3A_370 {
      %dma_start3A = tpu.memref_slice %arg19[%add3A_366] : memref<8192xi32, #tpu.memory_space<vmem>> -> memref<32xi32, #tpu.memory_space<vmem>>
      %dma_start3A_481 = arith.constant 0 : i32
      %dma_start3A_482 = arith.constant 0 : i32
      %dma_start3A_483 = tpu.memref_slice %arg6[%dma_start3A_481, %dma_start3A_482] : memref<2048x1024xf32, #tpu.memory_space<hbm>> -> memref<2048x1024xf32, #tpu.memory_space<hbm>>
      tpu.enqueue_indirect_dma source(%dma_start3A_483 : memref<2048x1024xf32, #tpu.memory_space<hbm>>) target(%arg26 : memref<32x1024xf32, #tpu.memory_space<vmem>>) offsets(%dma_start3A : memref<32xi32, #tpu.memory_space<vmem>>) semaphore(%arg28 : memref<!tpu.dma_semaphore, #tpu.memory_space<semaphore_mem>>)
    } else {
    }
    %lt3A_371 = arith.cmpi slt, %add3A_360, %shift_left3A_139 : i32
    %convert_element_type3A_372 = arith.extui %lt3A_371 : i1 to i32
    %cond3A_373 = arith.constant 0 : i32
    %cond3A_374 = arith.cmpi ne, %convert_element_type3A_372, %cond3A_373 : i32
    scf.if %cond3A_374 {
      "tpu.region"() ({
        %run_scoped3A = tpu.sem_alloc : memref<!tpu.dma_semaphore, #tpu.memory_space<semaphore_mem>>
        %dma_start3A = arith.constant 0 : i32
        %dma_start3A_481 = tpu.memref_slice %arg7[%add3A_360, %dma_start3A] : memref<8192x1024xf32, #tpu.memory_space<hbm>> -> memref<32x1024xf32, #tpu.memory_space<hbm>>
        %dma_start3A_482 = arith.constant 0 : i32
        %dma_start3A_483 = tpu.memref_slice %arg7[%add3A_360, %dma_start3A_482] : memref<8192x1024xf32, #tpu.memory_space<hbm>> -> memref<32x1024xf32, #tpu.memory_space<hbm>>
        tpu.enqueue_dma source(%arg25 : memref<32x1024xf32, #tpu.memory_space<vmem>>) target(%dma_start3A_483 : memref<32x1024xf32, #tpu.memory_space<hbm>>) target_semaphore(%run_scoped3A : memref<!tpu.dma_semaphore, #tpu.memory_space<semaphore_mem>>)
        %dma_wait3A = arith.constant 0 : i32
        %dma_wait3A_484 = tpu.memref_slice %arg7[%add3A_360, %dma_wait3A] : memref<8192x1024xf32, #tpu.memory_space<hbm>> -> memref<32x1024xf32, #tpu.memory_space<hbm>>
        %dma_wait3A_485 = arith.constant 0 : i32
        %dma_wait3A_486 = tpu.memref_slice %arg7[%add3A_360, %dma_wait3A_485] : memref<8192x1024xf32, #tpu.memory_space<hbm>> -> memref<32x1024xf32, #tpu.memory_space<hbm>>
        tpu.wait_dma2 semaphore(%run_scoped3A : memref<!tpu.dma_semaphore, #tpu.memory_space<semaphore_mem>>) src(%arg25 : memref<32x1024xf32, #tpu.memory_space<vmem>>) dst(%dma_wait3A_486 : memref<32x1024xf32, #tpu.memory_space<hbm>>)
        tpu.yield
      }) : () -> ()
    } else {
    }
    %add3A_375 = arith.constant 32 : i32
    %add3A_376 = arith.addi %mul3A_352, %add3A_375 : i32
    %lt3A_377 = arith.cmpi slt, %add3A_376, %shift_left3A_139 : i32
    %convert_element_type3A_378 = arith.extui %lt3A_377 : i1 to i32
    %cond3A_379 = arith.constant 0 : i32
    %cond3A_380 = arith.cmpi ne, %convert_element_type3A_378, %cond3A_379 : i32
    scf.if %cond3A_380 {
      %dma_wait3A = tpu.memref_slice %arg19[%add3A_376] : memref<8192xi32, #tpu.memory_space<vmem>> -> memref<32xi32, #tpu.memory_space<vmem>>
      %dma_wait3A_481 = arith.constant 0 : i32
      %dma_wait3A_482 = arith.constant 0 : i32
      %dma_wait3A_483 = tpu.memref_slice %arg6[%dma_wait3A_481, %dma_wait3A_482] : memref<2048x1024xf32, #tpu.memory_space<hbm>> -> memref<2048x1024xf32, #tpu.memory_space<hbm>>
      tpu.wait_indirect_dma semaphore(%arg28 : memref<!tpu.dma_semaphore, #tpu.memory_space<semaphore_mem>>) src(%dma_wait3A_483 : memref<2048x1024xf32, #tpu.memory_space<hbm>>) dst(%arg26 : memref<32x1024xf32, #tpu.memory_space<vmem>>)
    } else {
    }
    %add3A_381 = arith.constant 64 : i32
    %add3A_382 = arith.addi %mul3A_352, %add3A_381 : i32
    %lt3A_383 = arith.cmpi slt, %add3A_382, %shift_left3A_139 : i32
    %convert_element_type3A_384 = arith.extui %lt3A_383 : i1 to i32
    %cond3A_385 = arith.constant 0 : i32
    %cond3A_386 = arith.cmpi ne, %convert_element_type3A_384, %cond3A_385 : i32
    scf.if %cond3A_386 {
      %dma_start3A = tpu.memref_slice %arg19[%add3A_382] : memref<8192xi32, #tpu.memory_space<vmem>> -> memref<32xi32, #tpu.memory_space<vmem>>
      %dma_start3A_481 = arith.constant 0 : i32
      %dma_start3A_482 = arith.constant 0 : i32
      %dma_start3A_483 = tpu.memref_slice %arg6[%dma_start3A_481, %dma_start3A_482] : memref<2048x1024xf32, #tpu.memory_space<hbm>> -> memref<2048x1024xf32, #tpu.memory_space<hbm>>
      tpu.enqueue_indirect_dma source(%dma_start3A_483 : memref<2048x1024xf32, #tpu.memory_space<hbm>>) target(%arg25 : memref<32x1024xf32, #tpu.memory_space<vmem>>) offsets(%dma_start3A : memref<32xi32, #tpu.memory_space<vmem>>) semaphore(%arg27 : memref<!tpu.dma_semaphore, #tpu.memory_space<semaphore_mem>>)
    } else {
    }
    %lt3A_387 = arith.cmpi slt, %add3A_376, %shift_left3A_139 : i32
    %convert_element_type3A_388 = arith.extui %lt3A_387 : i1 to i32
    %cond3A_389 = arith.constant 0 : i32
    %cond3A_390 = arith.cmpi ne, %convert_element_type3A_388, %cond3A_389 : i32
    scf.if %cond3A_390 {
      "tpu.region"() ({
        %run_scoped3A = tpu.sem_alloc : memref<!tpu.dma_semaphore, #tpu.memory_space<semaphore_mem>>
        %dma_start3A = arith.constant 0 : i32
        %dma_start3A_481 = tpu.memref_slice %arg7[%add3A_376, %dma_start3A] : memref<8192x1024xf32, #tpu.memory_space<hbm>> -> memref<32x1024xf32, #tpu.memory_space<hbm>>
        %dma_start3A_482 = arith.constant 0 : i32
        %dma_start3A_483 = tpu.memref_slice %arg7[%add3A_376, %dma_start3A_482] : memref<8192x1024xf32, #tpu.memory_space<hbm>> -> memref<32x1024xf32, #tpu.memory_space<hbm>>
        tpu.enqueue_dma source(%arg26 : memref<32x1024xf32, #tpu.memory_space<vmem>>) target(%dma_start3A_483 : memref<32x1024xf32, #tpu.memory_space<hbm>>) target_semaphore(%run_scoped3A : memref<!tpu.dma_semaphore, #tpu.memory_space<semaphore_mem>>)
        %dma_wait3A = arith.constant 0 : i32
        %dma_wait3A_484 = tpu.memref_slice %arg7[%add3A_376, %dma_wait3A] : memref<8192x1024xf32, #tpu.memory_space<hbm>> -> memref<32x1024xf32, #tpu.memory_space<hbm>>
        %dma_wait3A_485 = arith.constant 0 : i32
        %dma_wait3A_486 = tpu.memref_slice %arg7[%add3A_376, %dma_wait3A_485] : memref<8192x1024xf32, #tpu.memory_space<hbm>> -> memref<32x1024xf32, #tpu.memory_space<hbm>>
        tpu.wait_dma2 semaphore(%run_scoped3A : memref<!tpu.dma_semaphore, #tpu.memory_space<semaphore_mem>>) src(%arg26 : memref<32x1024xf32, #tpu.memory_space<vmem>>) dst(%dma_wait3A_486 : memref<32x1024xf32, #tpu.memory_space<hbm>>)
        tpu.yield
      }) : () -> ()
    } else {
    }
    %add3A_391 = arith.constant 64 : i32
    %add3A_392 = arith.addi %mul3A_352, %add3A_391 : i32
    %lt3A_393 = arith.cmpi slt, %add3A_392, %shift_left3A_139 : i32
    %convert_element_type3A_394 = arith.extui %lt3A_393 : i1 to i32
    %cond3A_395 = arith.constant 0 : i32
    %cond3A_396 = arith.cmpi ne, %convert_element_type3A_394, %cond3A_395 : i32
    scf.if %cond3A_396 {
      %dma_wait3A = tpu.memref_slice %arg19[%add3A_392] : memref<8192xi32, #tpu.memory_space<vmem>> -> memref<32xi32, #tpu.memory_space<vmem>>
      %dma_wait3A_481 = arith.constant 0 : i32
      %dma_wait3A_482 = arith.constant 0 : i32
      %dma_wait3A_483 = tpu.memref_slice %arg6[%dma_wait3A_481, %dma_wait3A_482] : memref<2048x1024xf32, #tpu.memory_space<hbm>> -> memref<2048x1024xf32, #tpu.memory_space<hbm>>
      tpu.wait_indirect_dma semaphore(%arg27 : memref<!tpu.dma_semaphore, #tpu.memory_space<semaphore_mem>>) src(%dma_wait3A_483 : memref<2048x1024xf32, #tpu.memory_space<hbm>>) dst(%arg25 : memref<32x1024xf32, #tpu.memory_space<vmem>>)
    } else {
    }
    %add3A_397 = arith.constant 96 : i32
    %add3A_398 = arith.addi %mul3A_352, %add3A_397 : i32
    %lt3A_399 = arith.cmpi slt, %add3A_398, %shift_left3A_139 : i32
    %convert_element_type3A_400 = arith.extui %lt3A_399 : i1 to i32
    %cond3A_401 = arith.constant 0 : i32
    %cond3A_402 = arith.cmpi ne, %convert_element_type3A_400, %cond3A_401 : i32
    scf.if %cond3A_402 {
      %dma_start3A = tpu.memref_slice %arg19[%add3A_398] : memref<8192xi32, #tpu.memory_space<vmem>> -> memref<32xi32, #tpu.memory_space<vmem>>
      %dma_start3A_481 = arith.constant 0 : i32
      %dma_start3A_482 = arith.constant 0 : i32
      %dma_start3A_483 = tpu.memref_slice %arg6[%dma_start3A_481, %dma_start3A_482] : memref<2048x1024xf32, #tpu.memory_space<hbm>> -> memref<2048x1024xf32, #tpu.memory_space<hbm>>
      tpu.enqueue_indirect_dma source(%dma_start3A_483 : memref<2048x1024xf32, #tpu.memory_space<hbm>>) target(%arg26 : memref<32x1024xf32, #tpu.memory_space<vmem>>) offsets(%dma_start3A : memref<32xi32, #tpu.memory_space<vmem>>) semaphore(%arg28 : memref<!tpu.dma_semaphore, #tpu.memory_space<semaphore_mem>>)
    } else {
    }
    %lt3A_403 = arith.cmpi slt, %add3A_392, %shift_left3A_139 : i32
    %convert_element_type3A_404 = arith.extui %lt3A_403 : i1 to i32
    %cond3A_405 = arith.constant 0 : i32
    %cond3A_406 = arith.cmpi ne, %convert_element_type3A_404, %cond3A_405 : i32
    scf.if %cond3A_406 {
      "tpu.region"() ({
        %run_scoped3A = tpu.sem_alloc : memref<!tpu.dma_semaphore, #tpu.memory_space<semaphore_mem>>
        %dma_start3A = arith.constant 0 : i32
        %dma_start3A_481 = tpu.memref_slice %arg7[%add3A_392, %dma_start3A] : memref<8192x1024xf32, #tpu.memory_space<hbm>> -> memref<32x1024xf32, #tpu.memory_space<hbm>>
        %dma_start3A_482 = arith.constant 0 : i32
        %dma_start3A_483 = tpu.memref_slice %arg7[%add3A_392, %dma_start3A_482] : memref<8192x1024xf32, #tpu.memory_space<hbm>> -> memref<32x1024xf32, #tpu.memory_space<hbm>>
        tpu.enqueue_dma source(%arg25 : memref<32x1024xf32, #tpu.memory_space<vmem>>) target(%dma_start3A_483 : memref<32x1024xf32, #tpu.memory_space<hbm>>) target_semaphore(%run_scoped3A : memref<!tpu.dma_semaphore, #tpu.memory_space<semaphore_mem>>)
        %dma_wait3A = arith.constant 0 : i32
        %dma_wait3A_484 = tpu.memref_slice %arg7[%add3A_392, %dma_wait3A] : memref<8192x1024xf32, #tpu.memory_space<hbm>> -> memref<32x1024xf32, #tpu.memory_space<hbm>>
        %dma_wait3A_485 = arith.constant 0 : i32
        %dma_wait3A_486 = tpu.memref_slice %arg7[%add3A_392, %dma_wait3A_485] : memref<8192x1024xf32, #tpu.memory_space<hbm>> -> memref<32x1024xf32, #tpu.memory_space<hbm>>
        tpu.wait_dma2 semaphore(%run_scoped3A : memref<!tpu.dma_semaphore, #tpu.memory_space<semaphore_mem>>) src(%arg25 : memref<32x1024xf32, #tpu.memory_space<vmem>>) dst(%dma_wait3A_486 : memref<32x1024xf32, #tpu.memory_space<hbm>>)
        tpu.yield
      }) : () -> ()
    } else {
    }
    %add3A_407 = arith.constant 96 : i32
    %add3A_408 = arith.addi %mul3A_352, %add3A_407 : i32
    %lt3A_409 = arith.cmpi slt, %add3A_408, %shift_left3A_139 : i32
    %convert_element_type3A_410 = arith.extui %lt3A_409 : i1 to i32
    %cond3A_411 = arith.constant 0 : i32
    %cond3A_412 = arith.cmpi ne, %convert_element_type3A_410, %cond3A_411 : i32
    scf.if %cond3A_412 {
      %dma_wait3A = tpu.memref_slice %arg19[%add3A_408] : memref<8192xi32, #tpu.memory_space<vmem>> -> memref<32xi32, #tpu.memory_space<vmem>>
      %dma_wait3A_481 = arith.constant 0 : i32
      %dma_wait3A_482 = arith.constant 0 : i32
      %dma_wait3A_483 = tpu.memref_slice %arg6[%dma_wait3A_481, %dma_wait3A_482] : memref<2048x1024xf32, #tpu.memory_space<hbm>> -> memref<2048x1024xf32, #tpu.memory_space<hbm>>
      tpu.wait_indirect_dma semaphore(%arg28 : memref<!tpu.dma_semaphore, #tpu.memory_space<semaphore_mem>>) src(%dma_wait3A_483 : memref<2048x1024xf32, #tpu.memory_space<hbm>>) dst(%arg26 : memref<32x1024xf32, #tpu.memory_space<vmem>>)
    } else {
    }
    %add3A_413 = arith.constant 128 : i32
    %add3A_414 = arith.addi %mul3A_352, %add3A_413 : i32
    %lt3A_415 = arith.cmpi slt, %add3A_414, %shift_left3A_139 : i32
    %convert_element_type3A_416 = arith.extui %lt3A_415 : i1 to i32
    %cond3A_417 = arith.constant 0 : i32
    %cond3A_418 = arith.cmpi ne, %convert_element_type3A_416, %cond3A_417 : i32
    scf.if %cond3A_418 {
      %dma_start3A = tpu.memref_slice %arg19[%add3A_414] : memref<8192xi32, #tpu.memory_space<vmem>> -> memref<32xi32, #tpu.memory_space<vmem>>
      %dma_start3A_481 = arith.constant 0 : i32
      %dma_start3A_482 = arith.constant 0 : i32
      %dma_start3A_483 = tpu.memref_slice %arg6[%dma_start3A_481, %dma_start3A_482] : memref<2048x1024xf32, #tpu.memory_space<hbm>> -> memref<2048x1024xf32, #tpu.memory_space<hbm>>
      tpu.enqueue_indirect_dma source(%dma_start3A_483 : memref<2048x1024xf32, #tpu.memory_space<hbm>>) target(%arg25 : memref<32x1024xf32, #tpu.memory_space<vmem>>) offsets(%dma_start3A : memref<32xi32, #tpu.memory_space<vmem>>) semaphore(%arg27 : memref<!tpu.dma_semaphore, #tpu.memory_space<semaphore_mem>>)
    } else {
    }
    %lt3A_419 = arith.cmpi slt, %add3A_408, %shift_left3A_139 : i32
    %convert_element_type3A_420 = arith.extui %lt3A_419 : i1 to i32
    %cond3A_421 = arith.constant 0 : i32
    %cond3A_422 = arith.cmpi ne, %convert_element_type3A_420, %cond3A_421 : i32
    scf.if %cond3A_422 {
      "tpu.region"() ({
        %run_scoped3A = tpu.sem_alloc : memref<!tpu.dma_semaphore, #tpu.memory_space<semaphore_mem>>
        %dma_start3A = arith.constant 0 : i32
        %dma_start3A_481 = tpu.memref_slice %arg7[%add3A_408, %dma_start3A] : memref<8192x1024xf32, #tpu.memory_space<hbm>> -> memref<32x1024xf32, #tpu.memory_space<hbm>>
        %dma_start3A_482 = arith.constant 0 : i32
        %dma_start3A_483 = tpu.memref_slice %arg7[%add3A_408, %dma_start3A_482] : memref<8192x1024xf32, #tpu.memory_space<hbm>> -> memref<32x1024xf32, #tpu.memory_space<hbm>>
        tpu.enqueue_dma source(%arg26 : memref<32x1024xf32, #tpu.memory_space<vmem>>) target(%dma_start3A_483 : memref<32x1024xf32, #tpu.memory_space<hbm>>) target_semaphore(%run_scoped3A : memref<!tpu.dma_semaphore, #tpu.memory_space<semaphore_mem>>)
        %dma_wait3A = arith.constant 0 : i32
        %dma_wait3A_484 = tpu.memref_slice %arg7[%add3A_408, %dma_wait3A] : memref<8192x1024xf32, #tpu.memory_space<hbm>> -> memref<32x1024xf32, #tpu.memory_space<hbm>>
        %dma_wait3A_485 = arith.constant 0 : i32
        %dma_wait3A_486 = tpu.memref_slice %arg7[%add3A_408, %dma_wait3A_485] : memref<8192x1024xf32, #tpu.memory_space<hbm>> -> memref<32x1024xf32, #tpu.memory_space<hbm>>
        tpu.wait_dma2 semaphore(%run_scoped3A : memref<!tpu.dma_semaphore, #tpu.memory_space<semaphore_mem>>) src(%arg26 : memref<32x1024xf32, #tpu.memory_space<vmem>>) dst(%dma_wait3A_486 : memref<32x1024xf32, #tpu.memory_space<hbm>>)
        tpu.yield
      }) : () -> ()
    } else {
    }
    %add3A_423 = arith.constant 128 : i32
    %add3A_424 = arith.addi %mul3A_352, %add3A_423 : i32
    %lt3A_425 = arith.cmpi slt, %add3A_424, %shift_left3A_139 : i32
    %convert_element_type3A_426 = arith.extui %lt3A_425 : i1 to i32
    %cond3A_427 = arith.constant 0 : i32
    %cond3A_428 = arith.cmpi ne, %convert_element_type3A_426, %cond3A_427 : i32
    scf.if %cond3A_428 {
      %dma_wait3A = tpu.memref_slice %arg19[%add3A_424] : memref<8192xi32, #tpu.memory_space<vmem>> -> memref<32xi32, #tpu.memory_space<vmem>>
      %dma_wait3A_481 = arith.constant 0 : i32
      %dma_wait3A_482 = arith.constant 0 : i32
      %dma_wait3A_483 = tpu.memref_slice %arg6[%dma_wait3A_481, %dma_wait3A_482] : memref<2048x1024xf32, #tpu.memory_space<hbm>> -> memref<2048x1024xf32, #tpu.memory_space<hbm>>
      tpu.wait_indirect_dma semaphore(%arg27 : memref<!tpu.dma_semaphore, #tpu.memory_space<semaphore_mem>>) src(%dma_wait3A_483 : memref<2048x1024xf32, #tpu.memory_space<hbm>>) dst(%arg25 : memref<32x1024xf32, #tpu.memory_space<vmem>>)
    } else {
    }
    %add3A_429 = arith.constant 160 : i32
    %add3A_430 = arith.addi %mul3A_352, %add3A_429 : i32
    %lt3A_431 = arith.cmpi slt, %add3A_430, %shift_left3A_139 : i32
    %convert_element_type3A_432 = arith.extui %lt3A_431 : i1 to i32
    %cond3A_433 = arith.constant 0 : i32
    %cond3A_434 = arith.cmpi ne, %convert_element_type3A_432, %cond3A_433 : i32
    scf.if %cond3A_434 {
      %dma_start3A = tpu.memref_slice %arg19[%add3A_430] : memref<8192xi32, #tpu.memory_space<vmem>> -> memref<32xi32, #tpu.memory_space<vmem>>
      %dma_start3A_481 = arith.constant 0 : i32
      %dma_start3A_482 = arith.constant 0 : i32
      %dma_start3A_483 = tpu.memref_slice %arg6[%dma_start3A_481, %dma_start3A_482] : memref<2048x1024xf32, #tpu.memory_space<hbm>> -> memref<2048x1024xf32, #tpu.memory_space<hbm>>
      tpu.enqueue_indirect_dma source(%dma_start3A_483 : memref<2048x1024xf32, #tpu.memory_space<hbm>>) target(%arg26 : memref<32x1024xf32, #tpu.memory_space<vmem>>) offsets(%dma_start3A : memref<32xi32, #tpu.memory_space<vmem>>) semaphore(%arg28 : memref<!tpu.dma_semaphore, #tpu.memory_space<semaphore_mem>>)
    } else {
    }
    %lt3A_435 = arith.cmpi slt, %add3A_424, %shift_left3A_139 : i32
    %convert_element_type3A_436 = arith.extui %lt3A_435 : i1 to i32
    %cond3A_437 = arith.constant 0 : i32
    %cond3A_438 = arith.cmpi ne, %convert_element_type3A_436, %cond3A_437 : i32
    scf.if %cond3A_438 {
      "tpu.region"() ({
        %run_scoped3A = tpu.sem_alloc : memref<!tpu.dma_semaphore, #tpu.memory_space<semaphore_mem>>
        %dma_start3A = arith.constant 0 : i32
        %dma_start3A_481 = tpu.memref_slice %arg7[%add3A_424, %dma_start3A] : memref<8192x1024xf32, #tpu.memory_space<hbm>> -> memref<32x1024xf32, #tpu.memory_space<hbm>>
        %dma_start3A_482 = arith.constant 0 : i32
        %dma_start3A_483 = tpu.memref_slice %arg7[%add3A_424, %dma_start3A_482] : memref<8192x1024xf32, #tpu.memory_space<hbm>> -> memref<32x1024xf32, #tpu.memory_space<hbm>>
        tpu.enqueue_dma source(%arg25 : memref<32x1024xf32, #tpu.memory_space<vmem>>) target(%dma_start3A_483 : memref<32x1024xf32, #tpu.memory_space<hbm>>) target_semaphore(%run_scoped3A : memref<!tpu.dma_semaphore, #tpu.memory_space<semaphore_mem>>)
        %dma_wait3A = arith.constant 0 : i32
        %dma_wait3A_484 = tpu.memref_slice %arg7[%add3A_424, %dma_wait3A] : memref<8192x1024xf32, #tpu.memory_space<hbm>> -> memref<32x1024xf32, #tpu.memory_space<hbm>>
        %dma_wait3A_485 = arith.constant 0 : i32
        %dma_wait3A_486 = tpu.memref_slice %arg7[%add3A_424, %dma_wait3A_485] : memref<8192x1024xf32, #tpu.memory_space<hbm>> -> memref<32x1024xf32, #tpu.memory_space<hbm>>
        tpu.wait_dma2 semaphore(%run_scoped3A : memref<!tpu.dma_semaphore, #tpu.memory_space<semaphore_mem>>) src(%arg25 : memref<32x1024xf32, #tpu.memory_space<vmem>>) dst(%dma_wait3A_486 : memref<32x1024xf32, #tpu.memory_space<hbm>>)
        tpu.yield
      }) : () -> ()
    } else {
    }
    %add3A_439 = arith.constant 160 : i32
    %add3A_440 = arith.addi %mul3A_352, %add3A_439 : i32
    %lt3A_441 = arith.cmpi slt, %add3A_440, %shift_left3A_139 : i32
    %convert_element_type3A_442 = arith.extui %lt3A_441 : i1 to i32
    %cond3A_443 = arith.constant 0 : i32
    %cond3A_444 = arith.cmpi ne, %convert_element_type3A_442, %cond3A_443 : i32
    scf.if %cond3A_444 {
      %dma_wait3A = tpu.memref_slice %arg19[%add3A_440] : memref<8192xi32, #tpu.memory_space<vmem>> -> memref<32xi32, #tpu.memory_space<vmem>>
      %dma_wait3A_481 = arith.constant 0 : i32
      %dma_wait3A_482 = arith.constant 0 : i32
      %dma_wait3A_483 = tpu.memref_slice %arg6[%dma_wait3A_481, %dma_wait3A_482] : memref<2048x1024xf32, #tpu.memory_space<hbm>> -> memref<2048x1024xf32, #tpu.memory_space<hbm>>
      tpu.wait_indirect_dma semaphore(%arg28 : memref<!tpu.dma_semaphore, #tpu.memory_space<semaphore_mem>>) src(%dma_wait3A_483 : memref<2048x1024xf32, #tpu.memory_space<hbm>>) dst(%arg26 : memref<32x1024xf32, #tpu.memory_space<vmem>>)
    } else {
    }
    %add3A_445 = arith.constant 192 : i32
    %add3A_446 = arith.addi %mul3A_352, %add3A_445 : i32
    %lt3A_447 = arith.cmpi slt, %add3A_446, %shift_left3A_139 : i32
    %convert_element_type3A_448 = arith.extui %lt3A_447 : i1 to i32
    %cond3A_449 = arith.constant 0 : i32
    %cond3A_450 = arith.cmpi ne, %convert_element_type3A_448, %cond3A_449 : i32
    scf.if %cond3A_450 {
      %dma_start3A = tpu.memref_slice %arg19[%add3A_446] : memref<8192xi32, #tpu.memory_space<vmem>> -> memref<32xi32, #tpu.memory_space<vmem>>
      %dma_start3A_481 = arith.constant 0 : i32
      %dma_start3A_482 = arith.constant 0 : i32
      %dma_start3A_483 = tpu.memref_slice %arg6[%dma_start3A_481, %dma_start3A_482] : memref<2048x1024xf32, #tpu.memory_space<hbm>> -> memref<2048x1024xf32, #tpu.memory_space<hbm>>
      tpu.enqueue_indirect_dma source(%dma_start3A_483 : memref<2048x1024xf32, #tpu.memory_space<hbm>>) target(%arg25 : memref<32x1024xf32, #tpu.memory_space<vmem>>) offsets(%dma_start3A : memref<32xi32, #tpu.memory_space<vmem>>) semaphore(%arg27 : memref<!tpu.dma_semaphore, #tpu.memory_space<semaphore_mem>>)
    } else {
    }
    %lt3A_451 = arith.cmpi slt, %add3A_440, %shift_left3A_139 : i32
    %convert_element_type3A_452 = arith.extui %lt3A_451 : i1 to i32
    %cond3A_453 = arith.constant 0 : i32
    %cond3A_454 = arith.cmpi ne, %convert_element_type3A_452, %cond3A_453 : i32
    scf.if %cond3A_454 {
      "tpu.region"() ({
        %run_scoped3A = tpu.sem_alloc : memref<!tpu.dma_semaphore, #tpu.memory_space<semaphore_mem>>
        %dma_start3A = arith.constant 0 : i32
        %dma_start3A_481 = tpu.memref_slice %arg7[%add3A_440, %dma_start3A] : memref<8192x1024xf32, #tpu.memory_space<hbm>> -> memref<32x1024xf32, #tpu.memory_space<hbm>>
        %dma_start3A_482 = arith.constant 0 : i32
        %dma_start3A_483 = tpu.memref_slice %arg7[%add3A_440, %dma_start3A_482] : memref<8192x1024xf32, #tpu.memory_space<hbm>> -> memref<32x1024xf32, #tpu.memory_space<hbm>>
        tpu.enqueue_dma source(%arg26 : memref<32x1024xf32, #tpu.memory_space<vmem>>) target(%dma_start3A_483 : memref<32x1024xf32, #tpu.memory_space<hbm>>) target_semaphore(%run_scoped3A : memref<!tpu.dma_semaphore, #tpu.memory_space<semaphore_mem>>)
        %dma_wait3A = arith.constant 0 : i32
        %dma_wait3A_484 = tpu.memref_slice %arg7[%add3A_440, %dma_wait3A] : memref<8192x1024xf32, #tpu.memory_space<hbm>> -> memref<32x1024xf32, #tpu.memory_space<hbm>>
        %dma_wait3A_485 = arith.constant 0 : i32
        %dma_wait3A_486 = tpu.memref_slice %arg7[%add3A_440, %dma_wait3A_485] : memref<8192x1024xf32, #tpu.memory_space<hbm>> -> memref<32x1024xf32, #tpu.memory_space<hbm>>
        tpu.wait_dma2 semaphore(%run_scoped3A : memref<!tpu.dma_semaphore, #tpu.memory_space<semaphore_mem>>) src(%arg26 : memref<32x1024xf32, #tpu.memory_space<vmem>>) dst(%dma_wait3A_486 : memref<32x1024xf32, #tpu.memory_space<hbm>>)
        tpu.yield
      }) : () -> ()
    } else {
    }
    %add3A_455 = arith.constant 192 : i32
    %add3A_456 = arith.addi %mul3A_352, %add3A_455 : i32
    %lt3A_457 = arith.cmpi slt, %add3A_456, %shift_left3A_139 : i32
    %convert_element_type3A_458 = arith.extui %lt3A_457 : i1 to i32
    %cond3A_459 = arith.constant 0 : i32
    %cond3A_460 = arith.cmpi ne, %convert_element_type3A_458, %cond3A_459 : i32
    scf.if %cond3A_460 {
      %dma_wait3A = tpu.memref_slice %arg19[%add3A_456] : memref<8192xi32, #tpu.memory_space<vmem>> -> memref<32xi32, #tpu.memory_space<vmem>>
      %dma_wait3A_481 = arith.constant 0 : i32
      %dma_wait3A_482 = arith.constant 0 : i32
      %dma_wait3A_483 = tpu.memref_slice %arg6[%dma_wait3A_481, %dma_wait3A_482] : memref<2048x1024xf32, #tpu.memory_space<hbm>> -> memref<2048x1024xf32, #tpu.memory_space<hbm>>
      tpu.wait_indirect_dma semaphore(%arg27 : memref<!tpu.dma_semaphore, #tpu.memory_space<semaphore_mem>>) src(%dma_wait3A_483 : memref<2048x1024xf32, #tpu.memory_space<hbm>>) dst(%arg25 : memref<32x1024xf32, #tpu.memory_space<vmem>>)
    } else {
    }
    %add3A_461 = arith.constant 224 : i32
    %add3A_462 = arith.addi %mul3A_352, %add3A_461 : i32
    %lt3A_463 = arith.cmpi slt, %add3A_462, %shift_left3A_139 : i32
    %convert_element_type3A_464 = arith.extui %lt3A_463 : i1 to i32
    %cond3A_465 = arith.constant 0 : i32
    %cond3A_466 = arith.cmpi ne, %convert_element_type3A_464, %cond3A_465 : i32
    scf.if %cond3A_466 {
      %dma_start3A = tpu.memref_slice %arg19[%add3A_462] : memref<8192xi32, #tpu.memory_space<vmem>> -> memref<32xi32, #tpu.memory_space<vmem>>
      %dma_start3A_481 = arith.constant 0 : i32
      %dma_start3A_482 = arith.constant 0 : i32
      %dma_start3A_483 = tpu.memref_slice %arg6[%dma_start3A_481, %dma_start3A_482] : memref<2048x1024xf32, #tpu.memory_space<hbm>> -> memref<2048x1024xf32, #tpu.memory_space<hbm>>
      tpu.enqueue_indirect_dma source(%dma_start3A_483 : memref<2048x1024xf32, #tpu.memory_space<hbm>>) target(%arg26 : memref<32x1024xf32, #tpu.memory_space<vmem>>) offsets(%dma_start3A : memref<32xi32, #tpu.memory_space<vmem>>) semaphore(%arg28 : memref<!tpu.dma_semaphore, #tpu.memory_space<semaphore_mem>>)
    } else {
    }
    %lt3A_467 = arith.cmpi slt, %add3A_456, %shift_left3A_139 : i32
    %convert_element_type3A_468 = arith.extui %lt3A_467 : i1 to i32
    %cond3A_469 = arith.constant 0 : i32
    %cond3A_470 = arith.cmpi ne, %convert_element_type3A_468, %cond3A_469 : i32
    scf.if %cond3A_470 {
      "tpu.region"() ({
        %run_scoped3A = tpu.sem_alloc : memref<!tpu.dma_semaphore, #tpu.memory_space<semaphore_mem>>
        %dma_start3A = arith.constant 0 : i32
        %dma_start3A_481 = tpu.memref_slice %arg7[%add3A_456, %dma_start3A] : memref<8192x1024xf32, #tpu.memory_space<hbm>> -> memref<32x1024xf32, #tpu.memory_space<hbm>>
        %dma_start3A_482 = arith.constant 0 : i32
        %dma_start3A_483 = tpu.memref_slice %arg7[%add3A_456, %dma_start3A_482] : memref<8192x1024xf32, #tpu.memory_space<hbm>> -> memref<32x1024xf32, #tpu.memory_space<hbm>>
        tpu.enqueue_dma source(%arg25 : memref<32x1024xf32, #tpu.memory_space<vmem>>) target(%dma_start3A_483 : memref<32x1024xf32, #tpu.memory_space<hbm>>) target_semaphore(%run_scoped3A : memref<!tpu.dma_semaphore, #tpu.memory_space<semaphore_mem>>)
        %dma_wait3A = arith.constant 0 : i32
        %dma_wait3A_484 = tpu.memref_slice %arg7[%add3A_456, %dma_wait3A] : memref<8192x1024xf32, #tpu.memory_space<hbm>> -> memref<32x1024xf32, #tpu.memory_space<hbm>>
        %dma_wait3A_485 = arith.constant 0 : i32
        %dma_wait3A_486 = tpu.memref_slice %arg7[%add3A_456, %dma_wait3A_485] : memref<8192x1024xf32, #tpu.memory_space<hbm>> -> memref<32x1024xf32, #tpu.memory_space<hbm>>
        tpu.wait_dma2 semaphore(%run_scoped3A : memref<!tpu.dma_semaphore, #tpu.memory_space<semaphore_mem>>) src(%arg25 : memref<32x1024xf32, #tpu.memory_space<vmem>>) dst(%dma_wait3A_486 : memref<32x1024xf32, #tpu.memory_space<hbm>>)
        tpu.yield
      }) : () -> ()
    } else {
    }
    %add3A_471 = arith.constant 224 : i32
    %add3A_472 = arith.addi %mul3A_352, %add3A_471 : i32
    %lt3A_473 = arith.cmpi slt, %add3A_472, %shift_left3A_139 : i32
    %convert_element_type3A_474 = arith.extui %lt3A_473 : i1 to i32
    %cond3A_475 = arith.constant 0 : i32
    %cond3A_476 = arith.cmpi ne, %convert_element_type3A_474, %cond3A_475 : i32
    scf.if %cond3A_476 {
      %dma_wait3A = tpu.memref_slice %arg19[%add3A_472] : memref<8192xi32, #tpu.memory_space<vmem>> -> memref<32xi32, #tpu.memory_space<vmem>>
      %dma_wait3A_481 = arith.constant 0 : i32
      %dma_wait3A_482 = arith.constant 0 : i32
      %dma_wait3A_483 = tpu.memref_slice %arg6[%dma_wait3A_481, %dma_wait3A_482] : memref<2048x1024xf32, #tpu.memory_space<hbm>> -> memref<2048x1024xf32, #tpu.memory_space<hbm>>
      tpu.wait_indirect_dma semaphore(%arg28 : memref<!tpu.dma_semaphore, #tpu.memory_space<semaphore_mem>>) src(%dma_wait3A_483 : memref<2048x1024xf32, #tpu.memory_space<hbm>>) dst(%arg26 : memref<32x1024xf32, #tpu.memory_space<vmem>>)
    } else {
    }
    %lt3A_477 = arith.cmpi slt, %add3A_472, %shift_left3A_139 : i32
    %convert_element_type3A_478 = arith.extui %lt3A_477 : i1 to i32
    %cond3A_479 = arith.constant 0 : i32
    %cond3A_480 = arith.cmpi ne, %convert_element_type3A_478, %cond3A_479 : i32
    scf.if %cond3A_480 {
      "tpu.region"() ({
        %run_scoped3A = tpu.sem_alloc : memref<!tpu.dma_semaphore, #tpu.memory_space<semaphore_mem>>
        %dma_start3A = arith.constant 0 : i32
        %dma_start3A_481 = tpu.memref_slice %arg7[%add3A_472, %dma_start3A] : memref<8192x1024xf32, #tpu.memory_space<hbm>> -> memref<32x1024xf32, #tpu.memory_space<hbm>>
        %dma_start3A_482 = arith.constant 0 : i32
        %dma_start3A_483 = tpu.memref_slice %arg7[%add3A_472, %dma_start3A_482] : memref<8192x1024xf32, #tpu.memory_space<hbm>> -> memref<32x1024xf32, #tpu.memory_space<hbm>>
        tpu.enqueue_dma source(%arg26 : memref<32x1024xf32, #tpu.memory_space<vmem>>) target(%dma_start3A_483 : memref<32x1024xf32, #tpu.memory_space<hbm>>) target_semaphore(%run_scoped3A : memref<!tpu.dma_semaphore, #tpu.memory_space<semaphore_mem>>)
        %dma_wait3A = arith.constant 0 : i32
        %dma_wait3A_484 = tpu.memref_slice %arg7[%add3A_472, %dma_wait3A] : memref<8192x1024xf32, #tpu.memory_space<hbm>> -> memref<32x1024xf32, #tpu.memory_space<hbm>>
        %dma_wait3A_485 = arith.constant 0 : i32
        %dma_wait3A_486 = tpu.memref_slice %arg7[%add3A_472, %dma_wait3A_485] : memref<8192x1024xf32, #tpu.memory_space<hbm>> -> memref<32x1024xf32, #tpu.memory_space<hbm>>
        tpu.wait_dma2 semaphore(%run_scoped3A : memref<!tpu.dma_semaphore, #tpu.memory_space<semaphore_mem>>) src(%arg26 : memref<32x1024xf32, #tpu.memory_space<vmem>>) dst(%dma_wait3A_486 : memref<32x1024xf32, #tpu.memory_space<hbm>>)
        tpu.yield
      }) : () -> ()
    } else {
    }
    return
  }
}

module attributes {stable_mosaic.version = 14 : i64} {
  func.func @_router_body(%arg0: i32, %arg1: memref<256x1024xf32, #tpu.memory_space<vmem>>, %arg2: memref<8x1024xf32, #tpu.memory_space<vmem>>, %arg3: memref<256x1xi32, #tpu.memory_space<vmem>>, %arg4: memref<256x1xi32, #tpu.memory_space<vmem>>, %arg5: memref<256x1xf32, #tpu.memory_space<vmem>>, %arg6: memref<256x1xf32, #tpu.memory_space<vmem>>) attributes {dimension_semantics = [#tpu.dimension_semantics<arbitrary>], iteration_bounds = array<i64: 8>, scalar_prefetch = 0 : i64, scratch_operands = 0 : i64, tpu.core_type = #tpu.core_type<tc>, window_params = [{transform_indices = @transform_0, window_bounds = array<i64: 256, 1024>}, {pipeline_mode = #tpu.pipeline_mode<synchronous>, transform_indices = @transform_1, window_bounds = array<i64: 8, 1024>}, {transform_indices = @transform_2, window_bounds = array<i64: 256, 1>}, {transform_indices = @transform_3, window_bounds = array<i64: 256, 1>}, {transform_indices = @transform_4, window_bounds = array<i64: 256, 1>}, {transform_indices = @transform_5, window_bounds = array<i64: 256, 1>}]} {
    %get3A = arith.constant 0 : index
    %get3A_0 = arith.constant 0 : index
    %get3A_1 = vector.load %arg1[%get3A, %get3A_0] : memref<256x1024xf32, #tpu.memory_space<vmem>>, vector<256x1024xf32>
    %get3A_2 = arith.constant 0 : index
    %get3A_3 = arith.constant 0 : index
    %get3A_4 = vector.load %arg2[%get3A_2, %get3A_3] : memref<8x1024xf32, #tpu.memory_space<vmem>>, vector<8x1024xf32>
    %dot_general3A = arith.constant dense<0.000000e+00> : vector<256x8xf32>
    %dot_general3A_5 = tpu.matmul %get3A_1, %get3A_4, %dot_general3A {dimension_numbers = #tpu.dot_dimension_numbers<[1], [1], [0], [0], [0, 0, 1, 0], [], []>, transpose_lhs_hint = false} : vector<256x1024xf32>, vector<8x1024xf32>, vector<256x8xf32> -> vector<256x8xf32>
    %iota3A = tpu.iota {dimensions = array<i32: 1>} : vector<256x8xi32>
    %reduce_max3A = arith.constant dense<0xFF800000> : vector<256xf32>
    %reduce_max3A_6 = vector.multi_reduction <maximumf>, %dot_general3A_5, %reduce_max3A [1] : vector<256x8xf32> to vector<256xf32>
    %broadcast_in_dim3A = vector.shape_cast %reduce_max3A_6 : vector<256xf32> to vector<256x1xf32>
    %eq3A = vector.broadcast %broadcast_in_dim3A : vector<256x1xf32> to vector<256x8xf32>
    %eq3A_7 = arith.cmpf oeq, %dot_general3A_5, %eq3A : vector<256x8xf32>
    %jit3A = arith.constant 8 : i32
    %broadcast_in_dim3A_8 = vector.broadcast %jit3A : i32 to vector<256x8xi32>
    %select_n3A = arith.select %eq3A_7, %iota3A, %broadcast_in_dim3A_8 : vector<256x8xi1>, vector<256x8xi32>
    %reduce_min3A = arith.constant dense<2147483647> : vector<256xi32>
    %reduce_min3A_9 = vector.multi_reduction <minsi>, %select_n3A, %reduce_min3A [1] : vector<256x8xi32> to vector<256xi32>
    %broadcast_in_dim3A_10 = vector.shape_cast %reduce_min3A_9 : vector<256xi32> to vector<256x1xi32>
    %eq3A_11 = vector.broadcast %broadcast_in_dim3A_10 : vector<256x1xi32> to vector<256x8xi32>
    %eq3A_12 = arith.cmpi eq, %iota3A, %eq3A_11 : vector<256x8xi32>
    %jit3A_13 = arith.constant 0xFF800000 : f32
    %broadcast_in_dim3A_14 = vector.broadcast %jit3A_13 : f32 to vector<256x8xf32>
    %select_n3A_15 = arith.select %eq3A_12, %broadcast_in_dim3A_14, %dot_general3A_5 : vector<256x8xi1>, vector<256x8xf32>
    %reduce_max3A_16 = arith.constant dense<0xFF800000> : vector<256xf32>
    %reduce_max3A_17 = vector.multi_reduction <maximumf>, %select_n3A_15, %reduce_max3A_16 [1] : vector<256x8xf32> to vector<256xf32>
    %broadcast_in_dim3A_18 = vector.shape_cast %reduce_max3A_17 : vector<256xf32> to vector<256x1xf32>
    %eq3A_19 = vector.broadcast %broadcast_in_dim3A_18 : vector<256x1xf32> to vector<256x8xf32>
    %eq3A_20 = arith.cmpf oeq, %select_n3A_15, %eq3A_19 : vector<256x8xf32>
    %jit3A_21 = arith.constant 8 : i32
    %broadcast_in_dim3A_22 = vector.broadcast %jit3A_21 : i32 to vector<256x8xi32>
    %select_n3A_23 = arith.select %eq3A_20, %iota3A, %broadcast_in_dim3A_22 : vector<256x8xi1>, vector<256x8xi32>
    %reduce_min3A_24 = arith.constant dense<2147483647> : vector<256xi32>
    %reduce_min3A_25 = vector.multi_reduction <minsi>, %select_n3A_23, %reduce_min3A_24 [1] : vector<256x8xi32> to vector<256xi32>
    %broadcast_in_dim3A_26 = vector.shape_cast %reduce_min3A_25 : vector<256xi32> to vector<256x1xi32>
    %sub3A = arith.subf %broadcast_in_dim3A_18, %broadcast_in_dim3A : vector<256x1xf32>
    %exp3A = math.exp %sub3A : vector<256x1xf32>
    %add3A = arith.constant 1.000000e+00 : f32
    %add3A_27 = vector.broadcast %add3A : f32 to vector<256x1xf32>
    %add3A_28 = arith.addf %add3A_27, %exp3A : vector<256x1xf32>
    %div3A = arith.constant 1.000000e+00 : f32
    %div3A_29 = vector.broadcast %div3A : f32 to vector<256x1xf32>
    %div3A_30 = arith.divf %div3A_29, %add3A_28 : vector<256x1xf32>
    %swap3A = arith.constant 0 : index
    %swap3A_31 = arith.constant 0 : index
    %swap3A_32 = vector.load %arg5[%swap3A, %swap3A_31] : memref<256x1xf32, #tpu.memory_space<vmem>>, vector<256x1xf32>
    tpu.vector_store %arg5[%swap3A, %swap3A_31], %div3A_30 {strides = array<i32>} : memref<256x1xf32, #tpu.memory_space<vmem>>, vector<256x1xf32>,
    %add3A_33 = arith.constant 1.000000e+00 : f32
    %add3A_34 = vector.broadcast %add3A_33 : f32 to vector<256x1xf32>
    %add3A_35 = arith.addf %add3A_34, %exp3A : vector<256x1xf32>
    %div3A_36 = arith.divf %exp3A, %add3A_35 : vector<256x1xf32>
    %swap3A_37 = arith.constant 0 : index
    %swap3A_38 = arith.constant 0 : index
    %swap3A_39 = vector.load %arg6[%swap3A_37, %swap3A_38] : memref<256x1xf32, #tpu.memory_space<vmem>>, vector<256x1xf32>
    tpu.vector_store %arg6[%swap3A_37, %swap3A_38], %div3A_36 {strides = array<i32>} : memref<256x1xf32, #tpu.memory_space<vmem>>, vector<256x1xf32>,
    %swap3A_40 = arith.constant 0 : index
    %swap3A_41 = arith.constant 0 : index
    %swap3A_42 = vector.load %arg3[%swap3A_40, %swap3A_41] : memref<256x1xi32, #tpu.memory_space<vmem>>, vector<256x1xi32>
    tpu.vector_store %arg3[%swap3A_40, %swap3A_41], %broadcast_in_dim3A_10 {strides = array<i32>} : memref<256x1xi32, #tpu.memory_space<vmem>>, vector<256x1xi32>,
    %swap3A_43 = arith.constant 0 : index
    %swap3A_44 = arith.constant 0 : index
    %swap3A_45 = vector.load %arg4[%swap3A_43, %swap3A_44] : memref<256x1xi32, #tpu.memory_space<vmem>>, vector<256x1xi32>
    tpu.vector_store %arg4[%swap3A_43, %swap3A_44], %broadcast_in_dim3A_26 {strides = array<i32>} : memref<256x1xi32, #tpu.memory_space<vmem>>, vector<256x1xi32>,
    return
  }
  func.func @transform_0(%arg0: i32) -> (i32, i32) {
    %c0_i32 = arith.constant 0 : i32
    %c0_i32_0 = arith.constant 0 : i32
    return %arg0, %c0_i32 : i32, i32
  }
  func.func @transform_1(%arg0: i32) -> (i32, i32) {
    %c0_i32 = arith.constant 0 : i32
    %c0_i32_0 = arith.constant 0 : i32
    %c0_i32_1 = arith.constant 0 : i32
    return %c0_i32, %c0_i32_0 : i32, i32
  }
  func.func @transform_2(%arg0: i32) -> (i32, i32) {
    %c0_i32 = arith.constant 0 : i32
    %c0_i32_0 = arith.constant 0 : i32
    return %arg0, %c0_i32 : i32, i32
  }
  func.func @transform_3(%arg0: i32) -> (i32, i32) {
    %c0_i32 = arith.constant 0 : i32
    %c0_i32_0 = arith.constant 0 : i32
    return %arg0, %c0_i32 : i32, i32
  }
  func.func @transform_4(%arg0: i32) -> (i32, i32) {
    %c0_i32 = arith.constant 0 : i32
    %c0_i32_0 = arith.constant 0 : i32
    return %arg0, %c0_i32 : i32, i32
  }
  func.func @transform_5(%arg0: i32) -> (i32, i32) {
    %c0_i32 = arith.constant 0 : i32
    %c0_i32_0 = arith.constant 0 : i32
    return %arg0, %c0_i32 : i32, i32
  }
}

module attributes {stable_mosaic.version = 14 : i64} {
  func.func @_expert_body(%arg0: i32, %arg1: i32, %arg2: memref<16xi32, #tpu.memory_space<smem>>, %arg3: memref<16xi32, #tpu.memory_space<smem>>, %arg4: memref<16xi32, #tpu.memory_space<smem>>, %arg5: memref<512x1024xf32, #tpu.memory_space<vmem>>, %arg6: memref<1x512x1xf32, #tpu.memory_space<vmem>>, %arg7: memref<1x512x1024xf32, #tpu.memory_space<vmem>>, %arg8: memref<1x512x1024xf32, #tpu.memory_space<vmem>>, %arg9: memref<1x1024x512xf32, #tpu.memory_space<vmem>>, %arg10: memref<512x1024xf32, #tpu.memory_space<vmem>>) attributes {dimension_semantics = [#tpu.dimension_semantics<arbitrary>, #tpu.dimension_semantics<arbitrary>], iteration_bounds = array<i64: 16, 4>, scalar_prefetch = 3 : i64, scratch_operands = 0 : i64, tpu.core_type = #tpu.core_type<tc>, window_params = [{transform_indices = @transform_0, window_bounds = array<i64: 512, 1024>}, {transform_indices = @transform_1, window_bounds = array<i64: 1, 512, 1>}, {transform_indices = @transform_2, window_bounds = array<i64: 1, 512, 1024>}, {transform_indices = @transform_3, window_bounds = array<i64: 1, 512, 1024>}, {transform_indices = @transform_4, window_bounds = array<i64: 1, 1024, 512>}, {transform_indices = @transform_5, window_bounds = array<i64: 512, 1024>}]} {
    %eq3A = arith.constant 0 : i32
    %eq3A_0 = arith.cmpi eq, %arg1, %eq3A : i32
    %convert_element_type3A = arith.extui %eq3A_0 : i1 to i32
    %cond3A = arith.constant 0 : i32
    %cond3A_1 = arith.cmpi ne, %convert_element_type3A, %cond3A : i32
    scf.if %cond3A_1 {
      %broadcast_in_dim3A = arith.constant 0.000000e+00 : f32
      %broadcast_in_dim3A_12 = vector.broadcast %broadcast_in_dim3A : f32 to vector<512x1024xf32>
      %swap3A = arith.constant 0 : index
      %swap3A_13 = arith.constant 0 : index
      %swap3A_14 = vector.load %arg10[%swap3A, %swap3A_13] : memref<512x1024xf32, #tpu.memory_space<vmem>>, vector<512x1024xf32>
      tpu.vector_store %arg10[%swap3A, %swap3A_13], %broadcast_in_dim3A_12 {strides = array<i32>} : memref<512x1024xf32, #tpu.memory_space<vmem>>, vector<512x1024xf32>,
    } else {
    }
    %get3A = arith.index_cast %arg0 : i32 to index
    %get3A_2 = memref.load %arg3[%get3A] : memref<16xi32, #tpu.memory_space<smem>>
    %ge3A = arith.constant 0 : i32
    %ge3A_3 = arith.cmpi sge, %get3A_2, %ge3A : i32
    %convert_element_type3A_4 = arith.extui %ge3A_3 : i1 to i32
    %cond3A_5 = arith.constant 0 : i32
    %cond3A_6 = arith.cmpi ne, %convert_element_type3A_4, %cond3A_5 : i32
    scf.if %cond3A_6 {
      %get3A_12 = arith.constant 0 : index
      %get3A_13 = arith.constant 0 : index
      %get3A_14 = vector.load %arg5[%get3A_12, %get3A_13] : memref<512x1024xf32, #tpu.memory_space<vmem>>, vector<512x1024xf32>
      %convert_element_type3A_15 = arith.truncf %get3A_14 : vector<512x1024xf32> to vector<512x1024xbf16>
      %get3A_16 = arith.constant 0 : index
      %get3A_17 = arith.constant 0 : index
      %get3A_18 = arith.constant 0 : index
      %get3A_19 = vector.load %arg7[%get3A_16, %get3A_17, %get3A_18] : memref<1x512x1024xf32, #tpu.memory_space<vmem>>, vector<1x512x1024xf32>
      %get3A_20 = vector.shape_cast %get3A_19 : vector<1x512x1024xf32> to vector<512x1024xf32>
      %convert_element_type3A_21 = arith.truncf %get3A_20 : vector<512x1024xf32> to vector<512x1024xbf16>
      %get3A_22 = arith.constant 0 : index
      %get3A_23 = arith.constant 0 : index
      %get3A_24 = arith.constant 0 : index
      %get3A_25 = vector.load %arg8[%get3A_22, %get3A_23, %get3A_24] : memref<1x512x1024xf32, #tpu.memory_space<vmem>>, vector<1x512x1024xf32>
      %get3A_26 = vector.shape_cast %get3A_25 : vector<1x512x1024xf32> to vector<512x1024xf32>
      %convert_element_type3A_27 = arith.truncf %get3A_26 : vector<512x1024xf32> to vector<512x1024xbf16>
      %dot_general3A = arith.constant dense<0.000000e+00> : vector<512x512xf32>
      %dot_general3A_28 = tpu.matmul %convert_element_type3A_15, %convert_element_type3A_21, %dot_general3A {dimension_numbers = #tpu.dot_dimension_numbers<[1], [1], [0], [0], [0, 0, 1, 0], [], []>, transpose_lhs_hint = false} : vector<512x1024xbf16>, vector<512x1024xbf16>, vector<512x512xf32> -> vector<512x512xf32>
      %dot_general3A_29 = arith.constant dense<0.000000e+00> : vector<512x512xf32>
      %dot_general3A_30 = tpu.matmul %convert_element_type3A_15, %convert_element_type3A_27, %dot_general3A_29 {dimension_numbers = #tpu.dot_dimension_numbers<[1], [1], [0], [0], [0, 0, 1, 0], [], []>, transpose_lhs_hint = false} : vector<512x1024xbf16>, vector<512x1024xbf16>, vector<512x512xf32> -> vector<512x512xf32>
      %logistic3A = arith.negf %dot_general3A_28 : vector<512x512xf32>
      %logistic3A_31 = math.exp %logistic3A : vector<512x512xf32>
      %logistic3A_32 = arith.constant 1.000000e+00 : f32
      %logistic3A_33 = vector.broadcast %logistic3A_32 : f32 to vector<512x512xf32>
      %logistic3A_34 = arith.addf %logistic3A_33, %logistic3A_31 : vector<512x512xf32>
      %logistic3A_35 = arith.divf %logistic3A_33, %logistic3A_34 : vector<512x512xf32>
      %mul3A = arith.mulf %dot_general3A_28, %logistic3A_35 : vector<512x512xf32>
      %mul3A_36 = arith.mulf %mul3A, %dot_general3A_30 : vector<512x512xf32>
      %convert_element_type3A_37 = arith.truncf %mul3A_36 : vector<512x512xf32> to vector<512x512xbf16>
      %get3A_38 = arith.constant 0 : index
      %get3A_39 = arith.constant 0 : index
      %get3A_40 = arith.constant 0 : index
      %get3A_41 = vector.load %arg9[%get3A_38, %get3A_39, %get3A_40] : memref<1x1024x512xf32, #tpu.memory_space<vmem>>, vector<1x1024x512xf32>
      %get3A_42 = vector.shape_cast %get3A_41 : vector<1x1024x512xf32> to vector<1024x512xf32>
      %convert_element_type3A_43 = arith.truncf %get3A_42 : vector<1024x512xf32> to vector<1024x512xbf16>
      %dot_general3A_44 = arith.constant dense<0.000000e+00> : vector<512x1024xf32>
      %dot_general3A_45 = tpu.matmul %convert_element_type3A_37, %convert_element_type3A_43, %dot_general3A_44 {dimension_numbers = #tpu.dot_dimension_numbers<[1], [1], [0], [0], [0, 0, 1, 0], [], []>, transpose_lhs_hint = false} : vector<512x512xbf16>, vector<1024x512xbf16>, vector<512x1024xf32> -> vector<512x1024xf32>
      %get3A_46 = arith.constant 0 : index
      %get3A_47 = arith.constant 0 : index
      %get3A_48 = vector.load %arg10[%get3A_46, %get3A_47] : memref<512x1024xf32, #tpu.memory_space<vmem>>, vector<512x1024xf32>
      %add3A = arith.addf %get3A_48, %dot_general3A_45 : vector<512x1024xf32>
      %swap3A = arith.constant 0 : index
      %swap3A_49 = arith.constant 0 : index
      %swap3A_50 = vector.load %arg10[%swap3A, %swap3A_49] : memref<512x1024xf32, #tpu.memory_space<vmem>>, vector<512x1024xf32>
      tpu.vector_store %arg10[%swap3A, %swap3A_49], %add3A {strides = array<i32>} : memref<512x1024xf32, #tpu.memory_space<vmem>>, vector<512x1024xf32>,
    } else {
    }
    %eq3A_7 = arith.constant 3 : i32
    %eq3A_8 = arith.cmpi eq, %arg1, %eq3A_7 : i32
    %convert_element_type3A_9 = arith.extui %eq3A_8 : i1 to i32
    %cond3A_10 = arith.constant 0 : i32
    %cond3A_11 = arith.cmpi ne, %convert_element_type3A_9, %cond3A_10 : i32
    scf.if %cond3A_11 {
      %get3A_12 = arith.constant 0 : index
      %get3A_13 = arith.constant 0 : index
      %get3A_14 = vector.load %arg10[%get3A_12, %get3A_13] : memref<512x1024xf32, #tpu.memory_space<vmem>>, vector<512x1024xf32>
      %get3A_15 = arith.constant 0 : index
      %get3A_16 = arith.constant 0 : index
      %get3A_17 = arith.constant 0 : index
      %get3A_18 = vector.load %arg6[%get3A_15, %get3A_16, %get3A_17] : memref<1x512x1xf32, #tpu.memory_space<vmem>>, vector<1x512x1xf32>
      %get3A_19 = vector.shape_cast %get3A_18 : vector<1x512x1xf32> to vector<512x1xf32>
      %mul3A = vector.broadcast %get3A_19 : vector<512x1xf32> to vector<512x1024xf32>
      %mul3A_20 = arith.mulf %get3A_14, %mul3A : vector<512x1024xf32>
      %swap3A = arith.constant 0 : index
      %swap3A_21 = arith.constant 0 : index
      %swap3A_22 = vector.load %arg10[%swap3A, %swap3A_21] : memref<512x1024xf32, #tpu.memory_space<vmem>>, vector<512x1024xf32>
      tpu.vector_store %arg10[%swap3A, %swap3A_21], %mul3A_20 {strides = array<i32>} : memref<512x1024xf32, #tpu.memory_space<vmem>>, vector<512x1024xf32>,
    } else {
    }
    return
  }
  func.func @transform_0(%arg0: i32, %arg1: i32, %arg2: memref<16xi32, #tpu.memory_space<smem>>, %arg3: memref<16xi32, #tpu.memory_space<smem>>, %arg4: memref<16xi32, #tpu.memory_space<smem>>) -> (i32, i32) {
    %get3A = arith.index_cast %arg0 : i32 to index
    %get3A_0 = memref.load %arg4[%get3A] : memref<16xi32, #tpu.memory_space<smem>>
    %c0_i32 = arith.constant 0 : i32
    %c0_i32_1 = arith.constant 0 : i32
    return %get3A_0, %c0_i32 : i32, i32
  }
  func.func @transform_1(%arg0: i32, %arg1: i32, %arg2: memref<16xi32, #tpu.memory_space<smem>>, %arg3: memref<16xi32, #tpu.memory_space<smem>>, %arg4: memref<16xi32, #tpu.memory_space<smem>>) -> (i32, i32, i32) {
    %get3A = arith.index_cast %arg0 : i32 to index
    %get3A_0 = memref.load %arg4[%get3A] : memref<16xi32, #tpu.memory_space<smem>>
    %c0_i32 = arith.constant 0 : i32
    %c0_i32_1 = arith.constant 0 : i32
    %c0_i32_2 = arith.constant 0 : i32
    return %get3A_0, %c0_i32, %c0_i32_1 : i32, i32, i32
  }
  func.func @transform_2(%arg0: i32, %arg1: i32, %arg2: memref<16xi32, #tpu.memory_space<smem>>, %arg3: memref<16xi32, #tpu.memory_space<smem>>, %arg4: memref<16xi32, #tpu.memory_space<smem>>) -> (i32, i32, i32) {
    %get3A = arith.index_cast %arg0 : i32 to index
    %get3A_0 = memref.load %arg2[%get3A] : memref<16xi32, #tpu.memory_space<smem>>
    %get3A_1 = arith.index_cast %arg0 : i32 to index
    %get3A_2 = memref.load %arg3[%get3A_1] : memref<16xi32, #tpu.memory_space<smem>>
    %ge3A = arith.constant 0 : i32
    %ge3A_3 = arith.cmpi sge, %get3A_2, %ge3A : i32
    %jit3A = arith.constant 3 : i32
    %select_n3A = arith.select %ge3A_3, %arg1, %jit3A : i32
    %c0_i32 = arith.constant 0 : i32
    %c0_i32_4 = arith.constant 0 : i32
    return %get3A_0, %select_n3A, %c0_i32 : i32, i32, i32
  }
  func.func @transform_3(%arg0: i32, %arg1: i32, %arg2: memref<16xi32, #tpu.memory_space<smem>>, %arg3: memref<16xi32, #tpu.memory_space<smem>>, %arg4: memref<16xi32, #tpu.memory_space<smem>>) -> (i32, i32, i32) {
    %get3A = arith.index_cast %arg0 : i32 to index
    %get3A_0 = memref.load %arg2[%get3A] : memref<16xi32, #tpu.memory_space<smem>>
    %get3A_1 = arith.index_cast %arg0 : i32 to index
    %get3A_2 = memref.load %arg3[%get3A_1] : memref<16xi32, #tpu.memory_space<smem>>
    %ge3A = arith.constant 0 : i32
    %ge3A_3 = arith.cmpi sge, %get3A_2, %ge3A : i32
    %jit3A = arith.constant 3 : i32
    %select_n3A = arith.select %ge3A_3, %arg1, %jit3A : i32
    %c0_i32 = arith.constant 0 : i32
    %c0_i32_4 = arith.constant 0 : i32
    return %get3A_0, %select_n3A, %c0_i32 : i32, i32, i32
  }
  func.func @transform_4(%arg0: i32, %arg1: i32, %arg2: memref<16xi32, #tpu.memory_space<smem>>, %arg3: memref<16xi32, #tpu.memory_space<smem>>, %arg4: memref<16xi32, #tpu.memory_space<smem>>) -> (i32, i32, i32) {
    %get3A = arith.index_cast %arg0 : i32 to index
    %get3A_0 = memref.load %arg2[%get3A] : memref<16xi32, #tpu.memory_space<smem>>
    %get3A_1 = arith.index_cast %arg0 : i32 to index
    %get3A_2 = memref.load %arg3[%get3A_1] : memref<16xi32, #tpu.memory_space<smem>>
    %ge3A = arith.constant 0 : i32
    %ge3A_3 = arith.cmpi sge, %get3A_2, %ge3A : i32
    %jit3A = arith.constant 3 : i32
    %select_n3A = arith.select %ge3A_3, %arg1, %jit3A : i32
    %c0_i32 = arith.constant 0 : i32
    %c0_i32_4 = arith.constant 0 : i32
    return %get3A_0, %c0_i32, %select_n3A : i32, i32, i32
  }
  func.func @transform_5(%arg0: i32, %arg1: i32, %arg2: memref<16xi32, #tpu.memory_space<smem>>, %arg3: memref<16xi32, #tpu.memory_space<smem>>, %arg4: memref<16xi32, #tpu.memory_space<smem>>) -> (i32, i32) {
    %c0_i32 = arith.constant 0 : i32
    %c0_i32_0 = arith.constant 0 : i32
    return %arg0, %c0_i32 : i32, i32
  }
}

</mosaic_0001>

<sc_bundles>
// kernel: kernel.6.cloned.1.call-start
scs
__scs_entry_jumppad:
0x0: {  	(pc) =	sbr.rel $0x88, $3  }
0x1: {  	(tag) =	ssettag $0x0;
	lr =	simm.s32 $0x1  }
0x2: {  	[smem:$0x3F9C] =	sst lr;
	_ =	strace $0xD0000000  }
0x3: {  	_ = 	snop  }
0x4: {  	_ = 	snop  }
0x5: {  	_ = 	snop  }
0x6: {  	_ = 	snop  }
0x7: {  	_ = 	snop  }
__scs_overlays_trampoline_lowered:
0x8: {  	[smem:$0x3FAB] =	sst s0  }
0x9: {  	[smem:$0x3FAC] =	sst s1  }
0xa: {  	[smem:$0x3FAD] =	sst s2  }
0xb: {  	[smem:$0x3FAE] =	sst s3  }
0xc: {  	[smem:$0x3FAF] =	sst s4  }
0xd: {  	[smem:$0x3FB0] =	sst s5  }
0xe: {  	[smem:$0x3FB1] =	sst s6  }
0xf: {  	[smem:$0x3FB2] =	sst s7  }
0x10: {  	[smem:$0x3FB3] =	sst s8  }
0x11: {  	[smem:$0x3FB4] =	sst s9;
	s0 =	simm.s32 @!p0 $0x0  }
0x12: {  	s1 =	sld [smem:$0x3F9A];
	s0 =	simm.s32 @p0 $0x1  }
0x13: {  	[smem:$0x3FB5] =	sst s0;
	s0 =	simm.s32 @!p1 $0x0  }
0x14: {  	s2 =	sld [smem:$0x3F99];
	s0 =	simm.s32 @p1 $0x1  }
0x15: {  	[smem:$0x3FB6] =	sst s0;
	s0 =	simm.s32 @!p2 $0x0  }
0x16: {  	s3 =	sld [smem:$0x3FDB];
	s0 =	simm.s32 @p2 $0x1  }
0x17: {  	s4 =	simm.s32 $0x1BF5;
	[smem:$0x3FB8] =	sst s0  }
0x18: {  	s0 =	sld [smem:$0x3F9B];
	_ =	swait.ge [sflag:s4], $0x0  }
0x19: {  	s7 =	sld [smem:$0x3F9C]  }
0x1a: {  	s8 =	sadd.s32 $0xFFFFE003, lr  }
0x1b: {  	s9 =	sadd.s32 $0xFFFFFEF7, lr;
	s5 =	simm.s32 $0xFFFFFFFF;
	p2 =	slt.u32 s8, $0xFFFFF086  }
0x1c: {  	p1 =	slt.u32 s9, $0xF7A;
	s5 =	simm.s32 @!p2 $0x0  }
0x1d: {  	s5 =	simm.s32 @p1 $0x1;
	p0 =	seq.s32 s7, s2  }
0x1e: {  	s7 =	smul.u32 @!p0 $0xF7A, s2;
	p2 =	seq.s32 @!p0 s5, $0x0  }
0x1f: {  	s9 =	smul.u32 $0xF7A, s1;
	s8 =	simm.s32 @!p0 $0x1BF5;
	p2 =	por !p2, p0  }
0x20: {  	[sflag:s8] =	ssyncset.s32 @!p0 $0xFFFFF086;
	s6 =	sadd.s32 @!p0 s3, s7;
	s7 =	simm.s32 @!p0 $0x108  }
0x21: {  	s3 =	sadd.s32 s3, s9;
	s6 =	sadd.s32 @!p0 $0x88, s6;
	s7 =	simm.s32 @p2 $0x1082  }
0x22: {  	[simem:s7], [sflag:s8] =	dma.local @!p0 [hbm:s6], $0xF7A  }
0x23: {  	s9 =	sor.u32 $0xD0000000, s2;
	s6 =	simm.s32 $0x108;
	_ =	swait.ge @!p0 [sflag:s8], $0x0  }
0x24: {  	s3 =	sadd.s32 $0x88, s3;
	s6 =	simm.s32 @!p1 $0x1082;
	[sflag:s4] =	ssyncset.s32 $0xFFFFF086  }
0x25: {  	[simem:s6], [sflag:s4] =	dma.local [hbm:s3], $0xF7A  }
0x26: {  	[smem:$0x3F9C] =	sst s1;
	(tag) =	ssettag s2;
	_ =	strace s9  }
0x27: {  	s1 =	sld [smem:$0x3FAC]  }
0x28: {  	s2 =	sld [smem:$0x3FAD]  }
0x29: {  	s4 =	sld [smem:$0x3FAF]  }
0x2a: {  	p0 =	seq.s32 s5, $0x0;
	s5 =	sld [smem:$0x3FB0]  }
0x2b: {  	s6 =	sld [smem:$0x3FB1]  }
0x2c: {  	s7 =	sld [smem:$0x3FB2]  }
0x2d: {  	s3 =	simm.s32 $0x108;
	s8 =	sld [smem:$0x3FB3]  }
0x2e: {  	s3 =	simm.s32 @!p0 $0x1082;
	s9 =	sld [smem:$0x3FB4]  }
0x2f: {  	lr =	sadd.s32 s0, s3;
	s0 =	sld [smem:$0x3FAB]  }
0x30: {  	s3 =	sld [smem:$0x3FAE]  }
0x31: {  	[smem:$0x3FB7] =	sst s10  }
0x32: {  	s10 =	sld [smem:$0x3FB5];
	_ =	sdelay $0x3  }
0x33: {  	p0 =	seq.s32 s10, $0x1;
	s10 =	sld [smem:$0x3FB7];
	_ =	sdelay $0x3  }
0x34: {  	[smem:$0x3FB7] =	sst s10  }
0x35: {  	s10 =	sld [smem:$0x3FB6];
	_ =	sdelay $0x3  }
0x36: {  	p1 =	seq.s32 s10, $0x1;
	s10 =	sld [smem:$0x3FB7];
	_ =	sdelay $0x3  }
0x37: {  	[smem:$0x3FB7] =	sst s10  }
0x38: {  	s10 =	sld [smem:$0x3FB8]  }
0x39: {  	_ = 	snop;
	(pc) =	sbr.ind lr, $3  }
0x3a: {  	_ = 	snop  }
0x3b: {  	_ = 	snop  }
0x3c: {  	p2 =	seq.s32 s10, $0x1;
	s10 =	sld [smem:$0x3FB7]  }
0x3d: {  	_ =	shalt  }
0x3e: {  	_ =	shalt  }
0x3f: {  	_ =	shalt  }
0x40: {  	_ =	shalt  }
0x41: {  	_ =	shalt  }
0x42: {  	_ =	shalt  }
0x43: {  	_ =	shalt  }
0x44: {  	_ =	shalt  }
0x45: {  	_ =	shalt  }
0x46: {  	_ =	shalt  }
0x47: {  	_ =	shalt  }
0x48: {  	_ =	shalt  }
0x49: {  	_ =	shalt  }
0x4a: {  	_ =	shalt  }
0x4b: {  	_ =	shalt  }
0x4c: {  	_ =	shalt  }
0x4d: {  	_ =	shalt  }
0x4e: {  	_ =	shalt  }
0x4f: {  	_ =	shalt  }
0x50: {  	_ =	shalt  }
0x51: {  	_ =	shalt  }
0x52: {  	_ =	shalt  }
0x53: {  	_ =	shalt  }
0x54: {  	_ =	shalt  }
0x55: {  	_ =	shalt  }
0x56: {  	_ =	shalt  }
0x57: {  	_ =	shalt  }
0x58: {  	_ =	shalt  }
0x59: {  	_ =	shalt  }
0x5a: {  	_ =	shalt  }
0x5b: {  	_ =	shalt  }
0x5c: {  	_ =	shalt  }
0x5d: {  	_ =	shalt  }
0x5e: {  	_ =	shalt  }
0x5f: {  	_ =	shalt  }
0x60: {  	_ =	shalt  }
0x61: {  	_ =	shalt  }
0x62: {  	_ =	shalt  }
0x63: {  	_ =	shalt  }
0x64: {  	_ =	shalt  }
0x65: {  	_ =	shalt  }
0x66: {  	_ =	shalt  }
0x67: {  	_ =	shalt  }
0x68: {  	_ =	shalt  }
0x69: {  	_ =	shalt  }
0x6a: {  	_ =	shalt  }
0x6b: {  	_ =	shalt  }
0x6c: {  	_ =	shalt  }
0x6d: {  	_ =	shalt  }
0x6e: {  	_ =	shalt  }
0x6f: {  	_ =	shalt  }
0x70: {  	_ =	shalt  }
0x71: {  	_ =	shalt  }
0x72: {  	_ =	shalt  }
0x73: {  	_ =	shalt  }
0x74: {  	_ =	shalt  }
0x75: {  	_ =	shalt  }
0x76: {  	_ =	shalt  }
0x77: {  	_ =	shalt  }
0x78: {  	_ =	shalt  }
0x79: {  	_ =	shalt  }
0x7a: {  	_ =	shalt  }
0x7b: {  	_ =	shalt  }
0x7c: {  	_ =	shalt  }
0x7d: {  	_ =	shalt  }
0x7e: {  	_ =	shalt  }
0x7f: {  	_ =	shalt  }
0x80: {  	_ =	shalt  }
0x81: {  	_ =	shalt  }
0x82: {  	_ =	shalt  }
0x83: {  	_ =	shalt  }
0x84: {  	_ =	shalt  }
0x85: {  	_ =	shalt  }
0x86: {  	_ =	shalt  }
0x87: {  	_ =	shalt  }
.Lfunc_end0:
.L_simem_size_0:
called_computation_lowered:
.L_overlay_start_0:
0x88: {  	s2 =	sld [smem:$0x3FD9]  }
0x89: {  	s3 =	sld [smem:$0x3FFE];
	_ =	sdelay $0x1  }
0x8a: {  	s1 =	srdreg.scid  }
0x8b: {  	s0 =	sand.u32 $0x1, s1  }
0x8c: {  	s17 =	sshll.u32 s0, $0xA;
	s2 =	sadd.s32 s3, s2  }
0x8d: {  	s2 =	sadd.s32 s2, s17  }
0x8e: {  	[smem:$0x3FC3] =	sst s2  }
0x8f: {  	_ = 	snop  }
0x90: {  	s2 =	sld [smem:$0x3FC9]  }
0x91: {  	s18 =	sld [smem:$0x3FD0];
	(tm) =	ssettm $0x1  }
0x92: {  	s4 =	sld [smem:$0x3FFB];
	_ =	sdelay $0x3  }
0x93: {  	_ =	strace s4  }
0x94: {  	s4 =	sld [smem:$0x3FFC];
	_ =	sdelay $0x3  }
0x95: {  	_ =	strace s4  }
0x96: {  	s4 =	sld [smem:$0x3FFD];
	_ =	sdelay $0x3  }
0x97: {  	_ =	strace s4  }
0x98: {  	_ =	strace $0x8FFFFFFF  }
0x99: {  	s19 =	sld [smem:$0x3FDB];
	_ =	sdelay $0x1  }
0x9a: {  	s5 =	simm.s32 $_scs_section_size  }
0x9b: {  	s6 =	simm.s32 $_size__tile_overlayer_lowered;
	s7 =	simm.s32 $_tile_overlayer_lowered  }
0x9c: {  	s22 =	simm.s32 $0x1BFF;
	s21 =	sshll.u32 s7, $0x1;
	s4 =	sadd.s32 s5, s19  }
0x9d: {  	s8 =	simm.s32 $0x0;
	s20 =	sshll.u32 s6, $0x1;
	s6 =	sadd.s32 s21, s4  }
0x9e: {  	[timem:s8], [sflag:s22] =	dma.local [hbm:s6], s20  }
0x9f: {  	_ =	swait.ge [sflag:s22], s20  }
0xa0: {  	s5 =	ssub.s32 $0x0, s20;
	[sflag:s22] =	ssyncset.done $0x0  }
0xa1: {  	[sflag:s22] =	ssyncadd.s32 s5;
	_ =	sdelay $0x1  }
0xa2: {  	s23 =	simm.s32 $0x1B8B  }
0xa3: {  	_ =	swait.ge [sflag:s23], $0x1  }
0xa4: {  	[sflag:s23] =	ssyncset.done $0x0  }
0xa5: {  	s25 =	simm.s32 $0x1B8E;
	s24 =	sld [smem:$0x3FFE];
	[sflag:s23] =	ssyncadd.s32 $0xFFFFFFFF  }
0xa6: {  	s26 =	simm.s32 $execute0_lowered;
	[smem:$0x3FD2] =	sst s25  }
0xa7: {  	s6 =	sshll.u32 s26, $0x1;
	_ =	strace $0x80000046;
	[dreg:$0x1] =	wrdreg $0xFFFFFFFF  }
0xa8: {  	s28 =	simm.s32 $_size_execute0_lowered;
	s4 =	sadd.s32 s4, s6;
	[dreg:$0x0] =	wrdreg $0x0  }
0xa9: {  	s6 =	sshll.u32 s28, $0x1;
	[dreg:$0x2] =	wrdreg s4  }
0xaa: {  	[dreg:$0x3] =	wrdreg s6  }
0xab: {  	[dreg:$0x4] =	wrdreg $0xC0  }
0xac: {  	_ =	task [dreg:s8], $0x5FFFF  }
0xad: {  	[dreg:$0x1] =	wrdreg $0xFFFFFFFF  }
0xae: {  	[dreg:$0x0] =	wrdreg $0x60  }
0xaf: {  	[dreg:$0x2] =	wrdreg s24  }
0xb0: {  	[dreg:$0x3] =	wrdreg s2  }
0xb1: {  	[dreg:$0x4] =	wrdreg s18  }
0xb2: {  	[dreg:$0x5] =	wrdreg $0x9  }
0xb3: {  	_ =	task.clear_ibuf [dreg:s8], $0x6FFFF;
	_ =	strace $0x90000046  }
0xb4: {  	s29 =	simm.s32 $0x9;
	_ =	strace $0x80000048  }
0xb5: {  	_ =	swait.ge [sflag:s29], $0x1  }
0xb6: {  	[sflag:s29] =	ssyncadd.s32 $0xFFFFFFFF  }
0xb7: {  	_ =	strace $0x90000048  }
0xb8: {  	_ =	sfence  }
0xb9: {  	s30 =	sld [smem:$0x0];
	_ =	sdelay $0x2  }
0xba: {  	s31 =	sshll.u32 s1, $0xD;
	s1 =	sshrl.u32 s1, $0x2  }
0xbb: {  	s3 =	sand.u32 $0x4000, s31;
	s1 =	sadd.s32 s1, s30  }
0xbc: {  	s0 =	sor.u32 s3, s0;
	s1 =	sshll.u32 s1, $0x11  }
0xbd: {  	s0 =	sor.u32 s1, s0  }
0xbe: {  	s0 =	sadd.s32 $0x8F2B, s0  }
0xbf: {  	[sflag:s0] =	ssyncadd.remote.s32 $0x1  }
0xc0: {  	_ =	sfence.sel $0xFFFF  }
0xc1: {  	[dreg:$0x0] =	wrdreg $0xFFFFFFFF;
	(pc) =	sbr.abs _section_cstart, $3  }
0xc2: {  	[dreg:$0x1] =	wrdreg $0xFFFFFFFF  }
0xc3: {  	_ =	task.clear_ibuf [dreg:s8], $0x2FFFF;
	_ =	strace $0x9FFFFFFF  }
0xc4: {  	(tm) =	ssettm $0x7FFFFFFF  }
0xc5: {  	_ =	shalt  }
tec
execute0_lowered:
.L_overlay_start_1:
0x0: {  	(tag) =	ssettag $0x1  }
0x1: {  	s0 =	rddreg [dreg:$0x0]  }
0x2: {  	s1 =	rddreg [dreg:$0x1];
	s4 =	simm.s32 $0x0;
	s2 =	srdreg.scid  }
0x3: {  	s3 =	stileid.u32;
	[smem:$0x7FF] =	sst s4;
	s2 =	sand.u32 $0x1, s2  }
0x4: {  	s3 =	sshll.u32 s3, $0x1;
	s5 =	sadd.s32 $0x200, s0;
	s28 =	sadd.s32 $0x1000, s0  }
0x5: {  	s22 =	sadd.s32 $0x400, s0;
	_ =	strace $0x80000047;
	[dreg:$0x4] =	wrdreg s5  }
0x6: {  	s23 =	sadd.s32 $0x600, s0;
	s24 =	sadd.s32 $0x800, s0;
	[dreg:$0xd] =	wrdreg s22  }
0x7: {  	s25 =	sadd.s32 $0x101000, s0;
	s26 =	sadd.s32 $0x101200, s0;
	[dreg:$0xe] =	wrdreg s23  }
0x8: {  	s29 =	sadd.s32 $0xC00, s0;
	s30 =	sadd.s32 $0xE00, s0;
	[dreg:$0xf] =	wrdreg s24  }
0x9: {  	s3 =	sor.u32 s2, s3;
	s2 =	ssub.s32 $0x2, s2;
	[dreg:$0x10] =	wrdreg s25  }
0xa: {  	[dreg:$0x11] =	wrdreg s26;
	s6 =	sshll.u32 s3, $0x8;
	s8 =	sshrl.u32 s2, $0x1  }
0xb: {  	s13 =	sshll.u32 s3, $0xF;
	p0 =	sne.s32 s3, $0x0;
	s3 =	sadd.s32 $0x300, s1  }
0xc: {  	s7 =	sor.u32 $0x20, s6;
	s2 =	ssub.s32 s2, s8;
	s8 =	sadd.s32 s28, s13  }
0xd: {  	s9 =	sor.u32 $0x40, s6;
	s11 =	sor.u32 $0x60, s6;
	s12 =	sor.u32 $0x80, s6  }
0xe: {  	s13 =	simm.s32 $0x1000;
	s10 =	sshll.u32 s7, $0x7;
	[dreg:$0x5] =	wrdreg s8  }
0xf: {  	s15 =	sshll.u32 s9, $0x7;
	s16 =	sshll.u32 s11, $0x7;
	s17 =	sshll.u32 s12, $0x7  }
0x10: {  	s31 =	smax.u32 s2, $0x1;
	s2 =	sadd.s32 $0x200, s1;
	s14 =	sadd.s32 s28, s10  }
0x11: {  	s8 =	sadd.s32 s28, s15;
	s15 =	sor.u32 $0xA0, s6;
	[dreg:$0x6] =	wrdreg s14  }
0x12: {  	s18 =	sadd.s32 s28, s17;
	s17 =	sor.u32 $0xC0, s6;
	[dreg:$0x7] =	wrdreg s8  }
0x13: {  	v0 =	vlaneseq.u32;
	s10 =	simm.s32 $0x7180;
	s8 =	sadd.s32 s28, s16;
	[dreg:$0x9] =	wrdreg s18  }
0x14: {  	v1 =	vimm.s32 $0x0;
	v3 =	vimm.s32 $0xF;
	vm0 =	vmmov $0x1;
	s19 =	sshll.u32 s15, $0x7;
	s18 =	sor.u32 $0xE0, s6;
	s20 =	sshll.u32 s17, $0x7  }
0x15: {  	vm1 =	vcmask $0x320;
	vm2 =	vcmask $0x720;
	vm3 =	vcmask $0xB20;
	s14 =	simm.s32 $0x1800;
	s16 =	simm.s32 $0x2000;
	[dreg:$0x8] =	wrdreg s8  }
0x16: {  	vm4 =	vcmask $0xF20;
	vm5 =	vcmask $0x1320;
	vm6 =	vcmask $0x1720;
	s8 =	sadd.s32 s28, s19;
	s21 =	sshll.u32 s18, $0x7;
	s19 =	simm.s32 $0x3000  }
0x17: {  	vm7 =	vcmask $0x1B20;
	v4 =	vimm.s32 $0x7;
	v6 =	vimm.s32 $0x1;
	[dreg:$0xa] =	wrdreg s8;
	s8 =	sadd.s32 s28, s20;
	s5 =	sadd.s32 s28, s21  }
0x18: {  	v7 =	vimm.s32 $0x2;
	v8 =	vimm.s32 $0x3;
	v2 =	vmul.u32 $0x80, v0;
	s28 =	sadd.s32 $0xA00, s0;
	s0 =	sadd.s32 $0x100, s1;
	[dreg:$0xb] =	wrdreg s8  }
0x19: {  	v9 =	vimm.s32 $0x4;
	v10 =	vimm.s32 $0x5;
	v11 =	vimm.s32 $0x6;
	s20 =	simm.s32 $0x5000;
	s21 =	simm.s32 $0x0;
	[dreg:$0xc] =	wrdreg s5  }
0x1a: {  	v12 =	vimm.f32 $0.0e+00;
	v5 =	vadd.s32 $0x1, v0;
	v13 =	vor.u32 $0x800, v2;
	[dreg:$0x12] =	wrdreg s28;
	s5 =	simm.s32 $0x3;
	s8 =	simm.s32 $0x800  }
.LBB2_1:
0x1b: {  	s22 =	rddreg [dreg:$0x4]  }
0x1c: {  	[tilespmem:s4], [sflag:$0x3] =	stream.linear.gather [hbm4b:s22+s4], $0x800, $0x38;
	[tilespmem:$0x17200] =	vst v63  }
0x1d: {  	_ =	swait.ge [sflag:s5], $0x800  }
0x1e: {  	[sflag:s5] =	ssyncset.done $0x0  }
0x1f: {  	s28 =	rddreg [dreg:$0xd];
	[sflag:s5] =	ssyncadd.s32 $0xFFFFF800  }
0x20: {  	[tilespmem:s8], [sflag:$0x3] =	stream.linear.gather [hbm4b:s28+s4], $0x800, $0x38;
	[tilespmem:$0x17200] =	vst v63  }
0x21: {  	_ =	swait.ge [sflag:s5], $0x800  }
0x22: {  	[sflag:s5] =	ssyncset.done $0x0  }
0x23: {  	[sflag:s5] =	ssyncadd.s32 $0xFFFFF800  }
0x24: {  	[tilespmem:$0x7180] =	vst v1  }
0x25: {  	[tilespmem:$0x7190] =	vst v1  }
0x26: {  	[tilespmem:$0x71A0] =	vst v1  }
0x27: {  	[tilespmem:$0x71B0] =	vst v1  }
0x28: {  	[tilespmem:$0x71C0] =	vst v1  }
0x29: {  	[tilespmem:$0x71D0] =	vst v1  }
0x2a: {  	[tilespmem:$0x71E0] =	vst v1  }
0x2b: {  	s22 =	simm.s32 $0x0;
	[tilespmem:$0x71F0] =	vst v1  }
.LBB2_2:
0x2c: {  	v14 =	vor.u32 s22, v2;
	_ =	sdelay $0x4  }
0x2d: {  	v15 =	vld.idx.msk [tilespmem:v14+s4+$0x0], $0xffff;
	_ =	sdelay $0x4  }
0x2e: {  	v15 =	vshll.u32 v15, $0x4  }
0x2f: {  	v15 =	vor.u32 v0, v15;
	_ =	sdelay $0x4  }
0x30: {  	v16 =	vld.idx.msk [tilespmem:v15+s10+$0x0], $0xffff;
	_ =	sdelay $0x4  }
0x31: {  	v16 =	vadd.s32 $0x1, v16  }
0x32: {  	[tilespmem:v15+s10+$0x0] =	vst.idx.msk $0xffff, v16  }
0x33: {  	v14 =	vld.idx.msk [tilespmem:v14+s8+$0x0], $0xffff;
	_ =	sdelay $0x4  }
0x34: {  	v14 =	vshll.u32 v14, $0x4  }
0x35: {  	v14 =	vor.u32 v0, v14;
	_ =	sdelay $0x4  }
0x36: {  	v15 =	vld.idx.msk [tilespmem:v14+s10+$0x0], $0xffff  }
0x37: {  	p1 =	sne.s32 s22, $0x7F  }
.Ltmp0:
0x38: {  	_ = 	snop;
	(pc) =	sbr.rel @p1 .LBB2_2-.Ltmp0, $3  }
0x39: {  	_ =	sdelay $0x1  }
0x3a: {  	v15 =	vadd.s32 $0x1, v15  }
0x3b: {  	s22 =	sadd.s32 $0x1, s22;
	[tilespmem:v14+s10+$0x0] =	vst.idx.msk $0xffff, v15  }
0x3c: {  	v14 =	vld [tilespmem:$0x7180]  }
0x3d: {  	v15 =	vld [tilespmem:$0x7190]  }
0x3e: {  	v16 =	vld [tilespmem:$0x71A0]  }
0x3f: {  	v17 =	vld [tilespmem:$0x71B0]  }
0x40: {  	v18 =	vld [tilespmem:$0x71C0]  }
0x41: {  	(xrf0) =	vadd.scan.msk.s32 $0xffff, v14;
	v14 =	vld [tilespmem:$0x71D0]  }
0x42: {  	(xrf0) =	vadd.scan.msk.s32 $0xffff, v15;
	v15 =	vld [tilespmem:$0x71E0]  }
0x43: {  	v55 =	vld [tilespmem:$0x71F0];
	(xrf0) =	vadd.scan.msk.s32 $0xffff, v16  }
0x44: {  	(xrf0) =	vadd.scan.msk.s32 $0xffff, v17  }
0x45: {  	(xrf0) =	vadd.scan.msk.s32 $0xffff, v18  }
0x46: {  	(xrf0) =	vadd.scan.msk.s32 $0xffff, v14  }
0x47: {  	v14, _, _ =	vpop (xrf0);
	(xrf0) =	vadd.scan.msk.s32 $0xffff, v15  }
0x48: {  	v14 =	vperm.xlane v14, v3;
	v15, _, _ =	vpop (xrf0);
	(xrf0) =	vadd.scan.msk.s32 $0xffff, v55  }
0x49: {  	v15 =	vperm.xlane v15, v3;
	v56, _, _ =	vpop (xrf0)  }
0x4a: {  	v14 =	vnsel vm0, $0x0, v14;
	v16 =	vperm.xlane v56, v3;
	v17, _, _ =	vpop (xrf0)  }
0x4b: {  	v14 =	vsel vm1, v14, v15;
	v15 =	vperm.xlane v17, v3;
	v57, _, _ =	vpop (xrf0)  }
0x4c: {  	v14 =	vsel vm2, v14, v16;
	v58 =	vperm.xlane v57, v3;
	v59, _, _ =	vpop (xrf0)  }
0x4d: {  	v14 =	vsel vm3, v14, v15;
	v15 =	vperm.xlane v59, v3;
	v60, _, _ =	vpop (xrf0)  }
0x4e: {  	v14 =	vsel vm4, v14, v58;
	v61 =	vperm.xlane v60, v3;
	v62, _, _ =	vpop (xrf0)  }
0x4f: {  	v14 =	vsel vm5, v14, v15;
	v15 =	vperm.xlane v62, v3  }
0x50: {  	v14 =	vsel vm6, v14, v61  }
0x51: {  	v14 =	vsel vm7, v14, v15  }
0x52: {  	v14 =	vadd.s32 $0x1FF, v14  }
0x53: {  	v15 =	vshrl.u32 v14, $0x9  }
0x54: {  	(xrf0) =	vadd.scan.msk.s32 $0xffff, v15;
	_ =	sdelay $0x5  }
0x55: {  	v63, _, _ =	vpop (xrf0)  }
0x56: {  	v28 =	vld [tilespmem:$0x7180];
	v21 =	vperm.xlane v63, v1  }
0x57: {  	v30 =	vld [tilespmem:$0x7190];
	v22 =	vperm.xlane v63, v6;
	v14 =	vperm.xlane v63, v4  }
0x58: {  	v23 =	vperm.xlane v63, v7;
	v25 =	vperm.xlane v63, v8;
	v15 =	vsub.s32 v63, v15  }
0x59: {  	v26 =	vperm.xlane v63, v10;
	v29 =	vperm.xlane v63, v11;
	v15 =	vshll.u32 v15, $0x9  }
0x5a: {  	v31 =	vld [tilespmem:$0x71A0];
	vm8 =	vlt.s32 v21, v5;
	vm9 =	vlt.s32 v22, v5;
	vm14 =	vlt.s32 v14, v5  }
0x5b: {  	v34 =	vld [tilespmem:$0x71B0];
	(xrf0) =	vadd.scan.msk.s32 $0xffff, v28;
	v21 =	vperm.xlane v63, v9;
	vm15 =	vlt.s32 v26, v5;
	v40 =	vperm.xlane v15, v6  }
0x5c: {  	(xrf0) =	vadd.scan.msk.s32 $0xffff, v30;
	v33 =	vadd.s32 $0xFFFFFFFF, v14;
	v42 =	vperm.xlane v15, v7;
	v44 =	vperm.xlane v15, v8  }
0x5d: {  	v35 =	vld [tilespmem:$0x71C0];
	v47 =	vperm.xlane v15, v9;
	v51 =	vperm.xlane v15, v10;
	v24 =	vsel vm8, $0x1, v1  }
0x5e: {  	v36 =	vld [tilespmem:$0x71D0];
	v19 =	vsel vm9, $0x1, v1;
	vm8 =	vlt.s32 v23, v5;
	v22 =	vsel vm14, $0x1, v1  }
0x5f: {  	(xrf0) =	vadd.scan.msk.s32 $0xffff, v31;
	v20 =	vsel vm8, $0x1, v1;
	vm8 =	vlt.s32 v25, v5;
	v18 =	vadd.s32 v22, v24  }
0x60: {  	(xrf0) =	vadd.scan.msk.s32 $0xffff, v34;
	v26 =	vld [tilespmem:$0x71E0];
	v27 =	vsel vm8, $0x1, v1;
	vm8 =	vlt.s32 v21, v5;
	v18 =	vadd.s32 v19, v18  }
0x61: {  	v41, _, _ =	vpop (xrf0);
	v23 =	vsel vm15, $0x1, v1;
	v18 =	vadd.s32 v20, v18;
	v21 =	vsel vm8, $0x1, v1  }
0x62: {  	v37 =	vld [tilespmem:$0x71F0];
	(xrf0) =	vadd.scan.msk.s32 $0xffff, v35;
	v43, _, _ =	vpop (xrf0);
	vm8 =	vlt.s32 v29, v5;
	v20 =	vsub.s32 v40, v30;
	v18 =	vadd.s32 v27, v18  }
0x63: {  	(xrf0) =	vadd.scan.msk.s32 $0xffff, v36;
	v24 =	vsel vm8, $0x1, v1;
	vm8 =	vgt.s32 v33, $0x0;
	v45 =	vadd.s32 v43, v20  }
0x64: {  	v32 =	vadd.s32 v21, v18;
	v18 =	vnsel vm8, $0x0, v33;
	vm8 =	vgt.s32 v14, v0  }
0x65: {  	v46 =	vsub.s32 v42, v31;
	(xrf0) =	vadd.scan.msk.s32 $0xffff, v26;
	v27, _, _ =	vpop (xrf0);
	[tilespmem:$0x7190] =	vst v45;
	v38 =	vnsel vm8, $0xFFFFFFFF, v0  }
0x66: {  	v50 =	vsub.s32 v44, v34;
	v17 =	vadd.s32 v23, v32;
	v48, _, _ =	vpop (xrf0);
	v49 =	vadd.s32 v27, v46;
	[tilespmem:$0x7080] =	vst v38  }
0x67: {  	(xrf0) =	vadd.scan.msk.s32 $0xffff, v37;
	v17 =	vadd.s32 v24, v17;
	[tilespmem:$0x71A0] =	vst v49;
	v53 =	vadd.s32 v48, v50  }
0x68: {  	v54 =	vsub.s32 v47, v35;
	v52, _, _ =	vpop (xrf0);
	v25 =	vperm.xlane v17, v18;
	v18 =	vsel vm8, v0, v18;
	[tilespmem:$0x71B0] =	vst v53  }
0x69: {  	v55 =	vperm.xlane v15, v11;
	v58 =	vsub.s32 v51, v36;
	v56, _, _ =	vpop (xrf0);
	v57 =	vadd.s32 v52, v54;
	[tilespmem:$0x7100] =	vst v18  }
0x6a: {  	v39 =	vperm.xlane v15, v1;
	[tilespmem:$0x71C0] =	vst v57;
	v60 =	vadd.s32 v56, v58  }
0x6b: {  	v15 =	vperm.xlane v15, v4;
	v61 =	vsub.s32 v55, v26;
	v17 =	vsel vm8, v17, v25;
	v59, _, _ =	vpop (xrf0);
	[tilespmem:$0x71D0] =	vst v60  }
0x6c: {  	[tilespmem:$0x7000] =	vst v17;
	v17 =	vsub.s32 v39, v28;
	v62 =	vadd.s32 v59, v61  }
0x6d: {  	v15 =	vsub.s32 v15, v37;
	v63, _, _ =	vpop (xrf0);
	v17 =	vadd.s32 v41, v17;
	[tilespmem:$0x71E0] =	vst v62  }
0x6e: {  	v15 =	vadd.s32 v63, v15;
	[tilespmem:$0x7180] =	vst v17  }
0x6f: {  	s22 =	simm.s32 $0x40;
	s23 =	simm.s32 $0x0;
	[tilespmem:$0x71F0] =	vst v15  }
.LBB2_4:
0x70: {  	p1 =	sne.s32 s22, $0x7FC0;
	[tilespmem:s23+$0x3000] =	vst v1;
	s24 =	smov.u32 s22;
	s22 =	sadd.s32 $0x40, s22  }
.Ltmp1:
0x71: {  	[tilespmem:s23+$0x5000] =	vst v12;
	(pc) =	sbr.rel @p1 .LBB2_4-.Ltmp1, $2  }
0x72: {  	_ =	sdelay $0x2  }
0x73: {  	s23 =	sshra.s32 s24, $0x2  }
0x74: {  	[tilespmem:s23+$0x3000] =	vst v1  }
0x75: {  	[tilespmem:s23+$0x5000] =	vst v12;
	s22 =	simm.s32 $0x0;
	s26 =	rddreg [dreg:$0xe]  }
0x76: {  	[tilespmem:s13], [sflag:$0x3] =	stream.linear.gather [hbm4b:s26+s22], $0x800, $0x38;
	[tilespmem:$0x17200] =	vst v63  }
0x77: {  	_ =	swait.ge [sflag:s5], $0x800  }
0x78: {  	[sflag:s5] =	ssyncset.done $0x0  }
0x79: {  	s28 =	rddreg [dreg:$0xf];
	[sflag:s5] =	ssyncadd.s32 $0xFFFFF800  }
0x7a: {  	[tilespmem:s14], [sflag:$0x3] =	stream.linear.gather [hbm4b:s28+s22], $0x800, $0x38;
	[tilespmem:$0x17200] =	vst v63  }
0x7b: {  	_ =	swait.ge [sflag:s5], $0x800  }
0x7c: {  	[sflag:s5] =	ssyncset.done $0x0  }
0x7d: {  	[sflag:s5] =	ssyncadd.s32 $0xFFFFF800  }
.LBB2_6:
0x7e: {  	v15 =	vor.u32 s22, v2;
	_ =	sdelay $0x4  }
0x7f: {  	v16 =	vld.idx.msk [tilespmem:v15+s4+$0x0], $0xffff;
	_ =	sdelay $0x4  }
0x80: {  	v16 =	vshll.u32 v16, $0x4  }
0x81: {  	v16 =	vor.u32 v0, v16;
	_ =	sdelay $0x4  }
0x82: {  	v17 =	vld.idx.msk [tilespmem:v16+s10+$0x0], $0xffff;
	_ =	sdelay $0x4  }
0x83: {  	v18 =	vadd.s32 $0x1, v17  }
0x84: {  	[tilespmem:v16+s10+$0x0] =	vst.idx.msk $0xffff, v18  }
0x85: {  	[tilespmem:v15+s16+$0x0] =	vst.idx.msk $0xffff, v17  }
0x86: {  	[tilespmem:v17+s19+$0x0] =	vst.idx.msk $0xffff, v15  }
0x87: {  	v16 =	vld.idx.msk [tilespmem:v15+s13+$0x0], $0xffff;
	_ =	sdelay $0x4  }
0x88: {  	[tilespmem:v17+s20+$0x0] =	vst.idx.msk $0xffff, v16  }
0x89: {  	v16 =	vld.idx.msk [tilespmem:v15+s8+$0x0], $0xffff;
	_ =	sdelay $0x4  }
0x8a: {  	v16 =	vshll.u32 v16, $0x4  }
0x8b: {  	v16 =	vor.u32 v0, v16;
	_ =	sdelay $0x4  }
0x8c: {  	v17 =	vld.idx.msk [tilespmem:v16+s10+$0x0], $0xffff;
	_ =	sdelay $0x1  }
0x8d: {  	v63 =	vor.u32 s22, v13;
	_ =	sdelay $0x2  }
0x8e: {  	v19 =	vadd.s32 $0x1, v17  }
0x8f: {  	[tilespmem:v16+s10+$0x0] =	vst.idx.msk $0xffff, v19  }
0x90: {  	[tilespmem:v63+s16+$0x0] =	vst.idx.msk $0xffff, v17  }
0x91: {  	[tilespmem:v17+s19+$0x0] =	vst.idx.msk $0xffff, v15  }
0x92: {  	p1 =	sne.s32 s22, $0x7F;
	v15 =	vld.idx.msk [tilespmem:v15+s14+$0x0], $0xffff  }
.Ltmp2:
0x93: {  	_ = 	snop;
	(pc) =	sbr.rel @p1 .LBB2_6-.Ltmp2, $2  }
0x94: {  	_ =	sdelay $0x2  }
0x95: {  	s22 =	sadd.s32 $0x1, s22;
	[tilespmem:v17+s20+$0x0] =	vst.idx.msk $0xffff, v15  }
0x96: {  	v14 =	vnsel vm0, $0x0, v14  }
0x97: {  	(xrf0) =	vadd.scan.msk.s32 $0xffff, v14;
	_ =	sdelay $0x5  }
0x98: {  	v14, _, _ =	vpop (xrf0)  }
0x99: {  	(v2sf) =	vpush v14, $0xF;
	_ =	sdelay $0xc  }
0x9a: {  	s22 =	simm.s32 @!p0 $0x0;
	s23 =	simm.s32 @!p0 $0x5000;
	s24 =	rddreg [dreg:$0x2]  }
0x9b: {  	[hbm4b:s24+s22] =	stream.linear.scatter @!p0 [tilespmem:s23], [sflag:$0x3], $0x2000, $0x38;
	[tilespmem:$0x17200] =	vst v63  }
0x9c: {  	s24 =	simm.s32 @!p0 $0x3;
	s28 =	spop (v2sf)  }
0x9d: {  	_ =	swait.ge @!p0 [sflag:s24], $0x2000  }
0x9e: {  	[sflag:s24] =	ssyncset.done @!p0 $0x0  }
0x9f: {  	s25 =	simm.s32 @!p0 $0x2000;
	s26 =	rddreg [dreg:$0x10];
	[sflag:s24] =	ssyncadd.s32 @!p0 $0xFFFFE000  }
0xa0: {  	[hbm4b:s26+s22] =	stream.linear.scatter @!p0 [tilespmem:s25], [sflag:$0x3], $0x800, $0x38;
	[tilespmem:$0x17200] =	vst v63  }
0xa1: {  	_ =	swait.ge @!p0 [sflag:s24], $0x800  }
0xa2: {  	[sflag:s24] =	ssyncset.done @!p0 $0x0  }
0xa3: {  	s25 =	simm.s32 @!p0 $0x2800;
	s26 =	rddreg [dreg:$0x11];
	[sflag:s24] =	ssyncadd.s32 @!p0 $0xFFFFF800  }
0xa4: {  	[hbm4b:s26+s22] =	stream.linear.scatter @!p0 [tilespmem:s25], [sflag:$0x3], $0x800, $0x38;
	[tilespmem:$0x17200] =	vst v63  }
0xa5: {  	_ =	swait.ge @!p0 [sflag:s24], $0x800  }
0xa6: {  	[sflag:s24] =	ssyncset.done @!p0 $0x0  }
0xa7: {  	s25 =	simm.s32 @!p0 $0x7000;
	s26 =	rddreg [dreg:$0x12];
	[sflag:s24] =	ssyncadd.s32 @!p0 $0xFFFFF800  }
0xa8: {  	[hbm4b:s26+s22] =	stream.linear.scatter @!p0 [tilespmem:s25], [sflag:$0x3], $0x80, $0x38;
	[tilespmem:$0x17200] =	vst v63  }
0xa9: {  	_ =	swait.ge @!p0 [sflag:s24], $0x80  }
0xaa: {  	[sflag:s24] =	ssyncset.done @!p0 $0x0  }
0xab: {  	s25 =	simm.s32 @!p0 $0x7080;
	[sflag:s24] =	ssyncadd.s32 @!p0 $0xFFFFFF80  }
0xac: {  	[hbm4b:s29+s22] =	stream.linear.scatter @!p0 [tilespmem:s25], [sflag:$0x3], $0x80, $0x38;
	[tilespmem:$0x17200] =	vst v63  }
0xad: {  	_ =	swait.ge @!p0 [sflag:s24], $0x80  }
0xae: {  	[sflag:s24] =	ssyncset.done @!p0 $0x0  }
0xaf: {  	s25 =	simm.s32 @!p0 $0x7100;
	[sflag:s24] =	ssyncadd.s32 @!p0 $0xFFFFFF80  }
0xb0: {  	[hbm4b:s30+s22] =	stream.linear.scatter @!p0 [tilespmem:s25], [sflag:$0x3], $0x80, $0x38;
	[tilespmem:$0x17200] =	vst v63  }
0xb1: {  	_ =	swait.ge @!p0 [sflag:s24], $0x80  }
0xb2: {  	s22 =	sshll.u32 s28, $0x9;
	[sflag:s24] =	ssyncset.done @!p0 $0x0  }
0xb3: {  	p2 =	sge.s32 s6, s22;
	[sflag:s24] =	ssyncadd.s32 @!p0 $0xFFFFFF80  }
0xb4: {  	v14 =	vld @!p2 [tilespmem:s6+$0x3000];
	_ =	sdelay $0x4  }
0xb5: {  	v15 =	vshll.u32 @!p2 v14, $0x3  }
0xb6: {  	v16 =	vlaneseq.u32 @!p2;
	v14 =	vand.u32 @!p2 $0x7, v14;
	v15 =	vand.u32 @!p2 $0xFFFFFFC0, v15  }
0xb7: {  	v17 =	vshrl.u32 @!p2 v16, $0x3;
	v14 =	vor.u32 @!p2 v14, v15;
	v15 =	vand.u32 @!p2 $0x7, v16  }
0xb8: {  	v17 =	vmul.u32 @!p2 $0x8, v17;
	v18 =	vperm.xlane @!p2 v14, v15;
	_ =	sdelay $0x1  }
0xb9: {  	v18 =	vadd.s32 @!p2 v17, v18;
	_ =	sdelay $0x3  }
0xba: {  	vm8 =	vmmov @!p2 $0xffff;
	s26 =	simm.s32 @!p2 $0x7200;
	s24 =	simm.s32 @!p2 $0x0  }
0xbb: {  	v16 =	vor.u32 @!p2 $0x8, v16;
	[tilespmem:s26], [sflag:$0x1] =	stream.indirect_vreg.gather @!p2 [hbm4b:s1+s24], $0x80, v18, vm8, $0xb8;
	[tilespmem:$0x17200] =	vst v63  }
0xbc: {  	s23 =	simm.s32 @!p2 $0x7A00;
	v14 =	vperm.xlane @!p2 v14, v16  }
0xbd: {  	[tilespmem:s23], [sflag:$0x1] =	stream.indirect_vreg.gather @!p2 [hbm4b:s0+s24], $0x80, v18, vm8, $0xb8;
	[tilespmem:$0x17200] =	vst v63  }
0xbe: {  	v14 =	vadd.s32 @!p2 v17, v14;
	s23 =	simm.s32 @!p2 $0x8200  }
0xbf: {  	[tilespmem:s23], [sflag:$0x1] =	stream.indirect_vreg.gather @!p2 [hbm4b:s2+s24], $0x80, v18, vm8, $0xb8;
	[tilespmem:$0x17200] =	vst v63  }
0xc0: {  	s23 =	simm.s32 @!p2 $0x8A00  }
0xc1: {  	[tilespmem:s23], [sflag:$0x1] =	stream.indirect_vreg.gather @!p2 [hbm4b:s3+s24], $0x80, v18, vm8, $0xb8;
	[tilespmem:$0x17200] =	vst v63  }
0xc2: {  	s23 =	simm.s32 @!p2 $0x9200  }
0xc3: {  	[tilespmem:s23], [sflag:$0x1] =	stream.indirect_vreg.gather @!p2 [hbm4b:s1+s24], $0x80, v14, vm8, $0xb8;
	[tilespmem:$0x17200] =	vst v63  }
0xc4: {  	s23 =	simm.s32 @!p2 $0x9A00  }
0xc5: {  	[tilespmem:s23], [sflag:$0x1] =	stream.indirect_vreg.gather @!p2 [hbm4b:s0+s24], $0x80, v14, vm8, $0xb8;
	[tilespmem:$0x17200] =	vst v63  }
0xc6: {  	s23 =	simm.s32 @!p2 $0xA200  }
0xc7: {  	[tilespmem:s23], [sflag:$0x1] =	stream.indirect_vreg.gather @!p2 [hbm4b:s2+s24], $0x80, v14, vm8, $0xb8;
	[tilespmem:$0x17200] =	vst v63  }
0xc8: {  	s23 =	simm.s32 @!p2 $0xAA00  }
0xc9: {  	[tilespmem:s23], [sflag:$0x1] =	stream.indirect_vreg.gather @!p2 [hbm4b:s3+s24], $0x80, v14, vm8, $0xb8;
	[tilespmem:$0x17200] =	vst v63  }
0xca: {  	v14 =	vld @!p2 [tilespmem:s6+$0x3010];
	_ =	sdelay $0x4  }
0xcb: {  	v18 =	vshll.u32 @!p2 v14, $0x3  }
0xcc: {  	v14 =	vand.u32 @!p2 $0x7, v14;
	v18 =	vand.u32 @!p2 $0xFFFFFFC0, v18  }
0xcd: {  	v14 =	vor.u32 @!p2 v14, v18  }
0xce: {  	v15 =	vperm.xlane @!p2 v14, v15;
	_ =	sdelay $0x1  }
0xcf: {  	v15 =	vadd.s32 @!p2 v17, v15;
	_ =	sdelay $0x3  }
0xd0: {  	s23 =	simm.s32 @!p2 $0xB200  }
0xd1: {  	[tilespmem:s23], [sflag:$0x1] =	stream.indirect_vreg.gather @!p2 [hbm4b:s1+s24], $0x80, v15, vm8, $0xb8;
	[tilespmem:$0x17200] =	vst v63  }
0xd2: {  	v14 =	vperm.xlane @!p2 v14, v16;
	s23 =	simm.s32 @!p2 $0xBA00  }
0xd3: {  	[tilespmem:s23], [sflag:$0x1] =	stream.indirect_vreg.gather @!p2 [hbm4b:s0+s24], $0x80, v15, vm8, $0xb8;
	[tilespmem:$0x17200] =	vst v63  }
0xd4: {  	v14 =	vadd.s32 @!p2 v17, v14;
	s23 =	simm.s32 @!p2 $0xC200  }
0xd5: {  	[tilespmem:s23], [sflag:$0x1] =	stream.indirect_vreg.gather @!p2 [hbm4b:s2+s24], $0x80, v15, vm8, $0xb8;
	[tilespmem:$0x17200] =	vst v63  }
0xd6: {  	s23 =	simm.s32 @!p2 $0xCA00  }
0xd7: {  	[tilespmem:s23], [sflag:$0x1] =	stream.indirect_vreg.gather @!p2 [hbm4b:s3+s24], $0x80, v15, vm8, $0xb8;
	[tilespmem:$0x17200] =	vst v63  }
0xd8: {  	s23 =	simm.s32 @!p2 $0xD200  }
0xd9: {  	[tilespmem:s23], [sflag:$0x1] =	stream.indirect_vreg.gather @!p2 [hbm4b:s1+s24], $0x80, v14, vm8, $0xb8;
	[tilespmem:$0x17200] =	vst v63  }
0xda: {  	s23 =	simm.s32 @!p2 $0xDA00  }
0xdb: {  	[tilespmem:s23], [sflag:$0x1] =	stream.indirect_vreg.gather @!p2 [hbm4b:s0+s24], $0x80, v14, vm8, $0xb8;
	[tilespmem:$0x17200] =	vst v63  }
0xdc: {  	s23 =	simm.s32 @!p2 $0xE200  }
0xdd: {  	[tilespmem:s23], [sflag:$0x1] =	stream.indirect_vreg.gather @!p2 [hbm4b:s2+s24], $0x80, v14, vm8, $0xb8;
	[tilespmem:$0x17200] =	vst v63  }
0xde: {  	s23 =	simm.s32 @!p2 $0xEA00  }
0xdf: {  	[tilespmem:s23], [sflag:$0x1] =	stream.indirect_vreg.gather @!p2 [hbm4b:s3+s24], $0x80, v14, vm8, $0xb8;
	[tilespmem:$0x17200] =	vst v63  }
0xe0: {  	s23 =	simm.s32 @!p2 $0x1  }
0xe1: {  	_ =	swait.ge @!p2 [sflag:s23], $0x8000  }
0xe2: {  	[sflag:s23] =	ssyncset.done @!p2 $0x0  }
0xe3: {  	p1 =	sge.s32 s7, s22;
	[sflag:s23] =	ssyncadd.s32 @!p2 $0xFFFF8000  }
0xe4: {  	v14 =	vld @!p1 [tilespmem:s7+$0x3000];
	_ =	sdelay $0x4  }
0xe5: {  	v15 =	vshll.u32 @!p1 v14, $0x3  }
0xe6: {  	v16 =	vlaneseq.u32 @!p1;
	v14 =	vand.u32 @!p1 $0x7, v14;
	v15 =	vand.u32 @!p1 $0xFFFFFFC0, v15  }
0xe7: {  	v17 =	vshrl.u32 @!p1 v16, $0x3;
	v14 =	vor.u32 @!p1 v14, v15;
	v15 =	vand.u32 @!p1 $0x7, v16  }
0xe8: {  	v17 =	vmul.u32 @!p1 $0x8, v17;
	v18 =	vperm.xlane @!p1 v14, v15;
	_ =	sdelay $0x1  }
0xe9: {  	v18 =	vadd.s32 @!p1 v17, v18;
	_ =	sdelay $0x3  }
0xea: {  	s25 =	simm.s32 @!p1 $0xF200;
	vm8 =	vmmov @!p1 $0xffff;
	s23 =	simm.s32 @!p1 $0x0  }
0xeb: {  	v16 =	vor.u32 @!p1 $0x8, v16;
	[tilespmem:s25], [sflag:$0x2] =	stream.indirect_vreg.gather @!p1 [hbm4b:s1+s23], $0x80, v18, vm8, $0xb8;
	[tilespmem:$0x17200] =	vst v63  }
0xec: {  	s28 =	simm.s32 @!p1 $0xFA00;
	v14 =	vperm.xlane @!p1 v14, v16  }
0xed: {  	[tilespmem:s28], [sflag:$0x2] =	stream.indirect_vreg.gather @!p1 [hbm4b:s0+s23], $0x80, v18, vm8, $0xb8;
	[tilespmem:$0x17200] =	vst v63  }
0xee: {  	v14 =	vadd.s32 @!p1 v17, v14;
	s28 =	simm.s32 @!p1 $0x10200  }
0xef: {  	[tilespmem:s28], [sflag:$0x2] =	stream.indirect_vreg.gather @!p1 [hbm4b:s2+s23], $0x80, v18, vm8, $0xb8;
	[tilespmem:$0x17200] =	vst v63  }
0xf0: {  	s28 =	simm.s32 @!p1 $0x10A00  }
0xf1: {  	[tilespmem:s28], [sflag:$0x2] =	stream.indirect_vreg.gather @!p1 [hbm4b:s3+s23], $0x80, v18, vm8, $0xb8;
	[tilespmem:$0x17200] =	vst v63  }
0xf2: {  	s28 =	simm.s32 @!p1 $0x11200  }
0xf3: {  	[tilespmem:s28], [sflag:$0x2] =	stream.indirect_vreg.gather @!p1 [hbm4b:s1+s23], $0x80, v14, vm8, $0xb8;
	[tilespmem:$0x17200] =	vst v63  }
0xf4: {  	s28 =	simm.s32 @!p1 $0x11A00  }
0xf5: {  	[tilespmem:s28], [sflag:$0x2] =	stream.indirect_vreg.gather @!p1 [hbm4b:s0+s23], $0x80, v14, vm8, $0xb8;
	[tilespmem:$0x17200] =	vst v63  }
0xf6: {  	s28 =	simm.s32 @!p1 $0x12200  }
0xf7: {  	[tilespmem:s28], [sflag:$0x2] =	stream.indirect_vreg.gather @!p1 [hbm4b:s2+s23], $0x80, v14, vm8, $0xb8;
	[tilespmem:$0x17200] =	vst v63  }
0xf8: {  	s28 =	simm.s32 @!p1 $0x12A00  }
0xf9: {  	[tilespmem:s28], [sflag:$0x2] =	stream.indirect_vreg.gather @!p1 [hbm4b:s3+s23], $0x80, v14, vm8, $0xb8;
	[tilespmem:$0x17200] =	vst v63  }
0xfa: {  	v14 =	vld @!p1 [tilespmem:s7+$0x3010];
	_ =	sdelay $0x4  }
0xfb: {  	v18 =	vshll.u32 @!p1 v14, $0x3  }
0xfc: {  	v14 =	vand.u32 @!p1 $0x7, v14;
	v18 =	vand.u32 @!p1 $0xFFFFFFC0, v18  }
0xfd: {  	v14 =	vor.u32 @!p1 v14, v18  }
0xfe: {  	v15 =	vperm.xlane @!p1 v14, v15;
	_ =	sdelay $0x1  }
0xff: {  	v15 =	vadd.s32 @!p1 v17, v15;
	_ =	sdelay $0x3  }
0x100: {  	s28 =	simm.s32 @!p1 $0x13200  }
0x101: {  	[tilespmem:s28], [sflag:$0x2] =	stream.indirect_vreg.gather @!p1 [hbm4b:s1+s23], $0x80, v15, vm8, $0xb8;
	[tilespmem:$0x17200] =	vst v63  }
0x102: {  	v14 =	vperm.xlane @!p1 v14, v16;
	s28 =	simm.s32 @!p1 $0x13A00  }
0x103: {  	[tilespmem:s28], [sflag:$0x2] =	stream.indirect_vreg.gather @!p1 [hbm4b:s0+s23], $0x80, v15, vm8, $0xb8;
	[tilespmem:$0x17200] =	vst v63  }
0x104: {  	v14 =	vadd.s32 @!p1 v17, v14;
	s28 =	simm.s32 @!p1 $0x14200  }
0x105: {  	[tilespmem:s28], [sflag:$0x2] =	stream.indirect_vreg.gather @!p1 [hbm4b:s2+s23], $0x80, v15, vm8, $0xb8;
	[tilespmem:$0x17200] =	vst v63  }
0x106: {  	s28 =	simm.s32 @!p1 $0x14A00  }
0x107: {  	[tilespmem:s28], [sflag:$0x2] =	stream.indirect_vreg.gather @!p1 [hbm4b:s3+s23], $0x80, v15, vm8, $0xb8;
	[tilespmem:$0x17200] =	vst v63  }
0x108: {  	s28 =	simm.s32 @!p1 $0x15200  }
0x109: {  	[tilespmem:s28], [sflag:$0x2] =	stream.indirect_vreg.gather @!p1 [hbm4b:s1+s23], $0x80, v14, vm8, $0xb8;
	[tilespmem:$0x17200] =	vst v63  }
0x10a: {  	s28 =	simm.s32 @!p1 $0x15A00  }
0x10b: {  	[tilespmem:s28], [sflag:$0x2] =	stream.indirect_vreg.gather @!p1 [hbm4b:s0+s23], $0x80, v14, vm8, $0xb8;
	[tilespmem:$0x17200] =	vst v63  }
0x10c: {  	s28 =	simm.s32 @!p1 $0x16200  }
0x10d: {  	[tilespmem:s28], [sflag:$0x2] =	stream.indirect_vreg.gather @!p1 [hbm4b:s2+s23], $0x80, v14, vm8, $0xb8;
	[tilespmem:$0x17200] =	vst v63  }
0x10e: {  	s28 =	simm.s32 @!p1 $0x16A00  }
0x10f: {  	[tilespmem:s28], [sflag:$0x2] =	stream.indirect_vreg.gather @!p1 [hbm4b:s3+s23], $0x80, v14, vm8, $0xb8;
	[tilespmem:$0x17200] =	vst v63  }
0x110: {  	s28 =	rddreg [dreg:$0x5]  }
0x111: {  	[hbm4b:s28+s24] =	stream.linear.scatter @!p2 [tilespmem:s26], [sflag:$0x3], $0x8000, $0x38;
	[tilespmem:$0x17200] =	vst v63  }
0x112: {  	s24 =	simm.s32 @!p2 $0x3  }
0x113: {  	_ =	swait.ge @!p2 [sflag:s24], $0x8000  }
0x114: {  	[sflag:s24] =	ssyncset.done @!p2 $0x0  }
0x115: {  	[sflag:s24] =	ssyncadd.s32 @!p2 $0xFFFF8000;
	s24 =	simm.s32 @!p1 $0x2  }
0x116: {  	_ =	swait.ge @!p1 [sflag:s24], $0x8000  }
0x117: {  	[sflag:s24] =	ssyncset.done @!p1 $0x0  }
0x118: {  	p2 =	sge.s32 s9, s22;
	[sflag:s24] =	ssyncadd.s32 @!p1 $0xFFFF8000  }
0x119: {  	v14 =	vld @!p2 [tilespmem:s9+$0x3000];
	_ =	sdelay $0x4  }
0x11a: {  	v15 =	vshll.u32 @!p2 v14, $0x3  }
0x11b: {  	v16 =	vlaneseq.u32 @!p2;
	v14 =	vand.u32 @!p2 $0x7, v14;
	v15 =	vand.u32 @!p2 $0xFFFFFFC0, v15  }
0x11c: {  	v17 =	vshrl.u32 @!p2 v16, $0x3;
	v14 =	vor.u32 @!p2 v14, v15;
	v15 =	vand.u32 @!p2 $0x7, v16  }
0x11d: {  	v17 =	vmul.u32 @!p2 $0x8, v17;
	v18 =	vperm.xlane @!p2 v14, v15;
	_ =	sdelay $0x1  }
0x11e: {  	v18 =	vadd.s32 @!p2 v17, v18;
	_ =	sdelay $0x3  }
0x11f: {  	vm8 =	vmmov @!p2 $0xffff;
	s26 =	simm.s32 @!p2 $0x7200;
	s24 =	simm.s32 @!p2 $0x0  }
0x120: {  	v16 =	vor.u32 @!p2 $0x8, v16;
	[tilespmem:s26], [sflag:$0x1] =	stream.indirect_vreg.gather @!p2 [hbm4b:s1+s24], $0x80, v18, vm8, $0xb8;
	[tilespmem:$0x17200] =	vst v63  }
0x121: {  	s28 =	simm.s32 @!p2 $0x7A00;
	v14 =	vperm.xlane @!p2 v14, v16  }
0x122: {  	[tilespmem:s28], [sflag:$0x1] =	stream.indirect_vreg.gather @!p2 [hbm4b:s0+s24], $0x80, v18, vm8, $0xb8;
	[tilespmem:$0x17200] =	vst v63  }
0x123: {  	v14 =	vadd.s32 @!p2 v17, v14;
	s28 =	simm.s32 @!p2 $0x8200  }
0x124: {  	[tilespmem:s28], [sflag:$0x1] =	stream.indirect_vreg.gather @!p2 [hbm4b:s2+s24], $0x80, v18, vm8, $0xb8;
	[tilespmem:$0x17200] =	vst v63  }
0x125: {  	s28 =	simm.s32 @!p2 $0x8A00  }
0x126: {  	[tilespmem:s28], [sflag:$0x1] =	stream.indirect_vreg.gather @!p2 [hbm4b:s3+s24], $0x80, v18, vm8, $0xb8;
	[tilespmem:$0x17200] =	vst v63  }
0x127: {  	s28 =	simm.s32 @!p2 $0x9200  }
0x128: {  	[tilespmem:s28], [sflag:$0x1] =	stream.indirect_vreg.gather @!p2 [hbm4b:s1+s24], $0x80, v14, vm8, $0xb8;
	[tilespmem:$0x17200] =	vst v63  }
0x129: {  	s28 =	simm.s32 @!p2 $0x9A00  }
0x12a: {  	[tilespmem:s28], [sflag:$0x1] =	stream.indirect_vreg.gather @!p2 [hbm4b:s0+s24], $0x80, v14, vm8, $0xb8;
	[tilespmem:$0x17200] =	vst v63  }
0x12b: {  	s28 =	simm.s32 @!p2 $0xA200  }
0x12c: {  	[tilespmem:s28], [sflag:$0x1] =	stream.indirect_vreg.gather @!p2 [hbm4b:s2+s24], $0x80, v14, vm8, $0xb8;
	[tilespmem:$0x17200] =	vst v63  }
0x12d: {  	s28 =	simm.s32 @!p2 $0xAA00  }
0x12e: {  	[tilespmem:s28], [sflag:$0x1] =	stream.indirect_vreg.gather @!p2 [hbm4b:s3+s24], $0x80, v14, vm8, $0xb8;
	[tilespmem:$0x17200] =	vst v63  }
0x12f: {  	v14 =	vld @!p2 [tilespmem:s9+$0x3010];
	_ =	sdelay $0x4  }
0x130: {  	v18 =	vshll.u32 @!p2 v14, $0x3  }
0x131: {  	v14 =	vand.u32 @!p2 $0x7, v14;
	v18 =	vand.u32 @!p2 $0xFFFFFFC0, v18  }
0x132: {  	v14 =	vor.u32 @!p2 v14, v18  }
0x133: {  	v15 =	vperm.xlane @!p2 v14, v15;
	_ =	sdelay $0x1  }
0x134: {  	v15 =	vadd.s32 @!p2 v17, v15;
	_ =	sdelay $0x3  }
0x135: {  	s28 =	simm.s32 @!p2 $0xB200  }
0x136: {  	[tilespmem:s28], [sflag:$0x1] =	stream.indirect_vreg.gather @!p2 [hbm4b:s1+s24], $0x80, v15, vm8, $0xb8;
	[tilespmem:$0x17200] =	vst v63  }
0x137: {  	v14 =	vperm.xlane @!p2 v14, v16;
	s28 =	simm.s32 @!p2 $0xBA00  }
0x138: {  	[tilespmem:s28], [sflag:$0x1] =	stream.indirect_vreg.gather @!p2 [hbm4b:s0+s24], $0x80, v15, vm8, $0xb8;
	[tilespmem:$0x17200] =	vst v63  }
0x139: {  	v14 =	vadd.s32 @!p2 v17, v14;
	s28 =	simm.s32 @!p2 $0xC200  }
0x13a: {  	[tilespmem:s28], [sflag:$0x1] =	stream.indirect_vreg.gather @!p2 [hbm4b:s2+s24], $0x80, v15, vm8, $0xb8;
	[tilespmem:$0x17200] =	vst v63  }
0x13b: {  	s28 =	simm.s32 @!p2 $0xCA00  }
0x13c: {  	[tilespmem:s28], [sflag:$0x1] =	stream.indirect_vreg.gather @!p2 [hbm4b:s3+s24], $0x80, v15, vm8, $0xb8;
	[tilespmem:$0x17200] =	vst v63  }
0x13d: {  	s28 =	simm.s32 @!p2 $0xD200  }
0x13e: {  	[tilespmem:s28], [sflag:$0x1] =	stream.indirect_vreg.gather @!p2 [hbm4b:s1+s24], $0x80, v14, vm8, $0xb8;
	[tilespmem:$0x17200] =	vst v63  }
0x13f: {  	s28 =	simm.s32 @!p2 $0xDA00  }
0x140: {  	[tilespmem:s28], [sflag:$0x1] =	stream.indirect_vreg.gather @!p2 [hbm4b:s0+s24], $0x80, v14, vm8, $0xb8;
	[tilespmem:$0x17200] =	vst v63  }
0x141: {  	s28 =	simm.s32 @!p2 $0xE200  }
0x142: {  	[tilespmem:s28], [sflag:$0x1] =	stream.indirect_vreg.gather @!p2 [hbm4b:s2+s24], $0x80, v14, vm8, $0xb8;
	[tilespmem:$0x17200] =	vst v63  }
0x143: {  	s28 =	simm.s32 @!p2 $0xEA00  }
0x144: {  	[tilespmem:s28], [sflag:$0x1] =	stream.indirect_vreg.gather @!p2 [hbm4b:s3+s24], $0x80, v14, vm8, $0xb8;
	[tilespmem:$0x17200] =	vst v63  }
0x145: {  	s28 =	rddreg [dreg:$0x6]  }
0x146: {  	[hbm4b:s28+s23] =	stream.linear.scatter @!p1 [tilespmem:s25], [sflag:$0x3], $0x8000, $0x38;
	[tilespmem:$0x17200] =	vst v63  }
0x147: {  	s23 =	simm.s32 @!p1 $0x3  }
0x148: {  	_ =	swait.ge @!p1 [sflag:s23], $0x8000  }
0x149: {  	[sflag:s23] =	ssyncset.done @!p1 $0x0  }
0x14a: {  	[sflag:s23] =	ssyncadd.s32 @!p1 $0xFFFF8000;
	s23 =	simm.s32 @!p2 $0x1  }
0x14b: {  	_ =	swait.ge @!p2 [sflag:s23], $0x8000  }
0x14c: {  	[sflag:s23] =	ssyncset.done @!p2 $0x0  }
0x14d: {  	p1 =	sge.s32 s11, s22;
	[sflag:s23] =	ssyncadd.s32 @!p2 $0xFFFF8000  }
0x14e: {  	v14 =	vld @!p1 [tilespmem:s11+$0x3000];
	_ =	sdelay $0x4  }
0x14f: {  	v15 =	vshll.u32 @!p1 v14, $0x3  }
0x150: {  	v16 =	vlaneseq.u32 @!p1;
	v14 =	vand.u32 @!p1 $0x7, v14;
	v15 =	vand.u32 @!p1 $0xFFFFFFC0, v15  }
0x151: {  	v17 =	vshrl.u32 @!p1 v16, $0x3;
	v14 =	vor.u32 @!p1 v14, v15;
	v15 =	vand.u32 @!p1 $0x7, v16  }
0x152: {  	v17 =	vmul.u32 @!p1 $0x8, v17;
	v18 =	vperm.xlane @!p1 v14, v15;
	_ =	sdelay $0x1  }
0x153: {  	v18 =	vadd.s32 @!p1 v17, v18;
	_ =	sdelay $0x3  }
0x154: {  	vm8 =	vmmov @!p1 $0xffff;
	s25 =	simm.s32 @!p1 $0xF200;
	s23 =	simm.s32 @!p1 $0x0  }
0x155: {  	v16 =	vor.u32 @!p1 $0x8, v16;
	[tilespmem:s25], [sflag:$0x2] =	stream.indirect_vreg.gather @!p1 [hbm4b:s1+s23], $0x80, v18, vm8, $0xb8;
	[tilespmem:$0x17200] =	vst v63  }
0x156: {  	s28 =	simm.s32 @!p1 $0xFA00;
	v14 =	vperm.xlane @!p1 v14, v16  }
0x157: {  	[tilespmem:s28], [sflag:$0x2] =	stream.indirect_vreg.gather @!p1 [hbm4b:s0+s23], $0x80, v18, vm8, $0xb8;
	[tilespmem:$0x17200] =	vst v63  }
0x158: {  	v14 =	vadd.s32 @!p1 v17, v14;
	s28 =	simm.s32 @!p1 $0x10200  }
0x159: {  	[tilespmem:s28], [sflag:$0x2] =	stream.indirect_vreg.gather @!p1 [hbm4b:s2+s23], $0x80, v18, vm8, $0xb8;
	[tilespmem:$0x17200] =	vst v63  }
0x15a: {  	s28 =	simm.s32 @!p1 $0x10A00  }
0x15b: {  	[tilespmem:s28], [sflag:$0x2] =	stream.indirect_vreg.gather @!p1 [hbm4b:s3+s23], $0x80, v18, vm8, $0xb8;
	[tilespmem:$0x17200] =	vst v63  }
0x15c: {  	s28 =	simm.s32 @!p1 $0x11200  }
0x15d: {  	[tilespmem:s28], [sflag:$0x2] =	stream.indirect_vreg.gather @!p1 [hbm4b:s1+s23], $0x80, v14, vm8, $0xb8;
	[tilespmem:$0x17200] =	vst v63  }
0x15e: {  	s28 =	simm.s32 @!p1 $0x11A00  }
0x15f: {  	[tilespmem:s28], [sflag:$0x2] =	stream.indirect_vreg.gather @!p1 [hbm4b:s0+s23], $0x80, v14, vm8, $0xb8;
	[tilespmem:$0x17200] =	vst v63  }
0x160: {  	s28 =	simm.s32 @!p1 $0x12200  }
0x161: {  	[tilespmem:s28], [sflag:$0x2] =	stream.indirect_vreg.gather @!p1 [hbm4b:s2+s23], $0x80, v14, vm8, $0xb8;
	[tilespmem:$0x17200] =	vst v63  }
0x162: {  	s28 =	simm.s32 @!p1 $0x12A00  }
0x163: {  	[tilespmem:s28], [sflag:$0x2] =	stream.indirect_vreg.gather @!p1 [hbm4b:s3+s23], $0x80, v14, vm8, $0xb8;
	[tilespmem:$0x17200] =	vst v63  }
0x164: {  	v14 =	vld @!p1 [tilespmem:s11+$0x3010];
	_ =	sdelay $0x4  }
0x165: {  	v18 =	vshll.u32 @!p1 v14, $0x3  }
0x166: {  	v14 =	vand.u32 @!p1 $0x7, v14;
	v18 =	vand.u32 @!p1 $0xFFFFFFC0, v18  }
0x167: {  	v14 =	vor.u32 @!p1 v14, v18  }
0x168: {  	v15 =	vperm.xlane @!p1 v14, v15;
	_ =	sdelay $0x1  }
0x169: {  	v15 =	vadd.s32 @!p1 v17, v15;
	_ =	sdelay $0x3  }
0x16a: {  	s28 =	simm.s32 @!p1 $0x13200  }
0x16b: {  	[tilespmem:s28], [sflag:$0x2] =	stream.indirect_vreg.gather @!p1 [hbm4b:s1+s23], $0x80, v15, vm8, $0xb8;
	[tilespmem:$0x17200] =	vst v63  }
0x16c: {  	v14 =	vperm.xlane @!p1 v14, v16;
	s28 =	simm.s32 @!p1 $0x13A00  }
0x16d: {  	[tilespmem:s28], [sflag:$0x2] =	stream.indirect_vreg.gather @!p1 [hbm4b:s0+s23], $0x80, v15, vm8, $0xb8;
	[tilespmem:$0x17200] =	vst v63  }
0x16e: {  	v14 =	vadd.s32 @!p1 v17, v14;
	s28 =	simm.s32 @!p1 $0x14200  }
0x16f: {  	[tilespmem:s28], [sflag:$0x2] =	stream.indirect_vreg.gather @!p1 [hbm4b:s2+s23], $0x80, v15, vm8, $0xb8;
	[tilespmem:$0x17200] =	vst v63  }
0x170: {  	s28 =	simm.s32 @!p1 $0x14A00  }
0x171: {  	[tilespmem:s28], [sflag:$0x2] =	stream.indirect_vreg.gather @!p1 [hbm4b:s3+s23], $0x80, v15, vm8, $0xb8;
	[tilespmem:$0x17200] =	vst v63  }
0x172: {  	s28 =	simm.s32 @!p1 $0x15200  }
0x173: {  	[tilespmem:s28], [sflag:$0x2] =	stream.indirect_vreg.gather @!p1 [hbm4b:s1+s23], $0x80, v14, vm8, $0xb8;
	[tilespmem:$0x17200] =	vst v63  }
0x174: {  	s28 =	simm.s32 @!p1 $0x15A00  }
0x175: {  	[tilespmem:s28], [sflag:$0x2] =	stream.indirect_vreg.gather @!p1 [hbm4b:s0+s23], $0x80, v14, vm8, $0xb8;
	[tilespmem:$0x17200] =	vst v63  }
0x176: {  	s28 =	simm.s32 @!p1 $0x16200  }
0x177: {  	[tilespmem:s28], [sflag:$0x2] =	stream.indirect_vreg.gather @!p1 [hbm4b:s2+s23], $0x80, v14, vm8, $0xb8;
	[tilespmem:$0x17200] =	vst v63  }
0x178: {  	s28 =	simm.s32 @!p1 $0x16A00  }
0x179: {  	[tilespmem:s28], [sflag:$0x2] =	stream.indirect_vreg.gather @!p1 [hbm4b:s3+s23], $0x80, v14, vm8, $0xb8;
	[tilespmem:$0x17200] =	vst v63  }
0x17a: {  	s28 =	rddreg [dreg:$0x7]  }
0x17b: {  	[hbm4b:s28+s24] =	stream.linear.scatter @!p2 [tilespmem:s26], [sflag:$0x3], $0x8000, $0x38;
	[tilespmem:$0x17200] =	vst v63  }
0x17c: {  	s24 =	simm.s32 @!p2 $0x3  }
0x17d: {  	_ =	swait.ge @!p2 [sflag:s24], $0x8000  }
0x17e: {  	[sflag:s24] =	ssyncset.done @!p2 $0x0  }
0x17f: {  	[sflag:s24] =	ssyncadd.s32 @!p2 $0xFFFF8000;
	s24 =	simm.s32 @!p1 $0x2  }
0x180: {  	_ =	swait.ge @!p1 [sflag:s24], $0x8000  }
0x181: {  	[sflag:s24] =	ssyncset.done @!p1 $0x0  }
0x182: {  	p2 =	sge.s32 s12, s22;
	[sflag:s24] =	ssyncadd.s32 @!p1 $0xFFFF8000  }
0x183: {  	v14 =	vld @!p2 [tilespmem:s12+$0x3000];
	_ =	sdelay $0x4  }
0x184: {  	v15 =	vshll.u32 @!p2 v14, $0x3  }
0x185: {  	v16 =	vlaneseq.u32 @!p2;
	v14 =	vand.u32 @!p2 $0x7, v14;
	v15 =	vand.u32 @!p2 $0xFFFFFFC0, v15  }
0x186: {  	v17 =	vshrl.u32 @!p2 v16, $0x3;
	v14 =	vor.u32 @!p2 v14, v15;
	v15 =	vand.u32 @!p2 $0x7, v16  }
0x187: {  	v17 =	vmul.u32 @!p2 $0x8, v17;
	v18 =	vperm.xlane @!p2 v14, v15;
	_ =	sdelay $0x1  }
0x188: {  	v18 =	vadd.s32 @!p2 v17, v18;
	_ =	sdelay $0x3  }
0x189: {  	vm8 =	vmmov @!p2 $0xffff;
	s26 =	simm.s32 @!p2 $0x7200;
	s24 =	simm.s32 @!p2 $0x0  }
0x18a: {  	v16 =	vor.u32 @!p2 $0x8, v16;
	[tilespmem:s26], [sflag:$0x1] =	stream.indirect_vreg.gather @!p2 [hbm4b:s1+s24], $0x80, v18, vm8, $0xb8;
	[tilespmem:$0x17200] =	vst v63  }
0x18b: {  	s28 =	simm.s32 @!p2 $0x7A00;
	v14 =	vperm.xlane @!p2 v14, v16  }
0x18c: {  	[tilespmem:s28], [sflag:$0x1] =	stream.indirect_vreg.gather @!p2 [hbm4b:s0+s24], $0x80, v18, vm8, $0xb8;
	[tilespmem:$0x17200] =	vst v63  }
0x18d: {  	v14 =	vadd.s32 @!p2 v17, v14;
	s28 =	simm.s32 @!p2 $0x8200  }
0x18e: {  	[tilespmem:s28], [sflag:$0x1] =	stream.indirect_vreg.gather @!p2 [hbm4b:s2+s24], $0x80, v18, vm8, $0xb8;
	[tilespmem:$0x17200] =	vst v63  }
0x18f: {  	s28 =	simm.s32 @!p2 $0x8A00  }
0x190: {  	[tilespmem:s28], [sflag:$0x1] =	stream.indirect_vreg.gather @!p2 [hbm4b:s3+s24], $0x80, v18, vm8, $0xb8;
	[tilespmem:$0x17200] =	vst v63  }
0x191: {  	s28 =	simm.s32 @!p2 $0x9200  }
0x192: {  	[tilespmem:s28], [sflag:$0x1] =	stream.indirect_vreg.gather @!p2 [hbm4b:s1+s24], $0x80, v14, vm8, $0xb8;
	[tilespmem:$0x17200] =	vst v63  }
0x193: {  	s28 =	simm.s32 @!p2 $0x9A00  }
0x194: {  	[tilespmem:s28], [sflag:$0x1] =	stream.indirect_vreg.gather @!p2 [hbm4b:s0+s24], $0x80, v14, vm8, $0xb8;
	[tilespmem:$0x17200] =	vst v63  }
0x195: {  	s28 =	simm.s32 @!p2 $0xA200  }
0x196: {  	[tilespmem:s28], [sflag:$0x1] =	stream.indirect_vreg.gather @!p2 [hbm4b:s2+s24], $0x80, v14, vm8, $0xb8;
	[tilespmem:$0x17200] =	vst v63  }
0x197: {  	s28 =	simm.s32 @!p2 $0xAA00  }
0x198: {  	[tilespmem:s28], [sflag:$0x1] =	stream.indirect_vreg.gather @!p2 [hbm4b:s3+s24], $0x80, v14, vm8, $0xb8;
	[tilespmem:$0x17200] =	vst v63  }
0x199: {  	v14 =	vld @!p2 [tilespmem:s12+$0x3010];
	_ =	sdelay $0x4  }
0x19a: {  	v18 =	vshll.u32 @!p2 v14, $0x3  }
0x19b: {  	v14 =	vand.u32 @!p2 $0x7, v14;
	v18 =	vand.u32 @!p2 $0xFFFFFFC0, v18  }
0x19c: {  	v14 =	vor.u32 @!p2 v14, v18  }
0x19d: {  	v15 =	vperm.xlane @!p2 v14, v15;
	_ =	sdelay $0x1  }
0x19e: {  	v15 =	vadd.s32 @!p2 v17, v15;
	_ =	sdelay $0x3  }
0x19f: {  	s28 =	simm.s32 @!p2 $0xB200  }
0x1a0: {  	[tilespmem:s28], [sflag:$0x1] =	stream.indirect_vreg.gather @!p2 [hbm4b:s1+s24], $0x80, v15, vm8, $0xb8;
	[tilespmem:$0x17200] =	vst v63  }
0x1a1: {  	v14 =	vperm.xlane @!p2 v14, v16;
	s28 =	simm.s32 @!p2 $0xBA00  }
0x1a2: {  	[tilespmem:s28], [sflag:$0x1] =	stream.indirect_vreg.gather @!p2 [hbm4b:s0+s24], $0x80, v15, vm8, $0xb8;
	[tilespmem:$0x17200] =	vst v63  }
0x1a3: {  	v14 =	vadd.s32 @!p2 v17, v14;
	s28 =	simm.s32 @!p2 $0xC200  }
0x1a4: {  	[tilespmem:s28], [sflag:$0x1] =	stream.indirect_vreg.gather @!p2 [hbm4b:s2+s24], $0x80, v15, vm8, $0xb8;
	[tilespmem:$0x17200] =	vst v63  }
0x1a5: {  	s28 =	simm.s32 @!p2 $0xCA00  }
0x1a6: {  	[tilespmem:s28], [sflag:$0x1] =	stream.indirect_vreg.gather @!p2 [hbm4b:s3+s24], $0x80, v15, vm8, $0xb8;
	[tilespmem:$0x17200] =	vst v63  }
0x1a7: {  	s28 =	simm.s32 @!p2 $0xD200  }
0x1a8: {  	[tilespmem:s28], [sflag:$0x1] =	stream.indirect_vreg.gather @!p2 [hbm4b:s1+s24], $0x80, v14, vm8, $0xb8;
	[tilespmem:$0x17200] =	vst v63  }
0x1a9: {  	s28 =	simm.s32 @!p2 $0xDA00  }
0x1aa: {  	[tilespmem:s28], [sflag:$0x1] =	stream.indirect_vreg.gather @!p2 [hbm4b:s0+s24], $0x80, v14, vm8, $0xb8;
	[tilespmem:$0x17200] =	vst v63  }
0x1ab: {  	s28 =	simm.s32 @!p2 $0xE200  }
0x1ac: {  	[tilespmem:s28], [sflag:$0x1] =	stream.indirect_vreg.gather @!p2 [hbm4b:s2+s24], $0x80, v14, vm8, $0xb8;
	[tilespmem:$0x17200] =	vst v63  }
0x1ad: {  	s28 =	simm.s32 @!p2 $0xEA00  }
0x1ae: {  	[tilespmem:s28], [sflag:$0x1] =	stream.indirect_vreg.gather @!p2 [hbm4b:s3+s24], $0x80, v14, vm8, $0xb8;
	[tilespmem:$0x17200] =	vst v63  }
0x1af: {  	s28 =	rddreg [dreg:$0x8]  }
0x1b0: {  	[hbm4b:s28+s23] =	stream.linear.scatter @!p1 [tilespmem:s25], [sflag:$0x3], $0x8000, $0x38;
	[tilespmem:$0x17200] =	vst v63  }
0x1b1: {  	s23 =	simm.s32 @!p1 $0x3  }
0x1b2: {  	_ =	swait.ge @!p1 [sflag:s23], $0x8000  }
0x1b3: {  	[sflag:s23] =	ssyncset.done @!p1 $0x0  }
0x1b4: {  	[sflag:s23] =	ssyncadd.s32 @!p1 $0xFFFF8000;
	s23 =	simm.s32 @!p2 $0x1  }
0x1b5: {  	_ =	swait.ge @!p2 [sflag:s23], $0x8000  }
0x1b6: {  	[sflag:s23] =	ssyncset.done @!p2 $0x0  }
0x1b7: {  	p1 =	sge.s32 s15, s22;
	[sflag:s23] =	ssyncadd.s32 @!p2 $0xFFFF8000  }
0x1b8: {  	v14 =	vld @!p1 [tilespmem:s15+$0x3000];
	_ =	sdelay $0x4  }
0x1b9: {  	v15 =	vshll.u32 @!p1 v14, $0x3  }
0x1ba: {  	v16 =	vlaneseq.u32 @!p1;
	v14 =	vand.u32 @!p1 $0x7, v14;
	v15 =	vand.u32 @!p1 $0xFFFFFFC0, v15  }
0x1bb: {  	v17 =	vshrl.u32 @!p1 v16, $0x3;
	v14 =	vor.u32 @!p1 v14, v15;
	v15 =	vand.u32 @!p1 $0x7, v16  }
0x1bc: {  	v17 =	vmul.u32 @!p1 $0x8, v17;
	v18 =	vperm.xlane @!p1 v14, v15;
	_ =	sdelay $0x1  }
0x1bd: {  	v18 =	vadd.s32 @!p1 v17, v18;
	_ =	sdelay $0x3  }
0x1be: {  	vm8 =	vmmov @!p1 $0xffff;
	s25 =	simm.s32 @!p1 $0xF200;
	s23 =	simm.s32 @!p1 $0x0  }
0x1bf: {  	v16 =	vor.u32 @!p1 $0x8, v16;
	[tilespmem:s25], [sflag:$0x2] =	stream.indirect_vreg.gather @!p1 [hbm4b:s1+s23], $0x80, v18, vm8, $0xb8;
	[tilespmem:$0x17200] =	vst v63  }
0x1c0: {  	s28 =	simm.s32 @!p1 $0xFA00;
	v14 =	vperm.xlane @!p1 v14, v16  }
0x1c1: {  	[tilespmem:s28], [sflag:$0x2] =	stream.indirect_vreg.gather @!p1 [hbm4b:s0+s23], $0x80, v18, vm8, $0xb8;
	[tilespmem:$0x17200] =	vst v63  }
0x1c2: {  	v14 =	vadd.s32 @!p1 v17, v14;
	s28 =	simm.s32 @!p1 $0x10200  }
0x1c3: {  	[tilespmem:s28], [sflag:$0x2] =	stream.indirect_vreg.gather @!p1 [hbm4b:s2+s23], $0x80, v18, vm8, $0xb8;
	[tilespmem:$0x17200] =	vst v63  }
0x1c4: {  	s28 =	simm.s32 @!p1 $0x10A00  }
0x1c5: {  	[tilespmem:s28], [sflag:$0x2] =	stream.indirect_vreg.gather @!p1 [hbm4b:s3+s23], $0x80, v18, vm8, $0xb8;
	[tilespmem:$0x17200] =	vst v63  }
0x1c6: {  	s28 =	simm.s32 @!p1 $0x11200  }
0x1c7: {  	[tilespmem:s28], [sflag:$0x2] =	stream.indirect_vreg.gather @!p1 [hbm4b:s1+s23], $0x80, v14, vm8, $0xb8;
	[tilespmem:$0x17200] =	vst v63  }
0x1c8: {  	s28 =	simm.s32 @!p1 $0x11A00  }
0x1c9: {  	[tilespmem:s28], [sflag:$0x2] =	stream.indirect_vreg.gather @!p1 [hbm4b:s0+s23], $0x80, v14, vm8, $0xb8;
	[tilespmem:$0x17200] =	vst v63  }
0x1ca: {  	s28 =	simm.s32 @!p1 $0x12200  }
0x1cb: {  	[tilespmem:s28], [sflag:$0x2] =	stream.indirect_vreg.gather @!p1 [hbm4b:s2+s23], $0x80, v14, vm8, $0xb8;
	[tilespmem:$0x17200] =	vst v63  }
0x1cc: {  	s28 =	simm.s32 @!p1 $0x12A00  }
0x1cd: {  	[tilespmem:s28], [sflag:$0x2] =	stream.indirect_vreg.gather @!p1 [hbm4b:s3+s23], $0x80, v14, vm8, $0xb8;
	[tilespmem:$0x17200] =	vst v63  }
0x1ce: {  	v14 =	vld @!p1 [tilespmem:s15+$0x3010];
	_ =	sdelay $0x4  }
0x1cf: {  	v18 =	vshll.u32 @!p1 v14, $0x3  }
0x1d0: {  	v14 =	vand.u32 @!p1 $0x7, v14;
	v18 =	vand.u32 @!p1 $0xFFFFFFC0, v18  }
0x1d1: {  	v14 =	vor.u32 @!p1 v14, v18  }
0x1d2: {  	v15 =	vperm.xlane @!p1 v14, v15;
	_ =	sdelay $0x1  }
0x1d3: {  	v15 =	vadd.s32 @!p1 v17, v15;
	_ =	sdelay $0x3  }
0x1d4: {  	s28 =	simm.s32 @!p1 $0x13200  }
0x1d5: {  	[tilespmem:s28], [sflag:$0x2] =	stream.indirect_vreg.gather @!p1 [hbm4b:s1+s23], $0x80, v15, vm8, $0xb8;
	[tilespmem:$0x17200] =	vst v63  }
0x1d6: {  	v14 =	vperm.xlane @!p1 v14, v16;
	s28 =	simm.s32 @!p1 $0x13A00  }
0x1d7: {  	[tilespmem:s28], [sflag:$0x2] =	stream.indirect_vreg.gather @!p1 [hbm4b:s0+s23], $0x80, v15, vm8, $0xb8;
	[tilespmem:$0x17200] =	vst v63  }
0x1d8: {  	v14 =	vadd.s32 @!p1 v17, v14;
	s28 =	simm.s32 @!p1 $0x14200  }
0x1d9: {  	[tilespmem:s28], [sflag:$0x2] =	stream.indirect_vreg.gather @!p1 [hbm4b:s2+s23], $0x80, v15, vm8, $0xb8;
	[tilespmem:$0x17200] =	vst v63  }
0x1da: {  	s28 =	simm.s32 @!p1 $0x14A00  }
0x1db: {  	[tilespmem:s28], [sflag:$0x2] =	stream.indirect_vreg.gather @!p1 [hbm4b:s3+s23], $0x80, v15, vm8, $0xb8;
	[tilespmem:$0x17200] =	vst v63  }
0x1dc: {  	s28 =	simm.s32 @!p1 $0x15200  }
0x1dd: {  	[tilespmem:s28], [sflag:$0x2] =	stream.indirect_vreg.gather @!p1 [hbm4b:s1+s23], $0x80, v14, vm8, $0xb8;
	[tilespmem:$0x17200] =	vst v63  }
0x1de: {  	s28 =	simm.s32 @!p1 $0x15A00  }
0x1df: {  	[tilespmem:s28], [sflag:$0x2] =	stream.indirect_vreg.gather @!p1 [hbm4b:s0+s23], $0x80, v14, vm8, $0xb8;
	[tilespmem:$0x17200] =	vst v63  }
0x1e0: {  	s28 =	simm.s32 @!p1 $0x16200  }
0x1e1: {  	[tilespmem:s28], [sflag:$0x2] =	stream.indirect_vreg.gather @!p1 [hbm4b:s2+s23], $0x80, v14, vm8, $0xb8;
	[tilespmem:$0x17200] =	vst v63  }
0x1e2: {  	s28 =	simm.s32 @!p1 $0x16A00  }
0x1e3: {  	[tilespmem:s28], [sflag:$0x2] =	stream.indirect_vreg.gather @!p1 [hbm4b:s3+s23], $0x80, v14, vm8, $0xb8;
	[tilespmem:$0x17200] =	vst v63  }
0x1e4: {  	s28 =	rddreg [dreg:$0x9]  }
0x1e5: {  	[hbm4b:s28+s24] =	stream.linear.scatter @!p2 [tilespmem:s26], [sflag:$0x3], $0x8000, $0x38;
	[tilespmem:$0x17200] =	vst v63  }
0x1e6: {  	s24 =	simm.s32 @!p2 $0x3  }
0x1e7: {  	_ =	swait.ge @!p2 [sflag:s24], $0x8000  }
0x1e8: {  	[sflag:s24] =	ssyncset.done @!p2 $0x0  }
0x1e9: {  	[sflag:s24] =	ssyncadd.s32 @!p2 $0xFFFF8000;
	s24 =	simm.s32 @!p1 $0x2  }
0x1ea: {  	_ =	swait.ge @!p1 [sflag:s24], $0x8000  }
0x1eb: {  	[sflag:s24] =	ssyncset.done @!p1 $0x0  }
0x1ec: {  	p2 =	sge.s32 s17, s22;
	[sflag:s24] =	ssyncadd.s32 @!p1 $0xFFFF8000  }
0x1ed: {  	v14 =	vld @!p2 [tilespmem:s17+$0x3000];
	_ =	sdelay $0x4  }
0x1ee: {  	v15 =	vshll.u32 @!p2 v14, $0x3  }
0x1ef: {  	v16 =	vlaneseq.u32 @!p2;
	v14 =	vand.u32 @!p2 $0x7, v14;
	v15 =	vand.u32 @!p2 $0xFFFFFFC0, v15  }
0x1f0: {  	v17 =	vshrl.u32 @!p2 v16, $0x3;
	v14 =	vor.u32 @!p2 v14, v15;
	v15 =	vand.u32 @!p2 $0x7, v16  }
0x1f1: {  	v17 =	vmul.u32 @!p2 $0x8, v17;
	v18 =	vperm.xlane @!p2 v14, v15;
	_ =	sdelay $0x1  }
0x1f2: {  	v18 =	vadd.s32 @!p2 v17, v18;
	_ =	sdelay $0x3  }
0x1f3: {  	vm8 =	vmmov @!p2 $0xffff;
	s26 =	simm.s32 @!p2 $0x7200;
	s24 =	simm.s32 @!p2 $0x0  }
0x1f4: {  	v16 =	vor.u32 @!p2 $0x8, v16;
	[tilespmem:s26], [sflag:$0x1] =	stream.indirect_vreg.gather @!p2 [hbm4b:s1+s24], $0x80, v18, vm8, $0xb8;
	[tilespmem:$0x17200] =	vst v63  }
0x1f5: {  	s28 =	simm.s32 @!p2 $0x7A00;
	v14 =	vperm.xlane @!p2 v14, v16  }
0x1f6: {  	[tilespmem:s28], [sflag:$0x1] =	stream.indirect_vreg.gather @!p2 [hbm4b:s0+s24], $0x80, v18, vm8, $0xb8;
	[tilespmem:$0x17200] =	vst v63  }
0x1f7: {  	v14 =	vadd.s32 @!p2 v17, v14;
	s28 =	simm.s32 @!p2 $0x8200  }
0x1f8: {  	[tilespmem:s28], [sflag:$0x1] =	stream.indirect_vreg.gather @!p2 [hbm4b:s2+s24], $0x80, v18, vm8, $0xb8;
	[tilespmem:$0x17200] =	vst v63  }
0x1f9: {  	s28 =	simm.s32 @!p2 $0x8A00  }
0x1fa: {  	[tilespmem:s28], [sflag:$0x1] =	stream.indirect_vreg.gather @!p2 [hbm4b:s3+s24], $0x80, v18, vm8, $0xb8;
	[tilespmem:$0x17200] =	vst v63  }
0x1fb: {  	s28 =	simm.s32 @!p2 $0x9200  }
0x1fc: {  	[tilespmem:s28], [sflag:$0x1] =	stream.indirect_vreg.gather @!p2 [hbm4b:s1+s24], $0x80, v14, vm8, $0xb8;
	[tilespmem:$0x17200] =	vst v63  }
0x1fd: {  	s28 =	simm.s32 @!p2 $0x9A00  }
0x1fe: {  	[tilespmem:s28], [sflag:$0x1] =	stream.indirect_vreg.gather @!p2 [hbm4b:s0+s24], $0x80, v14, vm8, $0xb8;
	[tilespmem:$0x17200] =	vst v63  }
0x1ff: {  	s28 =	simm.s32 @!p2 $0xA200  }
0x200: {  	[tilespmem:s28], [sflag:$0x1] =	stream.indirect_vreg.gather @!p2 [hbm4b:s2+s24], $0x80, v14, vm8, $0xb8;
	[tilespmem:$0x17200] =	vst v63  }
0x201: {  	s28 =	simm.s32 @!p2 $0xAA00  }
0x202: {  	[tilespmem:s28], [sflag:$0x1] =	stream.indirect_vreg.gather @!p2 [hbm4b:s3+s24], $0x80, v14, vm8, $0xb8;
	[tilespmem:$0x17200] =	vst v63  }
0x203: {  	v14 =	vld @!p2 [tilespmem:s17+$0x3010];
	_ =	sdelay $0x4  }
0x204: {  	v18 =	vshll.u32 @!p2 v14, $0x3  }
0x205: {  	v14 =	vand.u32 @!p2 $0x7, v14;
	v18 =	vand.u32 @!p2 $0xFFFFFFC0, v18  }
0x206: {  	v14 =	vor.u32 @!p2 v14, v18  }
0x207: {  	v15 =	vperm.xlane @!p2 v14, v15;
	_ =	sdelay $0x1  }
0x208: {  	v15 =	vadd.s32 @!p2 v17, v15;
	_ =	sdelay $0x3  }
0x209: {  	s28 =	simm.s32 @!p2 $0xB200  }
0x20a: {  	[tilespmem:s28], [sflag:$0x1] =	stream.indirect_vreg.gather @!p2 [hbm4b:s1+s24], $0x80, v15, vm8, $0xb8;
	[tilespmem:$0x17200] =	vst v63  }
0x20b: {  	v14 =	vperm.xlane @!p2 v14, v16;
	s28 =	simm.s32 @!p2 $0xBA00  }
0x20c: {  	[tilespmem:s28], [sflag:$0x1] =	stream.indirect_vreg.gather @!p2 [hbm4b:s0+s24], $0x80, v15, vm8, $0xb8;
	[tilespmem:$0x17200] =	vst v63  }
0x20d: {  	v14 =	vadd.s32 @!p2 v17, v14;
	s28 =	simm.s32 @!p2 $0xC200  }
0x20e: {  	[tilespmem:s28], [sflag:$0x1] =	stream.indirect_vreg.gather @!p2 [hbm4b:s2+s24], $0x80, v15, vm8, $0xb8;
	[tilespmem:$0x17200] =	vst v63  }
0x20f: {  	s28 =	simm.s32 @!p2 $0xCA00  }
0x210: {  	[tilespmem:s28], [sflag:$0x1] =	stream.indirect_vreg.gather @!p2 [hbm4b:s3+s24], $0x80, v15, vm8, $0xb8;
	[tilespmem:$0x17200] =	vst v63  }
0x211: {  	s28 =	simm.s32 @!p2 $0xD200  }
0x212: {  	[tilespmem:s28], [sflag:$0x1] =	stream.indirect_vreg.gather @!p2 [hbm4b:s1+s24], $0x80, v14, vm8, $0xb8;
	[tilespmem:$0x17200] =	vst v63  }
0x213: {  	s28 =	simm.s32 @!p2 $0xDA00  }
0x214: {  	[tilespmem:s28], [sflag:$0x1] =	stream.indirect_vreg.gather @!p2 [hbm4b:s0+s24], $0x80, v14, vm8, $0xb8;
	[tilespmem:$0x17200] =	vst v63  }
0x215: {  	s28 =	simm.s32 @!p2 $0xE200  }
0x216: {  	[tilespmem:s28], [sflag:$0x1] =	stream.indirect_vreg.gather @!p2 [hbm4b:s2+s24], $0x80, v14, vm8, $0xb8;
	[tilespmem:$0x17200] =	vst v63  }
0x217: {  	s28 =	simm.s32 @!p2 $0xEA00  }
0x218: {  	[tilespmem:s28], [sflag:$0x1] =	stream.indirect_vreg.gather @!p2 [hbm4b:s3+s24], $0x80, v14, vm8, $0xb8;
	[tilespmem:$0x17200] =	vst v63  }
0x219: {  	s28 =	rddreg [dreg:$0xa]  }
0x21a: {  	[hbm4b:s28+s23] =	stream.linear.scatter @!p1 [tilespmem:s25], [sflag:$0x3], $0x8000, $0x38;
	[tilespmem:$0x17200] =	vst v63  }
0x21b: {  	s23 =	simm.s32 @!p1 $0x3  }
0x21c: {  	_ =	swait.ge @!p1 [sflag:s23], $0x8000  }
0x21d: {  	[sflag:s23] =	ssyncset.done @!p1 $0x0  }
0x21e: {  	[sflag:s23] =	ssyncadd.s32 @!p1 $0xFFFF8000;
	s23 =	simm.s32 @!p2 $0x1  }
0x21f: {  	_ =	swait.ge @!p2 [sflag:s23], $0x8000  }
0x220: {  	[sflag:s23] =	ssyncset.done @!p2 $0x0  }
0x221: {  	p1 =	sge.s32 s18, s22;
	[sflag:s23] =	ssyncadd.s32 @!p2 $0xFFFF8000  }
0x222: {  	v14 =	vld @!p1 [tilespmem:s18+$0x3000];
	_ =	sdelay $0x4  }
0x223: {  	v15 =	vshll.u32 @!p1 v14, $0x3  }
0x224: {  	v16 =	vlaneseq.u32 @!p1;
	v14 =	vand.u32 @!p1 $0x7, v14;
	v15 =	vand.u32 @!p1 $0xFFFFFFC0, v15  }
0x225: {  	v17 =	vshrl.u32 @!p1 v16, $0x3;
	v14 =	vor.u32 @!p1 v14, v15;
	v15 =	vand.u32 @!p1 $0x7, v16  }
0x226: {  	v17 =	vmul.u32 @!p1 $0x8, v17;
	v18 =	vperm.xlane @!p1 v14, v15;
	_ =	sdelay $0x1  }
0x227: {  	v18 =	vadd.s32 @!p1 v17, v18;
	_ =	sdelay $0x3  }
0x228: {  	vm8 =	vmmov @!p1 $0xffff;
	s22 =	simm.s32 @!p1 $0x0;
	s23 =	simm.s32 @!p1 $0xF200  }
0x229: {  	v16 =	vor.u32 @!p1 $0x8, v16;
	[tilespmem:s23], [sflag:$0x2] =	stream.indirect_vreg.gather @!p1 [hbm4b:s1+s22], $0x80, v18, vm8, $0xb8;
	[tilespmem:$0x17200] =	vst v63  }
0x22a: {  	s25 =	simm.s32 @!p1 $0xFA00;
	v14 =	vperm.xlane @!p1 v14, v16  }
0x22b: {  	[tilespmem:s25], [sflag:$0x2] =	stream.indirect_vreg.gather @!p1 [hbm4b:s0+s22], $0x80, v18, vm8, $0xb8;
	[tilespmem:$0x17200] =	vst v63  }
0x22c: {  	v14 =	vadd.s32 @!p1 v17, v14;
	s25 =	simm.s32 @!p1 $0x10200  }
0x22d: {  	[tilespmem:s25], [sflag:$0x2] =	stream.indirect_vreg.gather @!p1 [hbm4b:s2+s22], $0x80, v18, vm8, $0xb8;
	[tilespmem:$0x17200] =	vst v63  }
0x22e: {  	s25 =	simm.s32 @!p1 $0x10A00  }
0x22f: {  	[tilespmem:s25], [sflag:$0x2] =	stream.indirect_vreg.gather @!p1 [hbm4b:s3+s22], $0x80, v18, vm8, $0xb8;
	[tilespmem:$0x17200] =	vst v63  }
0x230: {  	s25 =	simm.s32 @!p1 $0x11200  }
0x231: {  	[tilespmem:s25], [sflag:$0x2] =	stream.indirect_vreg.gather @!p1 [hbm4b:s1+s22], $0x80, v14, vm8, $0xb8;
	[tilespmem:$0x17200] =	vst v63  }
0x232: {  	s25 =	simm.s32 @!p1 $0x11A00  }
0x233: {  	[tilespmem:s25], [sflag:$0x2] =	stream.indirect_vreg.gather @!p1 [hbm4b:s0+s22], $0x80, v14, vm8, $0xb8;
	[tilespmem:$0x17200] =	vst v63  }
0x234: {  	s25 =	simm.s32 @!p1 $0x12200  }
0x235: {  	[tilespmem:s25], [sflag:$0x2] =	stream.indirect_vreg.gather @!p1 [hbm4b:s2+s22], $0x80, v14, vm8, $0xb8;
	[tilespmem:$0x17200] =	vst v63  }
0x236: {  	s25 =	simm.s32 @!p1 $0x12A00  }
0x237: {  	[tilespmem:s25], [sflag:$0x2] =	stream.indirect_vreg.gather @!p1 [hbm4b:s3+s22], $0x80, v14, vm8, $0xb8;
	[tilespmem:$0x17200] =	vst v63  }
0x238: {  	v14 =	vld @!p1 [tilespmem:s18+$0x3010];
	_ =	sdelay $0x4  }
0x239: {  	v18 =	vshll.u32 @!p1 v14, $0x3  }
0x23a: {  	v14 =	vand.u32 @!p1 $0x7, v14;
	v18 =	vand.u32 @!p1 $0xFFFFFFC0, v18  }
0x23b: {  	v14 =	vor.u32 @!p1 v14, v18  }
0x23c: {  	v15 =	vperm.xlane @!p1 v14, v15;
	_ =	sdelay $0x1  }
0x23d: {  	v15 =	vadd.s32 @!p1 v17, v15;
	_ =	sdelay $0x3  }
0x23e: {  	s25 =	simm.s32 @!p1 $0x13200  }
0x23f: {  	[tilespmem:s25], [sflag:$0x2] =	stream.indirect_vreg.gather @!p1 [hbm4b:s1+s22], $0x80, v15, vm8, $0xb8;
	[tilespmem:$0x17200] =	vst v63  }
0x240: {  	v14 =	vperm.xlane @!p1 v14, v16;
	s25 =	simm.s32 @!p1 $0x13A00  }
0x241: {  	[tilespmem:s25], [sflag:$0x2] =	stream.indirect_vreg.gather @!p1 [hbm4b:s0+s22], $0x80, v15, vm8, $0xb8;
	[tilespmem:$0x17200] =	vst v63  }
0x242: {  	v14 =	vadd.s32 @!p1 v17, v14;
	s25 =	simm.s32 @!p1 $0x14200  }
0x243: {  	[tilespmem:s25], [sflag:$0x2] =	stream.indirect_vreg.gather @!p1 [hbm4b:s2+s22], $0x80, v15, vm8, $0xb8;
	[tilespmem:$0x17200] =	vst v63  }
0x244: {  	s25 =	simm.s32 @!p1 $0x14A00  }
0x245: {  	[tilespmem:s25], [sflag:$0x2] =	stream.indirect_vreg.gather @!p1 [hbm4b:s3+s22], $0x80, v15, vm8, $0xb8;
	[tilespmem:$0x17200] =	vst v63  }
0x246: {  	s25 =	simm.s32 @!p1 $0x15200  }
0x247: {  	[tilespmem:s25], [sflag:$0x2] =	stream.indirect_vreg.gather @!p1 [hbm4b:s1+s22], $0x80, v14, vm8, $0xb8;
	[tilespmem:$0x17200] =	vst v63  }
0x248: {  	s25 =	simm.s32 @!p1 $0x15A00  }
0x249: {  	[tilespmem:s25], [sflag:$0x2] =	stream.indirect_vreg.gather @!p1 [hbm4b:s0+s22], $0x80, v14, vm8, $0xb8;
	[tilespmem:$0x17200] =	vst v63  }
0x24a: {  	s25 =	simm.s32 @!p1 $0x16200  }
0x24b: {  	[tilespmem:s25], [sflag:$0x2] =	stream.indirect_vreg.gather @!p1 [hbm4b:s2+s22], $0x80, v14, vm8, $0xb8;
	[tilespmem:$0x17200] =	vst v63  }
0x24c: {  	s25 =	simm.s32 @!p1 $0x16A00  }
0x24d: {  	[tilespmem:s25], [sflag:$0x2] =	stream.indirect_vreg.gather @!p1 [hbm4b:s3+s22], $0x80, v14, vm8, $0xb8;
	[tilespmem:$0x17200] =	vst v63  }
0x24e: {  	s25 =	rddreg [dreg:$0xb]  }
0x24f: {  	[hbm4b:s25+s24] =	stream.linear.scatter @!p2 [tilespmem:s26], [sflag:$0x3], $0x8000, $0x38;
	[tilespmem:$0x17200] =	vst v63  }
0x250: {  	s24 =	simm.s32 @!p2 $0x3  }
0x251: {  	_ =	swait.ge @!p2 [sflag:s24], $0x8000  }
0x252: {  	[sflag:s24] =	ssyncset.done @!p2 $0x0  }
0x253: {  	[sflag:s24] =	ssyncadd.s32 @!p2 $0xFFFF8000;
	s24 =	simm.s32 @!p1 $0x2  }
0x254: {  	_ =	swait.ge @!p1 [sflag:s24], $0x8000  }
0x255: {  	s21 =	sadd.s32 $0x1, s21;
	[sflag:s24] =	ssyncset.done @!p1 $0x0  }
0x256: {  	p2 =	sne.s32 s21, s31;
	[sflag:s24] =	ssyncadd.s32 @!p1 $0xFFFF8000;
	s24 =	rddreg [dreg:$0xc]  }
0x257: {  	[hbm4b:s24+s22] =	stream.linear.scatter @!p1 [tilespmem:s23], [sflag:$0x3], $0x8000, $0x38;
	[tilespmem:$0x17200] =	vst v63  }
.Ltmp3:
0x258: {  	_ = 	snop;
	(pc) =	sbr.rel @p2 .LBB2_1-.Ltmp3, $4  }
0x259: {  	s22 =	simm.s32 @!p1 $0x3  }
0x25a: {  	_ =	swait.ge @!p1 [sflag:s22], $0x8000  }
0x25b: {  	[sflag:s22] =	ssyncset.done @!p1 $0x0  }
0x25c: {  	[sflag:s22] =	ssyncadd.s32 @!p1 $0xFFFF8000  }
0x25d: {  	_ =	sfence.sel $0x180000  }
0x25e: {  	[bflag:$0x0] =	sbarrier.arrive $0xFFFF  }
0x25f: {  	_ =	strace $0x90000047  }
0x260: {  	s0 =	stileid.u32;
	[bflag:$0x2] =	sbarrier.arrive $0xFFFF  }
0x261: {  	p0 =	sne.s32 s0, $0x0;
	s0 =	rddreg [dreg:$0x3]  }
0x262: {  	s0 =	sadd.s32 @!p0 $0x100000, s0  }
0x263: {  	[sflag:s0] =	ssyncadd.tile.s32 @!p0 $0x1;
	_ =	shalt  }
.Lfunc_end2:
_tile_overlayer_lowered:
.L_overlay_start_2:
0x264: {  	(tag) =	ssettag $0x2  }
0x265: {  	s0 =	rddreg [dreg:$0x0];
	s2 =	stileid.u32  }
0x266: {  	s1 =	rddreg [dreg:$0x1];
	p0 =	sne.s32 s2, $0x0  }
0x267: {  	s3 =	rddreg [dreg:$0x2];
	[bflag:$0x3] =	sbarrier.arrive $0xFFFF;
	s2 =	simm.s32 @!p0 $0x1C03  }
0x268: {  	[timem:s3], [sflag:s2] =	dma.local @!p0 [hbm:s0], s1  }
0x269: {  	s0 =	simm.s32 @!p0 $0x3  }
0x26a: {  	_ =	swait.ge @!p0 [sflag:s0], s1  }
0x26b: {  	s1 =	ssub.s32 @!p0 $0x0, s1;
	[sflag:s0] =	ssyncset.done @!p0 $0x0  }
0x26c: {  	[sflag:s0] =	ssyncadd.s32 @!p0 s1  }
0x26d: {  	[bflag:$0x3] =	sbarrier.arrive $0xFFFF  }
0x26e: {  	_ =	shalt  }

// kernel: kernel.9.cloned.1.call-start
scs
__scs_entry_jumppad:
0x0: {  	(pc) =	sbr.rel $0x88, $3  }
0x1: {  	(tag) =	ssettag $0x0;
	lr =	simm.s32 $0x1  }
0x2: {  	[smem:$0x3F9C] =	sst lr;
	_ =	strace $0xD0000000  }
0x3: {  	_ = 	snop  }
0x4: {  	_ = 	snop  }
0x5: {  	_ = 	snop  }
0x6: {  	_ = 	snop  }
0x7: {  	_ = 	snop  }
__scs_overlays_trampoline_lowered:
0x8: {  	[smem:$0x3FAB] =	sst s0  }
0x9: {  	[smem:$0x3FAC] =	sst s1  }
0xa: {  	[smem:$0x3FAD] =	sst s2  }
0xb: {  	[smem:$0x3FAE] =	sst s3  }
0xc: {  	[smem:$0x3FAF] =	sst s4  }
0xd: {  	[smem:$0x3FB0] =	sst s5  }
0xe: {  	[smem:$0x3FB1] =	sst s6  }
0xf: {  	[smem:$0x3FB2] =	sst s7  }
0x10: {  	[smem:$0x3FB3] =	sst s8  }
0x11: {  	[smem:$0x3FB4] =	sst s9;
	s0 =	simm.s32 @!p0 $0x0  }
0x12: {  	s1 =	sld [smem:$0x3F9A];
	s0 =	simm.s32 @p0 $0x1  }
0x13: {  	[smem:$0x3FB5] =	sst s0;
	s0 =	simm.s32 @!p1 $0x0  }
0x14: {  	s2 =	sld [smem:$0x3F99];
	s0 =	simm.s32 @p1 $0x1  }
0x15: {  	[smem:$0x3FB6] =	sst s0;
	s0 =	simm.s32 @!p2 $0x0  }
0x16: {  	s3 =	sld [smem:$0x3FDB];
	s0 =	simm.s32 @p2 $0x1  }
0x17: {  	s4 =	simm.s32 $0x1BF5;
	[smem:$0x3FB8] =	sst s0  }
0x18: {  	s0 =	sld [smem:$0x3F9B];
	_ =	swait.ge [sflag:s4], $0x0  }
0x19: {  	s7 =	sld [smem:$0x3F9C]  }
0x1a: {  	s8 =	sadd.s32 $0xFFFFE003, lr  }
0x1b: {  	s9 =	sadd.s32 $0xFFFFFEF7, lr;
	s5 =	simm.s32 $0xFFFFFFFF;
	p2 =	slt.u32 s8, $0xFFFFF086  }
0x1c: {  	p1 =	slt.u32 s9, $0xF7A;
	s5 =	simm.s32 @!p2 $0x0  }
0x1d: {  	s5 =	simm.s32 @p1 $0x1;
	p0 =	seq.s32 s7, s2  }
0x1e: {  	s7 =	smul.u32 @!p0 $0xF7A, s2;
	p2 =	seq.s32 @!p0 s5, $0x0  }
0x1f: {  	s9 =	smul.u32 $0xF7A, s1;
	s8 =	simm.s32 @!p0 $0x1BF5;
	p2 =	por !p2, p0  }
0x20: {  	[sflag:s8] =	ssyncset.s32 @!p0 $0xFFFFF086;
	s6 =	sadd.s32 @!p0 s3, s7;
	s7 =	simm.s32 @!p0 $0x108  }
0x21: {  	s3 =	sadd.s32 s3, s9;
	s6 =	sadd.s32 @!p0 $0x88, s6;
	s7 =	simm.s32 @p2 $0x1082  }
0x22: {  	[simem:s7], [sflag:s8] =	dma.local @!p0 [hbm:s6], $0xF7A  }
0x23: {  	s9 =	sor.u32 $0xD0000000, s2;
	s6 =	simm.s32 $0x108;
	_ =	swait.ge @!p0 [sflag:s8], $0x0  }
0x24: {  	s3 =	sadd.s32 $0x88, s3;
	s6 =	simm.s32 @!p1 $0x1082;
	[sflag:s4] =	ssyncset.s32 $0xFFFFF086  }
0x25: {  	[simem:s6], [sflag:s4] =	dma.local [hbm:s3], $0xF7A  }
0x26: {  	[smem:$0x3F9C] =	sst s1;
	(tag) =	ssettag s2;
	_ =	strace s9  }
0x27: {  	s1 =	sld [smem:$0x3FAC]  }
0x28: {  	s2 =	sld [smem:$0x3FAD]  }
0x29: {  	s4 =	sld [smem:$0x3FAF]  }
0x2a: {  	p0 =	seq.s32 s5, $0x0;
	s5 =	sld [smem:$0x3FB0]  }
0x2b: {  	s6 =	sld [smem:$0x3FB1]  }
0x2c: {  	s7 =	sld [smem:$0x3FB2]  }
0x2d: {  	s3 =	simm.s32 $0x108;
	s8 =	sld [smem:$0x3FB3]  }
0x2e: {  	s3 =	simm.s32 @!p0 $0x1082;
	s9 =	sld [smem:$0x3FB4]  }
0x2f: {  	lr =	sadd.s32 s0, s3;
	s0 =	sld [smem:$0x3FAB]  }
0x30: {  	s3 =	sld [smem:$0x3FAE]  }
0x31: {  	[smem:$0x3FB7] =	sst s10  }
0x32: {  	s10 =	sld [smem:$0x3FB5];
	_ =	sdelay $0x3  }
0x33: {  	p0 =	seq.s32 s10, $0x1;
	s10 =	sld [smem:$0x3FB7];
	_ =	sdelay $0x3  }
0x34: {  	[smem:$0x3FB7] =	sst s10  }
0x35: {  	s10 =	sld [smem:$0x3FB6];
	_ =	sdelay $0x3  }
0x36: {  	p1 =	seq.s32 s10, $0x1;
	s10 =	sld [smem:$0x3FB7];
	_ =	sdelay $0x3  }
0x37: {  	[smem:$0x3FB7] =	sst s10  }
0x38: {  	s10 =	sld [smem:$0x3FB8]  }
0x39: {  	_ = 	snop;
	(pc) =	sbr.ind lr, $3  }
0x3a: {  	_ = 	snop  }
0x3b: {  	_ = 	snop  }
0x3c: {  	p2 =	seq.s32 s10, $0x1;
	s10 =	sld [smem:$0x3FB7]  }
0x3d: {  	_ =	shalt  }
0x3e: {  	_ =	shalt  }
0x3f: {  	_ =	shalt  }
0x40: {  	_ =	shalt  }
0x41: {  	_ =	shalt  }
0x42: {  	_ =	shalt  }
0x43: {  	_ =	shalt  }
0x44: {  	_ =	shalt  }
0x45: {  	_ =	shalt  }
0x46: {  	_ =	shalt  }
0x47: {  	_ =	shalt  }
0x48: {  	_ =	shalt  }
0x49: {  	_ =	shalt  }
0x4a: {  	_ =	shalt  }
0x4b: {  	_ =	shalt  }
0x4c: {  	_ =	shalt  }
0x4d: {  	_ =	shalt  }
0x4e: {  	_ =	shalt  }
0x4f: {  	_ =	shalt  }
0x50: {  	_ =	shalt  }
0x51: {  	_ =	shalt  }
0x52: {  	_ =	shalt  }
0x53: {  	_ =	shalt  }
0x54: {  	_ =	shalt  }
0x55: {  	_ =	shalt  }
0x56: {  	_ =	shalt  }
0x57: {  	_ =	shalt  }
0x58: {  	_ =	shalt  }
0x59: {  	_ =	shalt  }
0x5a: {  	_ =	shalt  }
0x5b: {  	_ =	shalt  }
0x5c: {  	_ =	shalt  }
0x5d: {  	_ =	shalt  }
0x5e: {  	_ =	shalt  }
0x5f: {  	_ =	shalt  }
0x60: {  	_ =	shalt  }
0x61: {  	_ =	shalt  }
0x62: {  	_ =	shalt  }
0x63: {  	_ =	shalt  }
0x64: {  	_ =	shalt  }
0x65: {  	_ =	shalt  }
0x66: {  	_ =	shalt  }
0x67: {  	_ =	shalt  }
0x68: {  	_ =	shalt  }
0x69: {  	_ =	shalt  }
0x6a: {  	_ =	shalt  }
0x6b: {  	_ =	shalt  }
0x6c: {  	_ =	shalt  }
0x6d: {  	_ =	shalt  }
0x6e: {  	_ =	shalt  }
0x6f: {  	_ =	shalt  }
0x70: {  	_ =	shalt  }
0x71: {  	_ =	shalt  }
0x72: {  	_ =	shalt  }
0x73: {  	_ =	shalt  }
0x74: {  	_ =	shalt  }
0x75: {  	_ =	shalt  }
0x76: {  	_ =	shalt  }
0x77: {  	_ =	shalt  }
0x78: {  	_ =	shalt  }
0x79: {  	_ =	shalt  }
0x7a: {  	_ =	shalt  }
0x7b: {  	_ =	shalt  }
0x7c: {  	_ =	shalt  }
0x7d: {  	_ =	shalt  }
0x7e: {  	_ =	shalt  }
0x7f: {  	_ =	shalt  }
0x80: {  	_ =	shalt  }
0x81: {  	_ =	shalt  }
0x82: {  	_ =	shalt  }
0x83: {  	_ =	shalt  }
0x84: {  	_ =	shalt  }
0x85: {  	_ =	shalt  }
0x86: {  	_ =	shalt  }
0x87: {  	_ =	shalt  }
.Lfunc_end0:
.L_simem_size_0:
called_computation.1_lowered:
.L_overlay_start_0:
0x88: {  	s2 =	sld [smem:$0x3FD9]  }
0x89: {  	s3 =	sld [smem:$0x3FFE];
	_ =	sdelay $0x1  }
0x8a: {  	s1 =	srdreg.scid  }
0x8b: {  	s0 =	sand.u32 $0x1, s1  }
0x8c: {  	s17 =	sshll.u32 s0, $0xA;
	s2 =	sadd.s32 s3, s2  }
0x8d: {  	s2 =	sadd.s32 s2, s17  }
0x8e: {  	[smem:$0x3FC3] =	sst s2  }
0x8f: {  	_ = 	snop  }
0x90: {  	s2 =	sld [smem:$0x3FD0];
	(tm) =	ssettm $0x1  }
0x91: {  	s18 =	sld [smem:$0x3FFB];
	_ =	sdelay $0x3  }
0x92: {  	_ =	strace s18  }
0x93: {  	s3 =	sld [smem:$0x3FFC];
	_ =	sdelay $0x3  }
0x94: {  	_ =	strace s3  }
0x95: {  	s3 =	sld [smem:$0x3FFD];
	_ =	sdelay $0x3  }
0x96: {  	_ =	strace s3  }
0x97: {  	_ =	strace $0x8FFFFFFF  }
0x98: {  	s19 =	sld [smem:$0x3FDB];
	_ =	sdelay $0x1  }
0x99: {  	s4 =	simm.s32 $_scs_section_size  }
0x9a: {  	s5 =	simm.s32 $_size__tile_overlayer_lowered;
	s6 =	simm.s32 $_tile_overlayer_lowered  }
0x9b: {  	s22 =	simm.s32 $0x1BFF;
	s21 =	sshll.u32 s6, $0x1;
	s3 =	sadd.s32 s4, s19  }
0x9c: {  	s7 =	simm.s32 $0x0;
	s20 =	sshll.u32 s5, $0x1;
	s5 =	sadd.s32 s21, s3  }
0x9d: {  	[timem:s7], [sflag:s22] =	dma.local [hbm:s5], s20  }
0x9e: {  	_ =	swait.ge [sflag:s22], s20  }
0x9f: {  	s4 =	ssub.s32 $0x0, s20;
	[sflag:s22] =	ssyncset.done $0x0  }
0xa0: {  	[sflag:s22] =	ssyncadd.s32 s4;
	_ =	sdelay $0x1  }
0xa1: {  	s23 =	simm.s32 $0x1B8B  }
0xa2: {  	_ =	swait.ge [sflag:s23], $0x1  }
0xa3: {  	[sflag:s23] =	ssyncset.done $0x0  }
0xa4: {  	s25 =	simm.s32 $0x1B8E;
	s24 =	sld [smem:$0x3FFE];
	[sflag:s23] =	ssyncadd.s32 $0xFFFFFFFF  }
0xa5: {  	s26 =	simm.s32 $execute0_lowered;
	[smem:$0x3FD2] =	sst s25  }
0xa6: {  	s5 =	sshll.u32 s26, $0x1;
	_ =	strace $0x80000049;
	[dreg:$0x1] =	wrdreg $0xFFFFFFFF  }
0xa7: {  	s28 =	simm.s32 $_size_execute0_lowered;
	s3 =	sadd.s32 s3, s5;
	[dreg:$0x0] =	wrdreg $0x0  }
0xa8: {  	s5 =	sshll.u32 s28, $0x1;
	[dreg:$0x2] =	wrdreg s3  }
0xa9: {  	[dreg:$0x3] =	wrdreg s5  }
0xaa: {  	[dreg:$0x4] =	wrdreg $0xC0  }
0xab: {  	_ =	task [dreg:s7], $0x5FFFF  }
0xac: {  	[dreg:$0x1] =	wrdreg $0xFFFFFFFF  }
0xad: {  	[dreg:$0x0] =	wrdreg $0x60  }
0xae: {  	[dreg:$0x2] =	wrdreg s24  }
0xaf: {  	[dreg:$0x3] =	wrdreg s2  }
0xb0: {  	[dreg:$0x4] =	wrdreg $0x9  }
0xb1: {  	_ =	task.clear_ibuf [dreg:s7], $0x5FFFF;
	_ =	strace $0x90000049  }
0xb2: {  	s29 =	simm.s32 $0x9;
	_ =	strace $0x8000004B  }
0xb3: {  	_ =	swait.ge [sflag:s29], $0x1  }
0xb4: {  	[sflag:s29] =	ssyncadd.s32 $0xFFFFFFFF  }
0xb5: {  	_ =	strace $0x9000004B  }
0xb6: {  	_ =	sfence  }
0xb7: {  	s30 =	sld [smem:$0x0];
	_ =	sdelay $0x2  }
0xb8: {  	s31 =	sshll.u32 s1, $0xD;
	s1 =	sshrl.u32 s1, $0x2  }
0xb9: {  	s3 =	sand.u32 $0x4000, s31;
	s1 =	sadd.s32 s1, s30  }
0xba: {  	s0 =	sor.u32 s3, s0;
	s1 =	sshll.u32 s1, $0x11  }
0xbb: {  	s0 =	sor.u32 s1, s0  }
0xbc: {  	s0 =	sadd.s32 $0x8F2B, s0  }
0xbd: {  	[sflag:s0] =	ssyncadd.remote.s32 $0x1  }
0xbe: {  	_ =	sfence.sel $0xFFFF  }
0xbf: {  	[dreg:$0x0] =	wrdreg $0xFFFFFFFF;
	(pc) =	sbr.abs _section_cstart, $3  }
0xc0: {  	[dreg:$0x1] =	wrdreg $0xFFFFFFFF  }
0xc1: {  	_ =	task.clear_ibuf [dreg:s7], $0x2FFFF;
	_ =	strace $0x9FFFFFFF  }
0xc2: {  	(tm) =	ssettm $0x7FFFFFFF  }
0xc3: {  	_ =	shalt  }
tec
execute0_lowered:
.L_overlay_start_1:
0x0: {  	(tag) =	ssettag $0x1  }
0x1: {  	s0 =	srdreg.scid;
	s1 =	rddreg [dreg:$0x0]  }
0x2: {  	s2 =	stileid.u32;
	s4 =	rddreg [dreg:$0x1]  }
0x3: {  	s12 =	simm.s32 $0x3;
	s14 =	simm.s32 $0x100;
	s13 =	simm.s32 $0x900  }
0x4: {  	s15 =	simm.s32 $0xB100;
	s16 =	simm.s32 $0xB900;
	s10 =	simm.s32 $0xC100  }
0x5: {  	s17 =	simm.s32 $0xC900;
	s11 =	simm.s32 $0xD100;
	s18 =	simm.s32 $0xD900  }
0x6: {  	s19 =	simm.s32 $0xE100;
	s20 =	simm.s32 $0xE900;
	s21 =	simm.s32 $0xF100  }
0x7: {  	s22 =	simm.s32 $0xF900;
	s23 =	simm.s32 $0x1;
	s24 =	simm.s32 $0x2  }
0x8: {  	s25 =	simm.s32 $0x0;
	s0 =	sand.u32 $0x1, s0;
	s3 =	sshll.u32 s2, $0x7  }
0x9: {  	s2 =	simm.s32 $0x0;
	s8 =	sadd.s32 $0x101700, s1;
	s5 =	sshll.u32 s0, $0x6  }
0xa: {  	[smem:$0x7FF] =	sst s2;
	s0 =	ssub.s32 $0x2, s0;
	s5 =	sor.u32 s5, s3  }
0xb: {  	s7 =	sshrl.u32 s0, $0x1;
	s3 =	sshrl.u32 s5, $0x3;
	s5 =	sshll.u32 s5, $0x7  }
0xc: {  	_ =	strace $0x8000004A;
	s0 =	ssub.s32 s0, s7;
	s31 =	sadd.s32 s4, s5  }
0xd: {  	s6 =	sadd.s32 s3, s1;
	s0 =	smax.u32 s0, $0x1;
	[dreg:$0x5] =	wrdreg s31  }
0xe: {  	s7 =	sadd.s32 $0x101600, s1;
	s30 =	sadd.s32 $0x101000, s6;
	[dreg:$0x7] =	wrdreg s0  }
0xf: {  	v2 =	vlaneseq.u32;
	s3 =	sadd.s32 $0x101400, s1;
	s6 =	sadd.s32 $0x101200, s6;
	[dreg:$0x3] =	wrdreg s30  }
0x10: {  	vm0 =	vmmov $0xffff;
	v1 =	vshrl.u32 v2, $0x3;
	[dreg:$0x4] =	wrdreg s6;
	s6 =	sadd.s32 $0x101500, s1;
	s1 =	sadd.s32 $0x1000, s31  }
0x11: {  	v0 =	vand.u32 $0x7, v2;
	v2 =	vor.u32 $0x8, v2;
	v1 =	vmul.u32 $0x8, v1;
	s4 =	simm.s32 $0xA100;
	s5 =	simm.s32 $0xA900;
	[dreg:$0x6] =	wrdreg s1  }
.LBB2_1:
0x12: {  	s0 =	rddreg [dreg:$0x3]  }
0x13: {  	[tilespmem:s2], [sflag:$0x3] =	stream.linear.gather [hbm4b:s0+s2], $0x40, $0x38;
	[tilespmem:$0x10100] =	vst v63  }
0x14: {  	_ =	swait.ge [sflag:s12], $0x40  }
0x15: {  	[sflag:s12] =	ssyncset.done $0x0  }
0x16: {  	s1 =	simm.s32 $0x80;
	s26 =	rddreg [dreg:$0x4];
	[sflag:s12] =	ssyncadd.s32 $0xFFFFFFC0  }
0x17: {  	[tilespmem:s1], [sflag:$0x3] =	stream.linear.gather [hbm4b:s26+s2], $0x40, $0x38;
	[tilespmem:$0x10100] =	vst v63  }
0x18: {  	_ =	swait.ge [sflag:s12], $0x40  }
0x19: {  	[sflag:s12] =	ssyncset.done $0x0  }
0x1a: {  	[sflag:s12] =	ssyncadd.s32 $0xFFFFFFC0  }
0x1b: {  	v3 =	vld [tilespmem:$0x0];
	_ =	sdelay $0x4  }
0x1c: {  	v4 =	vshll.u32 v3, $0x3  }
0x1d: {  	v3 =	vand.u32 $0x7, v3;
	v4 =	vand.u32 $0xFFFFFFC0, v4  }
0x1e: {  	v3 =	vor.u32 v3, v4  }
0x1f: {  	v4 =	vperm.xlane v3, v0;
	_ =	sdelay $0x1  }
0x20: {  	v4 =	vadd.s32 v1, v4;
	_ =	sdelay $0x4  }
0x21: {  	[tilespmem:s14], [sflag:$0x1] =	stream.indirect_vreg.gather [hbm4b:s3+s2], $0x80, v4, vm0, $0xb8;
	[tilespmem:$0x10100] =	vst v63  }
0x22: {  	v3 =	vperm.xlane v3, v2  }
0x23: {  	[tilespmem:s13], [sflag:$0x1] =	stream.indirect_vreg.gather [hbm4b:s6+s2], $0x80, v4, vm0, $0xb8;
	[tilespmem:$0x10100] =	vst v63  }
0x24: {  	s28 =	simm.s32 $0x1100;
	v3 =	vadd.s32 v1, v3  }
0x25: {  	[tilespmem:s28], [sflag:$0x1] =	stream.indirect_vreg.gather [hbm4b:s7+s2], $0x80, v4, vm0, $0xb8;
	[tilespmem:$0x10100] =	vst v63  }
0x26: {  	s29 =	simm.s32 $0x1900  }
0x27: {  	[tilespmem:s29], [sflag:$0x1] =	stream.indirect_vreg.gather [hbm4b:s8+s2], $0x80, v4, vm0, $0xb8;
	[tilespmem:$0x10100] =	vst v63  }
0x28: {  	s30 =	simm.s32 $0x2100  }
0x29: {  	[tilespmem:s30], [sflag:$0x1] =	stream.indirect_vreg.gather [hbm4b:s3+s2], $0x80, v3, vm0, $0xb8;
	[tilespmem:$0x10100] =	vst v63  }
0x2a: {  	s31 =	simm.s32 $0x2900  }
0x2b: {  	[tilespmem:s31], [sflag:$0x1] =	stream.indirect_vreg.gather [hbm4b:s6+s2], $0x80, v3, vm0, $0xb8;
	[tilespmem:$0x10100] =	vst v63  }
0x2c: {  	s1 =	simm.s32 $0x3100  }
0x2d: {  	[tilespmem:s1], [sflag:$0x1] =	stream.indirect_vreg.gather [hbm4b:s7+s2], $0x80, v3, vm0, $0xb8;
	[tilespmem:$0x10100] =	vst v63  }
0x2e: {  	s9 =	simm.s32 $0x3900  }
0x2f: {  	[tilespmem:s9], [sflag:$0x1] =	stream.indirect_vreg.gather [hbm4b:s8+s2], $0x80, v3, vm0, $0xb8;
	[tilespmem:$0x10100] =	vst v63  }
0x30: {  	v3 =	vld [tilespmem:$0x10];
	_ =	sdelay $0x4  }
0x31: {  	v61 =	vshll.u32 v3, $0x3  }
0x32: {  	v3 =	vand.u32 $0x7, v3;
	v4 =	vand.u32 $0xFFFFFFC0, v61  }
0x33: {  	v3 =	vor.u32 v3, v4  }
0x34: {  	v4 =	vperm.xlane v3, v0;
	_ =	sdelay $0x1  }
0x35: {  	v4 =	vadd.s32 v1, v4;
	_ =	sdelay $0x3  }
0x36: {  	s26 =	simm.s32 $0x4100  }
0x37: {  	[tilespmem:s26], [sflag:$0x1] =	stream.indirect_vreg.gather [hbm4b:s3+s2], $0x80, v4, vm0, $0xb8;
	[tilespmem:$0x10100] =	vst v63  }
0x38: {  	s28 =	simm.s32 $0x4900;
	v3 =	vperm.xlane v3, v2  }
0x39: {  	[tilespmem:s28], [sflag:$0x1] =	stream.indirect_vreg.gather [hbm4b:s6+s2], $0x80, v4, vm0, $0xb8;
	[tilespmem:$0x10100] =	vst v63  }
0x3a: {  	s29 =	simm.s32 $0x5100;
	v3 =	vadd.s32 v1, v3  }
0x3b: {  	[tilespmem:s29], [sflag:$0x1] =	stream.indirect_vreg.gather [hbm4b:s7+s2], $0x80, v4, vm0, $0xb8;
	[tilespmem:$0x10100] =	vst v63  }
0x3c: {  	s30 =	simm.s32 $0x5900  }
0x3d: {  	[tilespmem:s30], [sflag:$0x1] =	stream.indirect_vreg.gather [hbm4b:s8+s2], $0x80, v4, vm0, $0xb8;
	[tilespmem:$0x10100] =	vst v63  }
0x3e: {  	s31 =	simm.s32 $0x6100  }
0x3f: {  	[tilespmem:s31], [sflag:$0x1] =	stream.indirect_vreg.gather [hbm4b:s3+s2], $0x80, v3, vm0, $0xb8;
	[tilespmem:$0x10100] =	vst v63  }
0x40: {  	s1 =	simm.s32 $0x6900  }
0x41: {  	[tilespmem:s1], [sflag:$0x1] =	stream.indirect_vreg.gather [hbm4b:s6+s2], $0x80, v3, vm0, $0xb8;
	[tilespmem:$0x10100] =	vst v63  }
0x42: {  	s9 =	simm.s32 $0x7100  }
0x43: {  	[tilespmem:s9], [sflag:$0x1] =	stream.indirect_vreg.gather [hbm4b:s7+s2], $0x80, v3, vm0, $0xb8;
	[tilespmem:$0x10100] =	vst v63  }
0x44: {  	s26 =	simm.s32 $0x7900  }
0x45: {  	[tilespmem:s26], [sflag:$0x1] =	stream.indirect_vreg.gather [hbm4b:s8+s2], $0x80, v3, vm0, $0xb8;
	[tilespmem:$0x10100] =	vst v63  }
0x46: {  	v3 =	vld [tilespmem:$0x80];
	_ =	sdelay $0x4  }
0x47: {  	v62 =	vshll.u32 v3, $0x3  }
0x48: {  	v3 =	vand.u32 $0x7, v3;
	v4 =	vand.u32 $0xFFFFFFC0, v62  }
0x49: {  	v3 =	vor.u32 v3, v4  }
0x4a: {  	v4 =	vperm.xlane v3, v0;
	_ =	sdelay $0x1  }
0x4b: {  	v4 =	vadd.s32 v1, v4;
	_ =	sdelay $0x3  }
0x4c: {  	s28 =	simm.s32 $0x8100  }
0x4d: {  	[tilespmem:s28], [sflag:$0x2] =	stream.indirect_vreg.gather [hbm4b:s3+s2], $0x80, v4, vm0, $0xb8;
	[tilespmem:$0x10100] =	vst v63  }
0x4e: {  	s29 =	simm.s32 $0x8900;
	v3 =	vperm.xlane v3, v2  }
0x4f: {  	[tilespmem:s29], [sflag:$0x2] =	stream.indirect_vreg.gather [hbm4b:s6+s2], $0x80, v4, vm0, $0xb8;
	[tilespmem:$0x10100] =	vst v63  }
0x50: {  	s30 =	simm.s32 $0x9100;
	v3 =	vadd.s32 v1, v3  }
0x51: {  	[tilespmem:s30], [sflag:$0x2] =	stream.indirect_vreg.gather [hbm4b:s7+s2], $0x80, v4, vm0, $0xb8;
	[tilespmem:$0x10100] =	vst v63  }
0x52: {  	s31 =	simm.s32 $0x9900  }
0x53: {  	[tilespmem:s31], [sflag:$0x2] =	stream.indirect_vreg.gather [hbm4b:s8+s2], $0x80, v4, vm0, $0xb8;
	[tilespmem:$0x10100] =	vst v63  }
0x54: {  	_ = 	snop  }
0x55: {  	[tilespmem:s4], [sflag:$0x2] =	stream.indirect_vreg.gather [hbm4b:s3+s2], $0x80, v3, vm0, $0xb8;
	[tilespmem:$0x10100] =	vst v63  }
0x56: {  	_ = 	snop  }
0x57: {  	[tilespmem:s5], [sflag:$0x2] =	stream.indirect_vreg.gather [hbm4b:s6+s2], $0x80, v3, vm0, $0xb8;
	[tilespmem:$0x10100] =	vst v63  }
0x58: {  	_ = 	snop  }
0x59: {  	[tilespmem:s15], [sflag:$0x2] =	stream.indirect_vreg.gather [hbm4b:s7+s2], $0x80, v3, vm0, $0xb8;
	[tilespmem:$0x10100] =	vst v63  }
0x5a: {  	_ = 	snop  }
0x5b: {  	[tilespmem:s16], [sflag:$0x2] =	stream.indirect_vreg.gather [hbm4b:s8+s2], $0x80, v3, vm0, $0xb8;
	[tilespmem:$0x10100] =	vst v63  }
0x5c: {  	v3 =	vld [tilespmem:$0x90];
	_ =	sdelay $0x4  }
0x5d: {  	v63 =	vshll.u32 v3, $0x3  }
0x5e: {  	v3 =	vand.u32 $0x7, v3;
	v4 =	vand.u32 $0xFFFFFFC0, v63  }
0x5f: {  	v3 =	vor.u32 v3, v4  }
0x60: {  	v4 =	vperm.xlane v3, v0;
	_ =	sdelay $0x1  }
0x61: {  	v4 =	vadd.s32 v1, v4;
	_ =	sdelay $0x4  }
0x62: {  	[tilespmem:s10], [sflag:$0x2] =	stream.indirect_vreg.gather [hbm4b:s3+s2], $0x80, v4, vm0, $0xb8;
	[tilespmem:$0x10100] =	vst v63  }
0x63: {  	v3 =	vperm.xlane v3, v2  }
0x64: {  	[tilespmem:s17], [sflag:$0x2] =	stream.indirect_vreg.gather [hbm4b:s6+s2], $0x80, v4, vm0, $0xb8;
	[tilespmem:$0x10100] =	vst v63  }
0x65: {  	v3 =	vadd.s32 v1, v3  }
0x66: {  	[tilespmem:s11], [sflag:$0x2] =	stream.indirect_vreg.gather [hbm4b:s7+s2], $0x80, v4, vm0, $0xb8;
	[tilespmem:$0x10100] =	vst v63  }
0x67: {  	_ = 	snop  }
0x68: {  	[tilespmem:s18], [sflag:$0x2] =	stream.indirect_vreg.gather [hbm4b:s8+s2], $0x80, v4, vm0, $0xb8;
	[tilespmem:$0x10100] =	vst v63  }
0x69: {  	_ = 	snop  }
0x6a: {  	[tilespmem:s19], [sflag:$0x2] =	stream.indirect_vreg.gather [hbm4b:s3+s2], $0x80, v3, vm0, $0xb8;
	[tilespmem:$0x10100] =	vst v63  }
0x6b: {  	_ = 	snop  }
0x6c: {  	[tilespmem:s20], [sflag:$0x2] =	stream.indirect_vreg.gather [hbm4b:s6+s2], $0x80, v3, vm0, $0xb8;
	[tilespmem:$0x10100] =	vst v63  }
0x6d: {  	_ = 	snop  }
0x6e: {  	[tilespmem:s21], [sflag:$0x2] =	stream.indirect_vreg.gather [hbm4b:s7+s2], $0x80, v3, vm0, $0xb8;
	[tilespmem:$0x10100] =	vst v63  }
0x6f: {  	_ = 	snop  }
0x70: {  	[tilespmem:s22], [sflag:$0x2] =	stream.indirect_vreg.gather [hbm4b:s8+s2], $0x80, v3, vm0, $0xb8;
	[tilespmem:$0x10100] =	vst v63  }
0x71: {  	_ =	swait.ge [sflag:s23], $0x8000  }
0x72: {  	[sflag:s23] =	ssyncset.done $0x0  }
0x73: {  	[sflag:s23] =	ssyncadd.s32 $0xFFFF8000  }
0x74: {  	_ =	swait.ge [sflag:s24], $0x8000  }
0x75: {  	[sflag:s24] =	ssyncset.done $0x0  }
0x76: {  	s26 =	simm.s32 $0x0;
	[sflag:s24] =	ssyncadd.s32 $0xFFFF8000  }
.LBB2_2:
0x77: {  	s1 =	sshll.u32 s26, $0xA;
	s9 =	sshll.u32 s26, $0x7  }
0x78: {  	s29 =	simm.s32 $0x0;
	s1 =	sand.u32 $0x6000, s1;
	s9 =	sand.u32 $0x380, s9  }
0x79: {  	s28 =	sor.u32 s1, s9;
	s9 =	sand.u32 $0x40, s29  }
0x7a: {  	s0 =	sand.u32 $0x1C00, s29;
	s1 =	sor.u32 s9, s28  }
0x7b: {  	s29 =	sor.u32 s0, s1  }
0x7c: {  	v3 =	vld [tilespmem:s29+$0x8100]  }
0x7d: {  	v7 =	vld [tilespmem:s29+$0x8110]  }
0x7e: {  	v8 =	vld [tilespmem:s29+$0x8120]  }
0x7f: {  	v9 =	vld [tilespmem:s29+$0x8130]  }
0x80: {  	s9 =	simm.s32 $0x40;
	v4 =	vld [tilespmem:s29+$0x100]  }
0x81: {  	s30 =	simm.s32 $0x200;
	s1 =	sand.u32 $0x40, s9;
	v10 =	vld [tilespmem:s29+$0x110]  }
0x82: {  	s0 =	sand.u32 $0x1C00, s30;
	s1 =	sor.u32 s1, s28;
	v11 =	vld [tilespmem:s29+$0x120]  }
0x83: {  	v12 =	vld [tilespmem:s29+$0x130];
	s9 =	sor.u32 s0, s1  }
0x84: {  	v6 =	vld [tilespmem:s9+$0x8100]  }
0x85: {  	v5 =	vld [tilespmem:s9+$0x8110];
	v13 =	vadd.f32 v3, v4  }
0x86: {  	v4 =	vld [tilespmem:s9+$0x8120];
	v10 =	vadd.f32 v7, v10  }
0x87: {  	v3 =	vld [tilespmem:s9+$0x8130];
	v8 =	vadd.f32 v8, v11;
	[tilespmem:s29+$0x100] =	vst v13  }
0x88: {  	s31 =	simm.s32 $0x80;
	v9 =	vadd.f32 v9, v12;
	v7 =	vld [tilespmem:s9+$0x100];
	[tilespmem:s29+$0x110] =	vst v10  }
.LBB2_3:
0x89: {  	s1 =	sand.u32 $0x40, s31;
	p0 =	sne.s32 s31, $0x3C0;
	v10 =	vld [tilespmem:s9+$0x110];
	s30 =	sadd.s32 $0x200, s30;
	[tilespmem:s29+$0x120] =	vst v8;
	v8 =	vmov v6  }
0x8a: {  	s0 =	sand.u32 $0x1C00, s30;
	s1 =	sor.u32 s1, s28;
	v11 =	vld [tilespmem:s9+$0x120];
	[tilespmem:s29+$0x130] =	vst v9;
	v9 =	vmov v5;
	s29 =	smov.u32 s9  }
0x8b: {  	s9 =	sor.u32 s0, s1;
	v12 =	vld [tilespmem:s29+$0x130];
	v13 =	vmov v4  }
.Ltmp0:
0x8c: {  	v6 =	vld [tilespmem:s9+$0x8100];
	v14 =	vmov v3;
	(pc) =	sbr.rel @p0 .LBB2_3-.Ltmp0, $4  }
0x8d: {  	v5 =	vld [tilespmem:s9+$0x8110];
	v7 =	vadd.f32 v8, v7  }
0x8e: {  	v4 =	vld [tilespmem:s9+$0x8120];
	v9 =	vadd.f32 v9, v10  }
0x8f: {  	v3 =	vld [tilespmem:s9+$0x8130];
	[tilespmem:s29+$0x100] =	vst v7;
	v8 =	vadd.f32 v13, v11  }
0x90: {  	s31 =	sadd.s32 $0x40, s31;
	v7 =	vld [tilespmem:s9+$0x100];
	[tilespmem:s29+$0x110] =	vst v9;
	v9 =	vadd.f32 v14, v12  }
0x91: {  	v10 =	vld [tilespmem:s9+$0x110];
	[tilespmem:s29+$0x120] =	vst v8  }
0x92: {  	v8 =	vld [tilespmem:s9+$0x120];
	[tilespmem:s29+$0x130] =	vst v9  }
0x93: {  	v9 =	vld [tilespmem:s9+$0x130]  }
0x94: {  	s26 =	sadd.s32 $0x1, s26  }
0x95: {  	p0 =	sne.s32 s26, $0x20;
	v6 =	vadd.f32 v6, v7  }
.Ltmp1:
0x96: {  	v5 =	vadd.f32 v5, v10;
	(pc) =	sbr.rel @p0 .LBB2_2-.Ltmp1, $4  }
0x97: {  	[tilespmem:s9+$0x100] =	vst v6;
	v4 =	vadd.f32 v4, v8  }
0x98: {  	[tilespmem:s9+$0x110] =	vst v5;
	v3 =	vadd.f32 v3, v9  }
0x99: {  	[tilespmem:s9+$0x120] =	vst v4  }
0x9a: {  	[tilespmem:s9+$0x130] =	vst v3  }
0x9b: {  	s26 =	simm.s32 $0x0;
	s0 =	rddreg [dreg:$0x5]  }
0x9c: {  	[hbm4b:s0+s26] =	stream.linear.scatter [tilespmem:s14], [sflag:$0x3], $0x8000, $0x38;
	[tilespmem:$0x10100] =	vst v63  }
0x9d: {  	_ =	swait.ge [sflag:s12], $0x8000  }
0x9e: {  	[sflag:s12] =	ssyncset.done $0x0  }
0x9f: {  	[sflag:s12] =	ssyncadd.s32 $0xFFFF8000  }
0xa0: {  	v3 =	vld [tilespmem:$0x20];
	_ =	sdelay $0x4  }
0xa1: {  	v4 =	vshll.u32 v3, $0x3  }
0xa2: {  	v3 =	vand.u32 $0x7, v3;
	v4 =	vand.u32 $0xFFFFFFC0, v4  }
0xa3: {  	v3 =	vor.u32 v3, v4  }
0xa4: {  	v4 =	vperm.xlane v3, v0;
	_ =	sdelay $0x1  }
0xa5: {  	v4 =	vadd.s32 v1, v4;
	_ =	sdelay $0x4  }
0xa6: {  	[tilespmem:s14], [sflag:$0x1] =	stream.indirect_vreg.gather [hbm4b:s3+s26], $0x80, v4, vm0, $0xb8;
	[tilespmem:$0x10100] =	vst v63  }
0xa7: {  	v3 =	vperm.xlane v3, v2  }
0xa8: {  	[tilespmem:s13], [sflag:$0x1] =	stream.indirect_vreg.gather [hbm4b:s6+s26], $0x80, v4, vm0, $0xb8;
	[tilespmem:$0x10100] =	vst v63  }
0xa9: {  	s1 =	simm.s32 $0x1100;
	v3 =	vadd.s32 v1, v3  }
0xaa: {  	[tilespmem:s1], [sflag:$0x1] =	stream.indirect_vreg.gather [hbm4b:s7+s26], $0x80, v4, vm0, $0xb8;
	[tilespmem:$0x10100] =	vst v63  }
0xab: {  	s9 =	simm.s32 $0x1900  }
0xac: {  	[tilespmem:s9], [sflag:$0x1] =	stream.indirect_vreg.gather [hbm4b:s8+s26], $0x80, v4, vm0, $0xb8;
	[tilespmem:$0x10100] =	vst v63  }
0xad: {  	s13 =	simm.s32 $0x2100  }
0xae: {  	[tilespmem:s13], [sflag:$0x1] =	stream.indirect_vreg.gather [hbm4b:s3+s26], $0x80, v3, vm0, $0xb8;
	[tilespmem:$0x10100] =	vst v63  }
0xaf: {  	s29 =	simm.s32 $0x2900  }
0xb0: {  	[tilespmem:s29], [sflag:$0x1] =	stream.indirect_vreg.gather [hbm4b:s6+s26], $0x80, v3, vm0, $0xb8;
	[tilespmem:$0x10100] =	vst v63  }
0xb1: {  	s30 =	simm.s32 $0x3100  }
0xb2: {  	[tilespmem:s30], [sflag:$0x1] =	stream.indirect_vreg.gather [hbm4b:s7+s26], $0x80, v3, vm0, $0xb8;
	[tilespmem:$0x10100] =	vst v63  }
0xb3: {  	s31 =	simm.s32 $0x3900  }
0xb4: {  	[tilespmem:s31], [sflag:$0x1] =	stream.indirect_vreg.gather [hbm4b:s8+s26], $0x80, v3, vm0, $0xb8;
	[tilespmem:$0x10100] =	vst v63  }
0xb5: {  	v3 =	vld [tilespmem:$0x30];
	_ =	sdelay $0x4  }
0xb6: {  	v61 =	vshll.u32 v3, $0x3  }
0xb7: {  	v3 =	vand.u32 $0x7, v3;
	v4 =	vand.u32 $0xFFFFFFC0, v61  }
0xb8: {  	v3 =	vor.u32 v3, v4  }
0xb9: {  	v4 =	vperm.xlane v3, v0;
	_ =	sdelay $0x1  }
0xba: {  	v4 =	vadd.s32 v1, v4;
	_ =	sdelay $0x3  }
0xbb: {  	s1 =	simm.s32 $0x4100  }
0xbc: {  	[tilespmem:s1], [sflag:$0x1] =	stream.indirect_vreg.gather [hbm4b:s3+s26], $0x80, v4, vm0, $0xb8;
	[tilespmem:$0x10100] =	vst v63  }
0xbd: {  	s9 =	simm.s32 $0x4900;
	v3 =	vperm.xlane v3, v2  }
0xbe: {  	[tilespmem:s9], [sflag:$0x1] =	stream.indirect_vreg.gather [hbm4b:s6+s26], $0x80, v4, vm0, $0xb8;
	[tilespmem:$0x10100] =	vst v63  }
0xbf: {  	s13 =	simm.s32 $0x5100;
	v3 =	vadd.s32 v1, v3  }
0xc0: {  	[tilespmem:s13], [sflag:$0x1] =	stream.indirect_vreg.gather [hbm4b:s7+s26], $0x80, v4, vm0, $0xb8;
	[tilespmem:$0x10100] =	vst v63  }
0xc1: {  	s29 =	simm.s32 $0x5900  }
0xc2: {  	[tilespmem:s29], [sflag:$0x1] =	stream.indirect_vreg.gather [hbm4b:s8+s26], $0x80, v4, vm0, $0xb8;
	[tilespmem:$0x10100] =	vst v63  }
0xc3: {  	s30 =	simm.s32 $0x6100  }
0xc4: {  	[tilespmem:s30], [sflag:$0x1] =	stream.indirect_vreg.gather [hbm4b:s3+s26], $0x80, v3, vm0, $0xb8;
	[tilespmem:$0x10100] =	vst v63  }
0xc5: {  	s31 =	simm.s32 $0x6900  }
0xc6: {  	[tilespmem:s31], [sflag:$0x1] =	stream.indirect_vreg.gather [hbm4b:s6+s26], $0x80, v3, vm0, $0xb8;
	[tilespmem:$0x10100] =	vst v63  }
0xc7: {  	s1 =	simm.s32 $0x7100  }
0xc8: {  	[tilespmem:s1], [sflag:$0x1] =	stream.indirect_vreg.gather [hbm4b:s7+s26], $0x80, v3, vm0, $0xb8;
	[tilespmem:$0x10100] =	vst v63  }
0xc9: {  	s9 =	simm.s32 $0x7900  }
0xca: {  	[tilespmem:s9], [sflag:$0x1] =	stream.indirect_vreg.gather [hbm4b:s8+s26], $0x80, v3, vm0, $0xb8;
	[tilespmem:$0x10100] =	vst v63  }
0xcb: {  	v3 =	vld [tilespmem:$0xA0];
	_ =	sdelay $0x4  }
0xcc: {  	v62 =	vshll.u32 v3, $0x3  }
0xcd: {  	v3 =	vand.u32 $0x7, v3;
	v4 =	vand.u32 $0xFFFFFFC0, v62  }
0xce: {  	v3 =	vor.u32 v3, v4  }
0xcf: {  	v4 =	vperm.xlane v3, v0;
	_ =	sdelay $0x1  }
0xd0: {  	v4 =	vadd.s32 v1, v4;
	_ =	sdelay $0x3  }
0xd1: {  	s13 =	simm.s32 $0x8100  }
0xd2: {  	[tilespmem:s13], [sflag:$0x2] =	stream.indirect_vreg.gather [hbm4b:s3+s26], $0x80, v4, vm0, $0xb8;
	[tilespmem:$0x10100] =	vst v63  }
0xd3: {  	s29 =	simm.s32 $0x8900;
	v3 =	vperm.xlane v3, v2  }
0xd4: {  	[tilespmem:s29], [sflag:$0x2] =	stream.indirect_vreg.gather [hbm4b:s6+s26], $0x80, v4, vm0, $0xb8;
	[tilespmem:$0x10100] =	vst v63  }
0xd5: {  	s30 =	simm.s32 $0x9100;
	v3 =	vadd.s32 v1, v3  }
0xd6: {  	[tilespmem:s30], [sflag:$0x2] =	stream.indirect_vreg.gather [hbm4b:s7+s26], $0x80, v4, vm0, $0xb8;
	[tilespmem:$0x10100] =	vst v63  }
0xd7: {  	s31 =	simm.s32 $0x9900  }
0xd8: {  	[tilespmem:s31], [sflag:$0x2] =	stream.indirect_vreg.gather [hbm4b:s8+s26], $0x80, v4, vm0, $0xb8;
	[tilespmem:$0x10100] =	vst v63  }
0xd9: {  	_ = 	snop  }
0xda: {  	[tilespmem:s4], [sflag:$0x2] =	stream.indirect_vreg.gather [hbm4b:s3+s26], $0x80, v3, vm0, $0xb8;
	[tilespmem:$0x10100] =	vst v63  }
0xdb: {  	_ = 	snop  }
0xdc: {  	[tilespmem:s5], [sflag:$0x2] =	stream.indirect_vreg.gather [hbm4b:s6+s26], $0x80, v3, vm0, $0xb8;
	[tilespmem:$0x10100] =	vst v63  }
0xdd: {  	_ = 	snop  }
0xde: {  	[tilespmem:s15], [sflag:$0x2] =	stream.indirect_vreg.gather [hbm4b:s7+s26], $0x80, v3, vm0, $0xb8;
	[tilespmem:$0x10100] =	vst v63  }
0xdf: {  	_ = 	snop  }
0xe0: {  	[tilespmem:s16], [sflag:$0x2] =	stream.indirect_vreg.gather [hbm4b:s8+s26], $0x80, v3, vm0, $0xb8;
	[tilespmem:$0x10100] =	vst v63  }
0xe1: {  	v3 =	vld [tilespmem:$0xB0];
	_ =	sdelay $0x4  }
0xe2: {  	v63 =	vshll.u32 v3, $0x3  }
0xe3: {  	v3 =	vand.u32 $0x7, v3;
	v4 =	vand.u32 $0xFFFFFFC0, v63  }
0xe4: {  	v3 =	vor.u32 v3, v4  }
0xe5: {  	v4 =	vperm.xlane v3, v0;
	_ =	sdelay $0x1  }
0xe6: {  	v4 =	vadd.s32 v1, v4;
	_ =	sdelay $0x4  }
0xe7: {  	[tilespmem:s10], [sflag:$0x2] =	stream.indirect_vreg.gather [hbm4b:s3+s26], $0x80, v4, vm0, $0xb8;
	[tilespmem:$0x10100] =	vst v63  }
0xe8: {  	v3 =	vperm.xlane v3, v2  }
0xe9: {  	[tilespmem:s17], [sflag:$0x2] =	stream.indirect_vreg.gather [hbm4b:s6+s26], $0x80, v4, vm0, $0xb8;
	[tilespmem:$0x10100] =	vst v63  }
0xea: {  	v3 =	vadd.s32 v1, v3  }
0xeb: {  	[tilespmem:s11], [sflag:$0x2] =	stream.indirect_vreg.gather [hbm4b:s7+s26], $0x80, v4, vm0, $0xb8;
	[tilespmem:$0x10100] =	vst v63  }
0xec: {  	_ = 	snop  }
0xed: {  	[tilespmem:s18], [sflag:$0x2] =	stream.indirect_vreg.gather [hbm4b:s8+s26], $0x80, v4, vm0, $0xb8;
	[tilespmem:$0x10100] =	vst v63  }
0xee: {  	_ = 	snop  }
0xef: {  	[tilespmem:s19], [sflag:$0x2] =	stream.indirect_vreg.gather [hbm4b:s3+s26], $0x80, v3, vm0, $0xb8;
	[tilespmem:$0x10100] =	vst v63  }
0xf0: {  	_ = 	snop  }
0xf1: {  	[tilespmem:s20], [sflag:$0x2] =	stream.indirect_vreg.gather [hbm4b:s6+s26], $0x80, v3, vm0, $0xb8;
	[tilespmem:$0x10100] =	vst v63  }
0xf2: {  	_ = 	snop  }
0xf3: {  	[tilespmem:s21], [sflag:$0x2] =	stream.indirect_vreg.gather [hbm4b:s7+s26], $0x80, v3, vm0, $0xb8;
	[tilespmem:$0x10100] =	vst v63  }
0xf4: {  	_ = 	snop  }
0xf5: {  	[tilespmem:s22], [sflag:$0x2] =	stream.indirect_vreg.gather [hbm4b:s8+s26], $0x80, v3, vm0, $0xb8;
	[tilespmem:$0x10100] =	vst v63  }
0xf6: {  	_ =	swait.ge [sflag:s23], $0x8000  }
0xf7: {  	[sflag:s23] =	ssyncset.done $0x0  }
0xf8: {  	[sflag:s23] =	ssyncadd.s32 $0xFFFF8000  }
0xf9: {  	_ =	swait.ge [sflag:s24], $0x8000  }
0xfa: {  	[sflag:s24] =	ssyncset.done $0x0  }
0xfb: {  	s28 =	simm.s32 $0x0;
	[sflag:s24] =	ssyncadd.s32 $0xFFFF8000  }
.LBB2_6:
0xfc: {  	s0 =	sshll.u32 s28, $0xA;
	s1 =	sshll.u32 s28, $0x7  }
0xfd: {  	s0 =	sand.u32 $0x6000, s0;
	s1 =	sand.u32 $0x380, s1  }
0xfe: {  	s9 =	sand.u32 $0x40, s26;
	s29 =	sor.u32 s0, s1  }
0xff: {  	s13 =	sand.u32 $0x1C00, s26;
	s0 =	sor.u32 s9, s29  }
0x100: {  	s9 =	sor.u32 s13, s0  }
0x101: {  	v3 =	vld [tilespmem:s9+$0x8100]  }
0x102: {  	v7 =	vld [tilespmem:s9+$0x8110]  }
0x103: {  	v8 =	vld [tilespmem:s9+$0x8120]  }
0x104: {  	v9 =	vld [tilespmem:s9+$0x8130]  }
0x105: {  	s1 =	simm.s32 $0x40;
	v4 =	vld [tilespmem:s9+$0x100]  }
0x106: {  	s31 =	simm.s32 $0x200;
	s0 =	sand.u32 $0x40, s1;
	v10 =	vld [tilespmem:s9+$0x110]  }
0x107: {  	s13 =	sand.u32 $0x1C00, s31;
	s0 =	sor.u32 s0, s29;
	v11 =	vld [tilespmem:s9+$0x120]  }
0x108: {  	v12 =	vld [tilespmem:s9+$0x130];
	s30 =	sor.u32 s13, s0  }
0x109: {  	v6 =	vld [tilespmem:s30+$0x8100]  }
0x10a: {  	v5 =	vld [tilespmem:s30+$0x8110];
	v13 =	vadd.f32 v3, v4  }
0x10b: {  	v4 =	vld [tilespmem:s30+$0x8120];
	v10 =	vadd.f32 v7, v10  }
0x10c: {  	v3 =	vld [tilespmem:s30+$0x8130];
	v8 =	vadd.f32 v8, v11;
	[tilespmem:s9+$0x100] =	vst v13  }
0x10d: {  	s1 =	simm.s32 $0x80;
	v9 =	vadd.f32 v9, v12;
	v7 =	vld [tilespmem:s30+$0x100];
	[tilespmem:s9+$0x110] =	vst v10  }
.LBB2_7:
0x10e: {  	s0 =	sand.u32 $0x40, s1;
	p0 =	sne.s32 s1, $0x3C0;
	v10 =	vld [tilespmem:s30+$0x110];
	s31 =	sadd.s32 $0x200, s31;
	[tilespmem:s9+$0x120] =	vst v8;
	v8 =	vmov v6  }
0x10f: {  	s13 =	sand.u32 $0x1C00, s31;
	s0 =	sor.u32 s0, s29;
	v11 =	vld [tilespmem:s30+$0x120];
	[tilespmem:s9+$0x130] =	vst v9;
	v9 =	vmov v5;
	s9 =	smov.u32 s30  }
0x110: {  	s30 =	sor.u32 s13, s0;
	v12 =	vld [tilespmem:s9+$0x130];
	v13 =	vmov v4  }
.Ltmp2:
0x111: {  	v6 =	vld [tilespmem:s30+$0x8100];
	v14 =	vmov v3;
	(pc) =	sbr.rel @p0 .LBB2_7-.Ltmp2, $4  }
0x112: {  	v5 =	vld [tilespmem:s30+$0x8110];
	v7 =	vadd.f32 v8, v7  }
0x113: {  	v4 =	vld [tilespmem:s30+$0x8120];
	v9 =	vadd.f32 v9, v10  }
0x114: {  	v3 =	vld [tilespmem:s30+$0x8130];
	[tilespmem:s9+$0x100] =	vst v7;
	v8 =	vadd.f32 v13, v11  }
0x115: {  	s1 =	sadd.s32 $0x40, s1;
	v7 =	vld [tilespmem:s30+$0x100];
	[tilespmem:s9+$0x110] =	vst v9;
	v9 =	vadd.f32 v14, v12  }
0x116: {  	v10 =	vld [tilespmem:s30+$0x110];
	[tilespmem:s9+$0x120] =	vst v8  }
0x117: {  	v8 =	vld [tilespmem:s30+$0x120];
	[tilespmem:s9+$0x130] =	vst v9  }
0x118: {  	v9 =	vld [tilespmem:s30+$0x130]  }
0x119: {  	s28 =	sadd.s32 $0x1, s28  }
0x11a: {  	p0 =	sne.s32 s28, $0x20;
	v6 =	vadd.f32 v6, v7  }
.Ltmp3:
0x11b: {  	v5 =	vadd.f32 v5, v10;
	(pc) =	sbr.rel @p0 .LBB2_6-.Ltmp3, $4  }
0x11c: {  	[tilespmem:s30+$0x100] =	vst v6;
	v4 =	vadd.f32 v4, v8  }
0x11d: {  	[tilespmem:s30+$0x110] =	vst v5;
	v3 =	vadd.f32 v3, v9  }
0x11e: {  	[tilespmem:s30+$0x120] =	vst v4  }
0x11f: {  	[tilespmem:s30+$0x130] =	vst v3  }
0x120: {  	s0 =	rddreg [dreg:$0x6]  }
0x121: {  	[hbm4b:s0+s2] =	stream.linear.scatter [tilespmem:s14], [sflag:$0x3], $0x8000, $0x38;
	[tilespmem:$0x10100] =	vst v63  }
0x122: {  	_ =	swait.ge [sflag:s12], $0x8000  }
0x123: {  	s25 =	sadd.s32 $0x1, s25;
	s31 =	rddreg [dreg:$0x7]  }
0x124: {  	p0 =	sne.s32 s25, s31  }
.Ltmp4:
0x125: {  	_ = 	snop;
	(pc) =	sbr.rel @p0 .LBB2_1-.Ltmp4, $3  }
0x126: {  	_ =	sdelay $0x1  }
0x127: {  	[sflag:s12] =	ssyncset.done $0x0  }
0x128: {  	s13 =	simm.s32 $0x900;
	[sflag:s12] =	ssyncadd.s32 $0xFFFF8000  }
0x129: {  	_ =	sfence.sel $0x180000  }
0x12a: {  	[bflag:$0x0] =	sbarrier.arrive $0xFFFF  }
0x12b: {  	_ =	strace $0x9000004A  }
0x12c: {  	s0 =	stileid.u32;
	[bflag:$0x2] =	sbarrier.arrive $0xFFFF  }
0x12d: {  	p0 =	sne.s32 s0, $0x0;
	s0 =	rddreg [dreg:$0x2]  }
0x12e: {  	s0 =	sadd.s32 @!p0 $0x100000, s0  }
0x12f: {  	[sflag:s0] =	ssyncadd.tile.s32 @!p0 $0x1;
	_ =	shalt  }
.Lfunc_end2:
_tile_overlayer_lowered:
.L_overlay_start_2:
0x130: {  	(tag) =	ssettag $0x2  }
0x131: {  	s0 =	rddreg [dreg:$0x0];
	s2 =	stileid.u32  }
0x132: {  	s1 =	rddreg [dreg:$0x1];
	p0 =	sne.s32 s2, $0x0  }
0x133: {  	s3 =	rddreg [dreg:$0x2];
	[bflag:$0x3] =	sbarrier.arrive $0xFFFF;
	s2 =	simm.s32 @!p0 $0x1C03  }
0x134: {  	[timem:s3], [sflag:s2] =	dma.local @!p0 [hbm:s0], s1  }
0x135: {  	s0 =	simm.s32 @!p0 $0x3  }
0x136: {  	_ =	swait.ge @!p0 [sflag:s0], s1  }
0x137: {  	s1 =	ssub.s32 @!p0 $0x0, s1;
	[sflag:s0] =	ssyncset.done @!p0 $0x0  }
0x138: {  	[sflag:s0] =	ssyncadd.s32 @!p0 s1  }
0x139: {  	[bflag:$0x3] =	sbarrier.arrive $0xFFFF  }
0x13a: {  	_ =	shalt  }

</sc_bundles>
